<compile_context>
chip_gen: v7x
topology: tpu7x:2x2x1
jax: 0.10.2.dev20260603
libtpu: 0.0.44.dev20260713+nightly
codegen_flags: <defaults>
</compile_context>

<pallas_src>
import jax
import jax.numpy as jnp
from jax import lax
from jax.experimental import pallas as pl
from jax.experimental.pallas import tpu as pltpu
from jax.experimental.pallas import tpu_sc as plsc

N = 10000
E = 320000
MEM = 128
EDGE_F = 16
RAW = 2 * MEM + 1 + EDGE_F
HID = RAW // 2
D = 144

NC = 2
NS = 16
NW = NC * NS
K = 24
EPT = 10080
E2 = NW * EPT
NCH = EPT // K
NP = 10016
ZR = NP // NS
CW = 8
DC = 160


def _node_proj_body(mem_ref, lu_ref, w1a_ref, w1b_ref, wt_ref, g1_ref, g2_ref):
    m = mem_ref[...]
    g1_ref[...] = (jnp.dot(m, w1a_ref[...], preferred_element_type=jnp.float32)
                   - lu_ref[...] * wt_ref[...])
    g2_ref[...] = jnp.dot(m, w1b_ref[...], preferred_element_type=jnp.float32)


def _edge_const_body(ef_ref, w1d_ref, b1_ref, c_ref):
    c_ref[...] = (jnp.dot(ef_ref[...], w1d_ref[...], preferred_element_type=jnp.float32)
                  + b1_ref[...]).astype(jnp.bfloat16)


def _sc_body(g1_hbm, g2_hbm, c_hbm, src_hbm, dst_hbm, ts_hbm, wt_hbm,
             zrow_hbm, z16_hbm, ones_hbm,
             h_out, cnt_out,
             src0, src1, src2, src3, dst0, dst1, dst2, dst3,
             g1r0, g1r1, g2r0, g2r1, cr0, cr1, hb0, hb1, ts0, ts1, wt_v,
             ones_v, h_sh, c_sh,
             isem0, isem1, isem2, isem3, gsem0, gsem1, ssem0, ssem1):
    cid = lax.axis_index("c")
    sid = lax.axis_index("s")
    pltpu.sync_copy(zrow_hbm, h_sh.at[pl.ds(sid * ZR, ZR)])
    pltpu.sync_copy(z16_hbm, c_sh.at[pl.ds(sid * ZR, ZR)])
    pltpu.sync_copy(ones_hbm, ones_v)
    pltpu.sync_copy(wt_hbm, wt_v)
    plsc.subcore_barrier()

    base = (cid * NS + sid) * EPT
    srcs = [src0, src1, src2, src3]
    dsts = [dst0, dst1, dst2, dst3]
    isems = [isem0, isem1, isem2, isem3]
    g1rs = [g1r0, g1r1]
    g2rs = [g2r0, g2r1]
    crs = [cr0, cr1]
    hbs = [hb0, hb1]
    tss = [ts0, ts1]
    gsems = [gsem0, gsem1]
    ssems = [ssem0, ssem1]

    def off_of(ch):
        return pl.multiple_of(base + ch * K, 8)

    def fetch_idx(ch, q):
        off = off_of(ch)
        pltpu.make_async_copy(src_hbm.at[pl.ds(off, K)], srcs[q], isems[q]).start()
        pltpu.make_async_copy(dst_hbm.at[pl.ds(off, K)], dsts[q], isems[q]).start()

    def wait_idx(q):
        pltpu.make_async_copy(src_hbm.at[pl.ds(0, K)], srcs[q], isems[q]).wait()
        pltpu.make_async_copy(dst_hbm.at[pl.ds(0, K)], dsts[q], isems[q]).wait()

    def issue_gathers(ch, b, q):
        off = off_of(ch)
        pltpu.make_async_copy(g1_hbm.at[srcs[q]], g1rs[b], gsems[b]).start()
        pltpu.make_async_copy(g2_hbm.at[dsts[q]], g2rs[b], gsems[b]).start()
        pltpu.make_async_copy(c_hbm.at[pl.ds(off, K)], crs[b], gsems[b]).start()
        pltpu.make_async_copy(ts_hbm.at[pl.ds(off, K)], tss[b], gsems[b]).start()

    def wait_gathers(b):
        pltpu.make_async_copy(g1_hbm.at[srcs[0]], g1rs[b], gsems[b]).wait()
        pltpu.make_async_copy(g2_hbm.at[dsts[0]], g2rs[b], gsems[b]).wait()
        pltpu.make_async_copy(c_hbm.at[pl.ds(0, K)], crs[b], gsems[b]).wait()
        pltpu.make_async_copy(ts_hbm.at[pl.ds(0, K)], tss[b], gsems[b]).wait()

    def issue_scatter(b, q):
        pltpu.make_async_copy(hbs[b], h_sh.at[srcs[q]], ssems[b]).start(add=True)
        pltpu.make_async_copy(ones_v, c_sh.at[srcs[q]], ssems[b]).start(add=True)

    def wait_scatter(b):
        pltpu.make_async_copy(hbs[b], h_sh.at[srcs[0]], ssems[b]).wait()
        pltpu.make_async_copy(ones_v, c_sh.at[srcs[0]], ssems[b]).wait()

    def compute(b):
        g1r, g2r, cr, hb, tsb = g1rs[b], g2rs[b], crs[b], hbs[b], tss[b]

        @pl.loop(0, K)
        def _row(r):
            tsv = plsc.load_gather(tsb, [jnp.full((16,), r, jnp.int32)])
            for jj in range(DC // 32):
                w32 = plsc.bitcast(cr[r, pl.ds(32 * jj, 32)], jnp.int32)
                lo = plsc.bitcast(lax.shift_left(w32, 16), jnp.float32)
                hi = plsc.bitcast(w32 & jnp.int32(-65536), jnp.float32)
                for j, cv in ((2 * jj, lo), (2 * jj + 1, hi)):
                    if j * 16 >= D:
                        continue
                    s = pl.ds(j * 16, 16)
                    hb[r, s] = jnp.maximum(
                        g1r[r, s] + g2r[r, s] + cv + tsv * wt_v[s], 0.0)

    def process(ch, b, q, qn, qf, cond_next, cond_scat, cond_fetch):
        @pl.when(cond_next)
        def _():
            wait_idx(qn)
            issue_gathers(ch + 1, 1 - b, qn)
        wait_gathers(b)

        @pl.when(cond_scat)
        def _():
            wait_scatter(b)

        @pl.when(cond_fetch)
        def _():
            fetch_idx(ch + 2, qf)
        compute(b)
        issue_scatter(b, q)

    true_ = jnp.bool_(True)
    fetch_idx(0, 0)
    fetch_idx(1, 1)
    wait_idx(0)
    issue_gathers(0, 0, 0)

    @pl.loop(0, NCH // 4)
    def _grp(g):
        ch0 = g * 4
        not_last = g < NCH // 4 - 1
        not_first = g > 0
        process(ch0 + 0, 0, 0, 1, 2, true_, not_first, true_)
        process(ch0 + 1, 1, 1, 2, 3, true_, not_first, true_)
        process(ch0 + 2, 0, 2, 3, 0, true_, true_, not_last)
        process(ch0 + 3, 1, 3, 0, 1, not_last, true_, not_last)

    wait_scatter(0)
    wait_scatter(1)

    plsc.subcore_barrier()
    pltpu.sync_copy(h_sh.at[pl.ds(sid * ZR, ZR)], h_out.at[cid, pl.ds(sid * ZR, ZR)])
    pltpu.sync_copy(c_sh.at[pl.ds(sid * ZR, ZR)], cnt_out.at[cid, pl.ds(sid * ZR, ZR)])


def _finish_body(hs_ref, cs_ref, mem_ref, w2_ref, b2_ref, wih_ref, whh_ref,
                 bih_ref, bhh_ref, out_ref):
    hsum = hs_ref[0] + hs_ref[1]
    cnt = cs_ref[0, :, 0:1] + cs_ref[1, :, 0:1]
    mean = hsum / jnp.maximum(cnt, 1.0)
    agg = jnp.dot(mean, w2_ref[...], preferred_element_type=jnp.float32) + b2_ref[...]
    m = mem_ref[...]
    gi = jnp.dot(agg, wih_ref[...], preferred_element_type=jnp.float32) + bih_ref[...]
    gh = jnp.dot(m, whh_ref[...], preferred_element_type=jnp.float32) + bhh_ref[...]
    r = jax.nn.sigmoid(gi[:, :MEM] + gh[:, :MEM])
    z = jax.nn.sigmoid(gi[:, MEM:2 * MEM] + gh[:, MEM:2 * MEM])
    n = jnp.tanh(gi[:, 2 * MEM:] + r * gh[:, 2 * MEM:])
    new = (1.0 - z) * n + z * m
    out_ref[...] = jnp.where(cnt > 0.0, new, m)


def kernel(sources, destinations, timestamps, edge_features, memory, last_update,
           W1, b1, W2, b2, W_ih, W_hh, b_ih, b_hh):
    f32 = jnp.float32
    pad = lambda w: jnp.pad(w, ((0, 0), (0, D - HID)))
    w1a = pad(W1[:MEM])
    w1b = pad(W1[MEM:2 * MEM])
    wt = pad(W1[2 * MEM:2 * MEM + 1])
    w1d = pad(W1[2 * MEM + 1:])
    w2p = jnp.pad(W2, ((0, D - HID), (0, 0)))
    lu = last_update[:, None]
    src_p = jnp.pad(sources, (0, E2 - E), constant_values=N)
    dst_p = jnp.pad(destinations, (0, E2 - E), constant_values=N)
    ts_p = jnp.pad(timestamps, (0, E2 - E))
    wt_row = wt[0]
    perm = []
    for grp in range(DC // 32):
        for i in range(16):
            perm.extend((32 * grp + i, 32 * grp + 16 + i))
    pad160 = lambda w: jnp.pad(w, ((0, 0), (0, DC - HID)))
    w1d_bf = pad160(W1[2 * MEM + 1:])[:, jnp.array(perm)]
    b1_bf = pad160(b1[None, :])[:, jnp.array(perm)]

    BN = 2000
    g1, g2 = pl.pallas_call(
        _node_proj_body,
        grid=(N // BN,),
        in_specs=[
            pl.BlockSpec((BN, MEM), lambda i: (i, 0)),
            pl.BlockSpec((BN, 1), lambda i: (i, 0)),
            pl.BlockSpec((MEM, D), lambda i: (0, 0)),
            pl.BlockSpec((MEM, D), lambda i: (0, 0)),
            pl.BlockSpec((1, D), lambda i: (0, 0)),
        ],
        out_specs=[pl.BlockSpec((BN, D), lambda i: (i, 0)),
                   pl.BlockSpec((BN, D), lambda i: (i, 0))],
        out_shape=[jax.ShapeDtypeStruct((NP, D), f32),
                   jax.ShapeDtypeStruct((NP, D), f32)],
    )(memory, lu, w1a, w1b, wt)

    BE = 8000
    c = pl.pallas_call(
        _edge_const_body,
        grid=(E // BE,),
        in_specs=[
            pl.BlockSpec((BE, EDGE_F), lambda i: (i, 0)),
            pl.BlockSpec((EDGE_F, DC), lambda i: (0, 0)),
            pl.BlockSpec((1, DC), lambda i: (0, 0)),
        ],
        out_specs=pl.BlockSpec((BE, DC), lambda i: (i, 0)),
        out_shape=jax.ShapeDtypeStruct((E2, DC), jnp.bfloat16),
    )(edge_features, w1d_bf, b1_bf)

    zrow = jnp.zeros((ZR, D), f32)
    z16 = jnp.zeros((ZR, CW), f32)
    ones = jnp.ones((K, CW), f32)

    mesh = plsc.VectorSubcoreMesh(core_axis_name="c", subcore_axis_name="s")
    hs, cs = pl.kernel(
        _sc_body,
        out_type=[jax.ShapeDtypeStruct((NC, NP, D), f32),
                  jax.ShapeDtypeStruct((NC, NP, CW), f32)],
        mesh=mesh,
        compiler_params=pltpu.CompilerParams(use_tc_tiling_on_sc=False, needs_layout_passes=False),
        scratch_types=[
            pltpu.VMEM((K,), jnp.int32), pltpu.VMEM((K,), jnp.int32),
            pltpu.VMEM((K,), jnp.int32), pltpu.VMEM((K,), jnp.int32),
            pltpu.VMEM((K,), jnp.int32), pltpu.VMEM((K,), jnp.int32),
            pltpu.VMEM((K,), jnp.int32), pltpu.VMEM((K,), jnp.int32),
            pltpu.VMEM((K, D), f32), pltpu.VMEM((K, D), f32),
            pltpu.VMEM((K, D), f32), pltpu.VMEM((K, D), f32),
            pltpu.VMEM((K, DC), jnp.bfloat16), pltpu.VMEM((K, DC), jnp.bfloat16),
            pltpu.VMEM((K, D), f32), pltpu.VMEM((K, D), f32),
            pltpu.VMEM((K,), f32), pltpu.VMEM((K,), f32),
            pltpu.VMEM((D,), f32),
            pltpu.VMEM((K, CW), f32),
            pltpu.VMEM_SHARED((NP, D), f32),
            pltpu.VMEM_SHARED((NP, CW), f32),
            pltpu.SemaphoreType.DMA, pltpu.SemaphoreType.DMA,
            pltpu.SemaphoreType.DMA, pltpu.SemaphoreType.DMA,
            pltpu.SemaphoreType.DMA, pltpu.SemaphoreType.DMA,
            pltpu.SemaphoreType.DMA, pltpu.SemaphoreType.DMA,
        ],
    )(g1, g2, c, src_p, dst_p, ts_p, wt_row, zrow, z16, ones)

    BF = 2000
    out = pl.pallas_call(
        _finish_body,
        grid=(N // BF,),
        in_specs=[
            pl.BlockSpec((NC, BF, D), lambda i: (0, i, 0)),
            pl.BlockSpec((NC, BF, CW), lambda i: (0, i, 0)),
            pl.BlockSpec((BF, MEM), lambda i: (i, 0)),
            pl.BlockSpec((D, MEM), lambda i: (0, 0)),
            pl.BlockSpec((1, MEM), lambda i: (0, 0)),
            pl.BlockSpec((MEM, 3 * MEM), lambda i: (0, 0)),
            pl.BlockSpec((MEM, 3 * MEM), lambda i: (0, 0)),
            pl.BlockSpec((1, 3 * MEM), lambda i: (0, 0)),
            pl.BlockSpec((1, 3 * MEM), lambda i: (0, 0)),
        ],
        out_specs=pl.BlockSpec((BF, MEM), lambda i: (i, 0)),
        out_shape=jax.ShapeDtypeStruct((N, MEM), f32),
    )(hs, cs, memory, w2p, b2[None, :], W_ih, W_hh, b_ih[None, :], b_hh[None, :])
    return out

# --- scband reference (transcript-rebuilt; emitter-appended) ---
"""Pipeline reference for scband-tgn-62835371540982 (READ-ONLY COPY).

The authoritative reference and input builder live on the scoring server;
editing this copy changes nothing except your own understanding.
"""

import jax, jax.numpy as jnp
import numpy as np

N = 10000
E = 320000
MEM = 128
EDGE_F = 16
MSG = 128
RAW = 2 * MEM + 1 + EDGE_F  # 273 = edge_raw_message_dimension
HID = RAW // 2


def setup_inputs(seed: int = 0) -> dict:
    key = jax.random.key(seed)
    ks = jax.random.split(key, 12)
    sources = jax.random.randint(ks[0], (E,), 0, N, dtype=jnp.int32)
    destinations = jax.random.randint(ks[1], (E,), 0, N, dtype=jnp.int32)
    timestamps = jax.random.uniform(ks[2], (E,), dtype=jnp.float32) * 1000.0
    edge_features = jax.random.normal(ks[3], (E, EDGE_F), dtype=jnp.float32)
    memory = jax.random.normal(ks[4], (N, MEM), dtype=jnp.float32) * 0.1
    last_update = jax.random.uniform(ks[5], (N,), dtype=jnp.float32) * 500.0
    s1 = 1.0 / np.sqrt(RAW)
    W1 = jax.random.uniform(ks[6], (RAW, HID), minval=-s1, maxval=s1, dtype=jnp.float32)
    b1 = jnp.zeros((HID,), dtype=jnp.float32)
    s2 = 1.0 / np.sqrt(HID)
    W2 = jax.random.uniform(ks[7], (HID, MSG), minval=-s2, maxval=s2, dtype=jnp.float32)
    b2 = jnp.zeros((MSG,), dtype=jnp.float32)
    sg = 1.0 / np.sqrt(MEM)
    W_ih = jax.random.uniform(ks[8], (MSG, 3 * MEM), minval=-sg, maxval=sg, dtype=jnp.float32)
    W_hh = jax.random.uniform(ks[9], (MEM, 3 * MEM), minval=-sg, maxval=sg, dtype=jnp.float32)
    b_ih = jnp.zeros((3 * MEM,), dtype=jnp.float32)
    b_hh = jnp.zeros((3 * MEM,), dtype=jnp.float32)
    return {
        'sources': sources, 'destinations': destinations,
        'timestamps': timestamps, 'edge_features': edge_features,
        'memory': memory, 'last_update': last_update,
        'W1': W1, 'b1': b1, 'W2': W2, 'b2': b2,
        'W_ih': W_ih, 'W_hh': W_hh, 'b_ih': b_ih, 'b_hh': b_hh,
    }


def reference(sources, destinations, timestamps, edge_features, memory, last_update,
              W1, b1, W2, b2, W_ih, W_hh, b_ih, b_hh):
    # 1. Build edge raw messages: (src_memory, dst_memory, delta_time, edge_features)
    src_mem = jnp.take(memory, sources, axis=0)
    dst_mem = jnp.take(memory, destinations, axis=0)
    delta_t = timestamps - jnp.take(last_update, sources, axis=0)
    raw_msg = jnp.concatenate([src_mem, dst_mem, delta_t[:, None], edge_features], axis=1)
    # 2. MessageFunctionMLP
    h = jax.nn.relu(raw_msg @ W1 + b1)
    msg = h @ W2 + b2
    # 3. MeanMessageAggregator: mean of messages per source node
    sums = jax.ops.segment_sum(msg, sources, num_segments=N)
    cnt = jax.ops.segment_sum(jnp.ones((E,), dtype=jnp.float32), sources, num_segments=N)
    agg = sums / jnp.maximum(cnt, 1.0)[:, None]
    # 4. MemoryUpdaterGRU (GRUCell: input=aggregated message, hidden=memory)
    gi = agg @ W_ih + b_ih
    gh = memory @ W_hh + b_hh
    i_r, i_z, i_n = jnp.split(gi, 3, axis=1)
    h_r, h_z, h_n = jnp.split(gh, 3, axis=1)
    r = jax.nn.sigmoid(i_r + h_r)
    z = jax.nn.sigmoid(i_z + h_z)
    n = jnp.tanh(i_n + r * h_n)
    new_mem = (1.0 - z) * n + z * memory
    # Only nodes with at least one message get updated
    has_msg = (cnt > 0.0)[:, None]
    return jnp.where(has_msg, new_mem, memory)

if __name__ == "__main__":
    import jax
    _d = setup_inputs()
    print(jax.jit(kernel)(*tuple(_d.values())))

</pallas_src>

<mosaic_0001>
#map = affine_map<(d0, d1) -> (0, 0)>
#map1 = affine_map<(d0, d1) -> (0)>
#map2 = affine_map<(d0, d1) -> (0, 0, 0)>
module attributes {stable_mosaic.version = 14 : i64} {
  func.func @_sc_body(%arg0: i32, %arg1: i32, %arg2: memref<10016x144xf32, #tpu.memory_space<hbm>>, %arg3: memref<10016x144xf32, #tpu.memory_space<hbm>>, %arg4: memref<322560x160xbf16, #tpu.memory_space<hbm>>, %arg5: memref<322560xi32, #tpu.memory_space<hbm>>, %arg6: memref<322560xi32, #tpu.memory_space<hbm>>, %arg7: memref<322560xf32, #tpu.memory_space<hbm>>, %arg8: memref<144xf32, #tpu.memory_space<hbm>>, %arg9: memref<626x144xf32, #tpu.memory_space<hbm>>, %arg10: memref<626x8xf32, #tpu.memory_space<hbm>>, %arg11: memref<24x8xf32, #tpu.memory_space<hbm>>, %arg12: memref<2x10016x144xf32, #tpu.memory_space<hbm>>, %arg13: memref<2x10016x8xf32, #tpu.memory_space<hbm>>, %arg14: memref<24xi32, #tpu.memory_space<vmem>>, %arg15: memref<24xi32, #tpu.memory_space<vmem>>, %arg16: memref<24xi32, #tpu.memory_space<vmem>>, %arg17: memref<24xi32, #tpu.memory_space<vmem>>, %arg18: memref<24xi32, #tpu.memory_space<vmem>>, %arg19: memref<24xi32, #tpu.memory_space<vmem>>, %arg20: memref<24xi32, #tpu.memory_space<vmem>>, %arg21: memref<24xi32, #tpu.memory_space<vmem>>, %arg22: memref<24x144xf32, #tpu.memory_space<vmem>>, %arg23: memref<24x144xf32, #tpu.memory_space<vmem>>, %arg24: memref<24x144xf32, #tpu.memory_space<vmem>>, %arg25: memref<24x144xf32, #tpu.memory_space<vmem>>, %arg26: memref<24x160xbf16, #tpu.memory_space<vmem>>, %arg27: memref<24x160xbf16, #tpu.memory_space<vmem>>, %arg28: memref<24x144xf32, #tpu.memory_space<vmem>>, %arg29: memref<24x144xf32, #tpu.memory_space<vmem>>, %arg30: memref<24xf32, #tpu.memory_space<vmem>>, %arg31: memref<24xf32, #tpu.memory_space<vmem>>, %arg32: memref<144xf32, #tpu.memory_space<vmem>>, %arg33: memref<24x8xf32, #tpu.memory_space<vmem>>, %arg34: memref<10016x144xf32, #tpu.memory_space<vmem_shared>>, %arg35: memref<10016x8xf32, #tpu.memory_space<vmem_shared>>, %arg36: memref<!tpu.dma_semaphore, #tpu.memory_space<semaphore_mem>>, %arg37: memref<!tpu.dma_semaphore, #tpu.memory_space<semaphore_mem>>, %arg38: memref<!tpu.dma_semaphore, #tpu.memory_space<semaphore_mem>>, %arg39: memref<!tpu.dma_semaphore, #tpu.memory_space<semaphore_mem>>, %arg40: memref<!tpu.dma_semaphore, #tpu.memory_space<semaphore_mem>>, %arg41: memref<!tpu.dma_semaphore, #tpu.memory_space<semaphore_mem>>, %arg42: memref<!tpu.dma_semaphore, #tpu.memory_space<semaphore_mem>>, %arg43: memref<!tpu.dma_semaphore, #tpu.memory_space<semaphore_mem>>) attributes {dimension_semantics = [#tpu.dimension_semantics<core_parallel>, #tpu.dimension_semantics<subcore_parallel>], iteration_bounds = array<i64: 2, 16>, scalar_prefetch = 0 : i64, scratch_operands = 30 : i64, tpu.core_type = #tpu.core_type<sc_vector_subcore>, window_params = [{transform_indices = #map}, {transform_indices = #map}, {transform_indices = #map}, {transform_indices = #map1}, {transform_indices = #map1}, {transform_indices = #map1}, {transform_indices = #map1}, {transform_indices = #map}, {transform_indices = #map}, {transform_indices = #map}, {transform_indices = #map2}, {transform_indices = #map2}]} {
    %mul3A = arith.constant 626 : i32
    %mul3A_0 = arith.muli %arg1, %mul3A : i32
    "tpu.region"() ({
      %run_scoped3A = tpu.sem_alloc : memref<!tpu.dma_semaphore, #tpu.memory_space<semaphore_mem>>
      %dma_start3A_67 = arith.constant 0 : i32
      %dma_start3A_68 = tpu.memref_slice %arg34[%mul3A_0, %dma_start3A_67] : memref<10016x144xf32, #tpu.memory_space<vmem_shared>> -> memref<626x144xf32, #tpu.memory_space<vmem_shared>>
      tpu.enqueue_dma source(%arg9 : memref<626x144xf32, #tpu.memory_space<hbm>>) target(%dma_start3A_68 : memref<626x144xf32, #tpu.memory_space<vmem_shared>>) target_semaphore(%run_scoped3A : memref<!tpu.dma_semaphore, #tpu.memory_space<semaphore_mem>>)
      %dma_wait3A_69 = arith.constant 0 : i32
      %dma_wait3A_70 = tpu.memref_slice %arg34[%mul3A_0, %dma_wait3A_69] : memref<10016x144xf32, #tpu.memory_space<vmem_shared>> -> memref<626x144xf32, #tpu.memory_space<vmem_shared>>
      tpu.wait_dma2 semaphore(%run_scoped3A : memref<!tpu.dma_semaphore, #tpu.memory_space<semaphore_mem>>) src(%arg9 : memref<626x144xf32, #tpu.memory_space<hbm>>) dst(%dma_wait3A_70 : memref<626x144xf32, #tpu.memory_space<vmem_shared>>)
      tpu.yield
    }) : () -> ()
    %mul3A_1 = arith.constant 626 : i32
    %mul3A_2 = arith.muli %arg1, %mul3A_1 : i32
    "tpu.region"() ({
      %run_scoped3A = tpu.sem_alloc : memref<!tpu.dma_semaphore, #tpu.memory_space<semaphore_mem>>
      %dma_start3A_67 = arith.constant 0 : i32
      %dma_start3A_68 = tpu.memref_slice %arg35[%mul3A_2, %dma_start3A_67] : memref<10016x8xf32, #tpu.memory_space<vmem_shared>> -> memref<626x8xf32, #tpu.memory_space<vmem_shared>>
      tpu.enqueue_dma source(%arg10 : memref<626x8xf32, #tpu.memory_space<hbm>>) target(%dma_start3A_68 : memref<626x8xf32, #tpu.memory_space<vmem_shared>>) target_semaphore(%run_scoped3A : memref<!tpu.dma_semaphore, #tpu.memory_space<semaphore_mem>>)
      %dma_wait3A_69 = arith.constant 0 : i32
      %dma_wait3A_70 = tpu.memref_slice %arg35[%mul3A_2, %dma_wait3A_69] : memref<10016x8xf32, #tpu.memory_space<vmem_shared>> -> memref<626x8xf32, #tpu.memory_space<vmem_shared>>
      tpu.wait_dma2 semaphore(%run_scoped3A : memref<!tpu.dma_semaphore, #tpu.memory_space<semaphore_mem>>) src(%arg10 : memref<626x8xf32, #tpu.memory_space<hbm>>) dst(%dma_wait3A_70 : memref<626x8xf32, #tpu.memory_space<vmem_shared>>)
      tpu.yield
    }) : () -> ()
    "tpu.region"() ({
      %run_scoped3A = tpu.sem_alloc : memref<!tpu.dma_semaphore, #tpu.memory_space<semaphore_mem>>
      tpu.enqueue_dma source(%arg11 : memref<24x8xf32, #tpu.memory_space<hbm>>) target(%arg33 : memref<24x8xf32, #tpu.memory_space<vmem>>) target_semaphore(%run_scoped3A : memref<!tpu.dma_semaphore, #tpu.memory_space<semaphore_mem>>)
      tpu.wait_dma2 semaphore(%run_scoped3A : memref<!tpu.dma_semaphore, #tpu.memory_space<semaphore_mem>>) src(%arg11 : memref<24x8xf32, #tpu.memory_space<hbm>>) dst(%arg33 : memref<24x8xf32, #tpu.memory_space<vmem>>)
      tpu.yield
    }) : () -> ()
    "tpu.region"() ({
      %run_scoped3A = tpu.sem_alloc : memref<!tpu.dma_semaphore, #tpu.memory_space<semaphore_mem>>
      tpu.enqueue_dma source(%arg8 : memref<144xf32, #tpu.memory_space<hbm>>) target(%arg32 : memref<144xf32, #tpu.memory_space<vmem>>) target_semaphore(%run_scoped3A : memref<!tpu.dma_semaphore, #tpu.memory_space<semaphore_mem>>)
      tpu.wait_dma2 semaphore(%run_scoped3A : memref<!tpu.dma_semaphore, #tpu.memory_space<semaphore_mem>>) src(%arg8 : memref<144xf32, #tpu.memory_space<hbm>>) dst(%arg32 : memref<144xf32, #tpu.memory_space<vmem>>)
      tpu.yield
    }) : () -> ()
    %barrier3A = arith.constant 0 : index
    tpu.barrier barrier_id(%barrier3A)
    %mul3A_3 = arith.constant 16 : i32
    %mul3A_4 = arith.muli %arg0, %mul3A_3 : i32
    %add3A = arith.addi %mul3A_4, %arg1 : i32
    %mul3A_5 = arith.constant 10080 : i32
    %mul3A_6 = arith.muli %add3A, %mul3A_5 : i32
    %add3A_7 = arith.constant 0 : i32
    %add3A_8 = arith.addi %mul3A_6, %add3A_7 : i32
    %multiple_of3A = tpu.assume_multiple %add3A_8, 8 : i32
    %dma_start3A = tpu.memref_slice %arg5[%multiple_of3A] : memref<322560xi32, #tpu.memory_space<hbm>> -> memref<24xi32, #tpu.memory_space<hbm>>
    %dma_start3A_9 = tpu.memref_slice %arg5[%multiple_of3A] : memref<322560xi32, #tpu.memory_space<hbm>> -> memref<24xi32, #tpu.memory_space<hbm>>
    tpu.enqueue_dma source(%dma_start3A_9 : memref<24xi32, #tpu.memory_space<hbm>>) target(%arg14 : memref<24xi32, #tpu.memory_space<vmem>>) target_semaphore(%arg36 : memref<!tpu.dma_semaphore, #tpu.memory_space<semaphore_mem>>)
    %dma_start3A_10 = tpu.memref_slice %arg6[%multiple_of3A] : memref<322560xi32, #tpu.memory_space<hbm>> -> memref<24xi32, #tpu.memory_space<hbm>>
    %dma_start3A_11 = tpu.memref_slice %arg6[%multiple_of3A] : memref<322560xi32, #tpu.memory_space<hbm>> -> memref<24xi32, #tpu.memory_space<hbm>>
    tpu.enqueue_dma source(%dma_start3A_11 : memref<24xi32, #tpu.memory_space<hbm>>) target(%arg18 : memref<24xi32, #tpu.memory_space<vmem>>) target_semaphore(%arg36 : memref<!tpu.dma_semaphore, #tpu.memory_space<semaphore_mem>>)
    %add3A_12 = arith.constant 24 : i32
    %add3A_13 = arith.addi %mul3A_6, %add3A_12 : i32
    %multiple_of3A_14 = tpu.assume_multiple %add3A_13, 8 : i32
    %dma_start3A_15 = tpu.memref_slice %arg5[%multiple_of3A_14] : memref<322560xi32, #tpu.memory_space<hbm>> -> memref<24xi32, #tpu.memory_space<hbm>>
    %dma_start3A_16 = tpu.memref_slice %arg5[%multiple_of3A_14] : memref<322560xi32, #tpu.memory_space<hbm>> -> memref<24xi32, #tpu.memory_space<hbm>>
    tpu.enqueue_dma source(%dma_start3A_16 : memref<24xi32, #tpu.memory_space<hbm>>) target(%arg15 : memref<24xi32, #tpu.memory_space<vmem>>) target_semaphore(%arg37 : memref<!tpu.dma_semaphore, #tpu.memory_space<semaphore_mem>>)
    %dma_start3A_17 = tpu.memref_slice %arg6[%multiple_of3A_14] : memref<322560xi32, #tpu.memory_space<hbm>> -> memref<24xi32, #tpu.memory_space<hbm>>
    %dma_start3A_18 = tpu.memref_slice %arg6[%multiple_of3A_14] : memref<322560xi32, #tpu.memory_space<hbm>> -> memref<24xi32, #tpu.memory_space<hbm>>
    tpu.enqueue_dma source(%dma_start3A_18 : memref<24xi32, #tpu.memory_space<hbm>>) target(%arg19 : memref<24xi32, #tpu.memory_space<vmem>>) target_semaphore(%arg37 : memref<!tpu.dma_semaphore, #tpu.memory_space<semaphore_mem>>)
    %dma_wait3A = arith.constant 0 : i32
    %dma_wait3A_19 = tpu.memref_slice %arg5[%dma_wait3A] : memref<322560xi32, #tpu.memory_space<hbm>> -> memref<24xi32, #tpu.memory_space<hbm>>
    %dma_wait3A_20 = arith.constant 0 : i32
    %dma_wait3A_21 = tpu.memref_slice %arg5[%dma_wait3A_20] : memref<322560xi32, #tpu.memory_space<hbm>> -> memref<24xi32, #tpu.memory_space<hbm>>
    tpu.wait_dma2 semaphore(%arg36 : memref<!tpu.dma_semaphore, #tpu.memory_space<semaphore_mem>>) src(%dma_wait3A_21 : memref<24xi32, #tpu.memory_space<hbm>>) dst(%arg14 : memref<24xi32, #tpu.memory_space<vmem>>)
    %dma_wait3A_22 = arith.constant 0 : i32
    %dma_wait3A_23 = tpu.memref_slice %arg6[%dma_wait3A_22] : memref<322560xi32, #tpu.memory_space<hbm>> -> memref<24xi32, #tpu.memory_space<hbm>>
    %dma_wait3A_24 = arith.constant 0 : i32
    %dma_wait3A_25 = tpu.memref_slice %arg6[%dma_wait3A_24] : memref<322560xi32, #tpu.memory_space<hbm>> -> memref<24xi32, #tpu.memory_space<hbm>>
    tpu.wait_dma2 semaphore(%arg36 : memref<!tpu.dma_semaphore, #tpu.memory_space<semaphore_mem>>) src(%dma_wait3A_25 : memref<24xi32, #tpu.memory_space<hbm>>) dst(%arg18 : memref<24xi32, #tpu.memory_space<vmem>>)
    %add3A_26 = arith.constant 0 : i32
    %add3A_27 = arith.addi %mul3A_6, %add3A_26 : i32
    %multiple_of3A_28 = tpu.assume_multiple %add3A_27, 8 : i32
    %dma_start3A_29 = arith.constant 0 : i32
    %dma_start3A_30 = arith.constant 0 : i32
    %dma_start3A_31 = tpu.memref_slice %arg2[%dma_start3A_29, %dma_start3A_30] : memref<10016x144xf32, #tpu.memory_space<hbm>> -> memref<10016x144xf32, #tpu.memory_space<hbm>>
    tpu.enqueue_indirect_dma source(%dma_start3A_31 : memref<10016x144xf32, #tpu.memory_space<hbm>>) target(%arg22 : memref<24x144xf32, #tpu.memory_space<vmem>>) offsets(%arg14 : memref<24xi32, #tpu.memory_space<vmem>>) semaphore(%arg40 : memref<!tpu.dma_semaphore, #tpu.memory_space<semaphore_mem>>)
    %dma_start3A_32 = arith.constant 0 : i32
    %dma_start3A_33 = arith.constant 0 : i32
    %dma_start3A_34 = tpu.memref_slice %arg3[%dma_start3A_32, %dma_start3A_33] : memref<10016x144xf32, #tpu.memory_space<hbm>> -> memref<10016x144xf32, #tpu.memory_space<hbm>>
    tpu.enqueue_indirect_dma source(%dma_start3A_34 : memref<10016x144xf32, #tpu.memory_space<hbm>>) target(%arg24 : memref<24x144xf32, #tpu.memory_space<vmem>>) offsets(%arg18 : memref<24xi32, #tpu.memory_space<vmem>>) semaphore(%arg40 : memref<!tpu.dma_semaphore, #tpu.memory_space<semaphore_mem>>)
    %dma_start3A_35 = arith.constant 0 : i32
    %dma_start3A_36 = tpu.memref_slice %arg4[%multiple_of3A_28, %dma_start3A_35] : memref<322560x160xbf16, #tpu.memory_space<hbm>> -> memref<24x160xbf16, #tpu.memory_space<hbm>>
    %dma_start3A_37 = arith.constant 0 : i32
    %dma_start3A_38 = tpu.memref_slice %arg4[%multiple_of3A_28, %dma_start3A_37] : memref<322560x160xbf16, #tpu.memory_space<hbm>> -> memref<24x160xbf16, #tpu.memory_space<hbm>>
    tpu.enqueue_dma source(%dma_start3A_38 : memref<24x160xbf16, #tpu.memory_space<hbm>>) target(%arg26 : memref<24x160xbf16, #tpu.memory_space<vmem>>) target_semaphore(%arg40 : memref<!tpu.dma_semaphore, #tpu.memory_space<semaphore_mem>>)
    %dma_start3A_39 = tpu.memref_slice %arg7[%multiple_of3A_28] : memref<322560xf32, #tpu.memory_space<hbm>> -> memref<24xf32, #tpu.memory_space<hbm>>
    %dma_start3A_40 = tpu.memref_slice %arg7[%multiple_of3A_28] : memref<322560xf32, #tpu.memory_space<hbm>> -> memref<24xf32, #tpu.memory_space<hbm>>
    tpu.enqueue_dma source(%dma_start3A_40 : memref<24xf32, #tpu.memory_space<hbm>>) target(%arg30 : memref<24xf32, #tpu.memory_space<vmem>>) target_semaphore(%arg40 : memref<!tpu.dma_semaphore, #tpu.memory_space<semaphore_mem>>)
    %scan3A = arith.constant true
    %scan3A_41 = arith.constant 0 : i32
    %scan3A_42 = arith.constant 105 : i32
    %scan3A_43 = arith.addi %scan3A_41, %scan3A_42 : i32
    %scan3A_44 = arith.constant 1 : i32
    scf.for %scan3A_67 = %scan3A_41 to %scan3A_43 step %scan3A_44  : i32 {
      %mul3A_68 = arith.constant 1 : i32
      %mul3A_69 = arith.muli %scan3A_67, %mul3A_68 : i32
      %add3A_70 = arith.constant 0 : i32
      %add3A_71 = arith.addi %add3A_70, %mul3A_69 : i32
      %mul3A_72 = arith.constant 4 : i32
      %mul3A_73 = arith.muli %add3A_71, %mul3A_72 : i32
      %lt3A = arith.constant 104 : i32
      %lt3A_74 = arith.cmpi slt, %add3A_71, %lt3A : i32
      %gt3A = arith.constant 0 : i32
      %gt3A_75 = arith.cmpi sgt, %add3A_71, %gt3A : i32
      %add3A_76 = arith.constant 0 : i32
      %add3A_77 = arith.addi %mul3A_73, %add3A_76 : i32
      %convert_element_type3A = arith.extui %scan3A : i1 to i32
      %cond3A = arith.constant 0 : i32
      %cond3A_78 = arith.cmpi ne, %convert_element_type3A, %cond3A : i32
      scf.if %cond3A_78 {
        %dma_wait3A_226 = arith.constant 0 : i32
        %dma_wait3A_227 = tpu.memref_slice %arg5[%dma_wait3A_226] : memref<322560xi32, #tpu.memory_space<hbm>> -> memref<24xi32, #tpu.memory_space<hbm>>
        %dma_wait3A_228 = arith.constant 0 : i32
        %dma_wait3A_229 = tpu.memref_slice %arg5[%dma_wait3A_228] : memref<322560xi32, #tpu.memory_space<hbm>> -> memref<24xi32, #tpu.memory_space<hbm>>
        tpu.wait_dma2 semaphore(%arg37 : memref<!tpu.dma_semaphore, #tpu.memory_space<semaphore_mem>>) src(%dma_wait3A_229 : memref<24xi32, #tpu.memory_space<hbm>>) dst(%arg15 : memref<24xi32, #tpu.memory_space<vmem>>)
        %dma_wait3A_230 = arith.constant 0 : i32
        %dma_wait3A_231 = tpu.memref_slice %arg6[%dma_wait3A_230] : memref<322560xi32, #tpu.memory_space<hbm>> -> memref<24xi32, #tpu.memory_space<hbm>>
        %dma_wait3A_232 = arith.constant 0 : i32
        %dma_wait3A_233 = tpu.memref_slice %arg6[%dma_wait3A_232] : memref<322560xi32, #tpu.memory_space<hbm>> -> memref<24xi32, #tpu.memory_space<hbm>>
        tpu.wait_dma2 semaphore(%arg37 : memref<!tpu.dma_semaphore, #tpu.memory_space<semaphore_mem>>) src(%dma_wait3A_233 : memref<24xi32, #tpu.memory_space<hbm>>) dst(%arg19 : memref<24xi32, #tpu.memory_space<vmem>>)
        %add3A_234 = arith.constant 1 : i32
        %add3A_235 = arith.addi %add3A_77, %add3A_234 : i32
        %mul3A_236 = arith.constant 24 : i32
        %mul3A_237 = arith.muli %add3A_235, %mul3A_236 : i32
        %add3A_238 = arith.addi %mul3A_6, %mul3A_237 : i32
        %multiple_of3A_239 = tpu.assume_multiple %add3A_238, 8 : i32
        %dma_start3A_240 = arith.constant 0 : i32
        %dma_start3A_241 = arith.constant 0 : i32
        %dma_start3A_242 = tpu.memref_slice %arg2[%dma_start3A_240, %dma_start3A_241] : memref<10016x144xf32, #tpu.memory_space<hbm>> -> memref<10016x144xf32, #tpu.memory_space<hbm>>
        tpu.enqueue_indirect_dma source(%dma_start3A_242 : memref<10016x144xf32, #tpu.memory_space<hbm>>) target(%arg23 : memref<24x144xf32, #tpu.memory_space<vmem>>) offsets(%arg15 : memref<24xi32, #tpu.memory_space<vmem>>) semaphore(%arg41 : memref<!tpu.dma_semaphore, #tpu.memory_space<semaphore_mem>>)
        %dma_start3A_243 = arith.constant 0 : i32
        %dma_start3A_244 = arith.constant 0 : i32
        %dma_start3A_245 = tpu.memref_slice %arg3[%dma_start3A_243, %dma_start3A_244] : memref<10016x144xf32, #tpu.memory_space<hbm>> -> memref<10016x144xf32, #tpu.memory_space<hbm>>
        tpu.enqueue_indirect_dma source(%dma_start3A_245 : memref<10016x144xf32, #tpu.memory_space<hbm>>) target(%arg25 : memref<24x144xf32, #tpu.memory_space<vmem>>) offsets(%arg19 : memref<24xi32, #tpu.memory_space<vmem>>) semaphore(%arg41 : memref<!tpu.dma_semaphore, #tpu.memory_space<semaphore_mem>>)
        %dma_start3A_246 = arith.constant 0 : i32
        %dma_start3A_247 = tpu.memref_slice %arg4[%multiple_of3A_239, %dma_start3A_246] : memref<322560x160xbf16, #tpu.memory_space<hbm>> -> memref<24x160xbf16, #tpu.memory_space<hbm>>
        %dma_start3A_248 = arith.constant 0 : i32
        %dma_start3A_249 = tpu.memref_slice %arg4[%multiple_of3A_239, %dma_start3A_248] : memref<322560x160xbf16, #tpu.memory_space<hbm>> -> memref<24x160xbf16, #tpu.memory_space<hbm>>
        tpu.enqueue_dma source(%dma_start3A_249 : memref<24x160xbf16, #tpu.memory_space<hbm>>) target(%arg27 : memref<24x160xbf16, #tpu.memory_space<vmem>>) target_semaphore(%arg41 : memref<!tpu.dma_semaphore, #tpu.memory_space<semaphore_mem>>)
        %dma_start3A_250 = tpu.memref_slice %arg7[%multiple_of3A_239] : memref<322560xf32, #tpu.memory_space<hbm>> -> memref<24xf32, #tpu.memory_space<hbm>>
        %dma_start3A_251 = tpu.memref_slice %arg7[%multiple_of3A_239] : memref<322560xf32, #tpu.memory_space<hbm>> -> memref<24xf32, #tpu.memory_space<hbm>>
        tpu.enqueue_dma source(%dma_start3A_251 : memref<24xf32, #tpu.memory_space<hbm>>) target(%arg31 : memref<24xf32, #tpu.memory_space<vmem>>) target_semaphore(%arg41 : memref<!tpu.dma_semaphore, #tpu.memory_space<semaphore_mem>>)
      } else {
      }
      %dma_wait3A_79 = arith.constant 0 : i32
      %dma_wait3A_80 = arith.constant 0 : i32
      %dma_wait3A_81 = tpu.memref_slice %arg2[%dma_wait3A_79, %dma_wait3A_80] : memref<10016x144xf32, #tpu.memory_space<hbm>> -> memref<10016x144xf32, #tpu.memory_space<hbm>>
      tpu.wait_indirect_dma semaphore(%arg40 : memref<!tpu.dma_semaphore, #tpu.memory_space<semaphore_mem>>) src(%dma_wait3A_81 : memref<10016x144xf32, #tpu.memory_space<hbm>>) dst(%arg22 : memref<24x144xf32, #tpu.memory_space<vmem>>)
      %dma_wait3A_82 = arith.constant 0 : i32
      %dma_wait3A_83 = arith.constant 0 : i32
      %dma_wait3A_84 = tpu.memref_slice %arg3[%dma_wait3A_82, %dma_wait3A_83] : memref<10016x144xf32, #tpu.memory_space<hbm>> -> memref<10016x144xf32, #tpu.memory_space<hbm>>
      tpu.wait_indirect_dma semaphore(%arg40 : memref<!tpu.dma_semaphore, #tpu.memory_space<semaphore_mem>>) src(%dma_wait3A_84 : memref<10016x144xf32, #tpu.memory_space<hbm>>) dst(%arg24 : memref<24x144xf32, #tpu.memory_space<vmem>>)
      %dma_wait3A_85 = arith.constant 0 : i32
      %dma_wait3A_86 = arith.constant 0 : i32
      %dma_wait3A_87 = tpu.memref_slice %arg4[%dma_wait3A_85, %dma_wait3A_86] : memref<322560x160xbf16, #tpu.memory_space<hbm>> -> memref<24x160xbf16, #tpu.memory_space<hbm>>
      %dma_wait3A_88 = arith.constant 0 : i32
      %dma_wait3A_89 = arith.constant 0 : i32
      %dma_wait3A_90 = tpu.memref_slice %arg4[%dma_wait3A_88, %dma_wait3A_89] : memref<322560x160xbf16, #tpu.memory_space<hbm>> -> memref<24x160xbf16, #tpu.memory_space<hbm>>
      tpu.wait_dma2 semaphore(%arg40 : memref<!tpu.dma_semaphore, #tpu.memory_space<semaphore_mem>>) src(%dma_wait3A_90 : memref<24x160xbf16, #tpu.memory_space<hbm>>) dst(%arg26 : memref<24x160xbf16, #tpu.memory_space<vmem>>)
      %dma_wait3A_91 = arith.constant 0 : i32
      %dma_wait3A_92 = tpu.memref_slice %arg7[%dma_wait3A_91] : memref<322560xf32, #tpu.memory_space<hbm>> -> memref<24xf32, #tpu.memory_space<hbm>>
      %dma_wait3A_93 = arith.constant 0 : i32
      %dma_wait3A_94 = tpu.memref_slice %arg7[%dma_wait3A_93] : memref<322560xf32, #tpu.memory_space<hbm>> -> memref<24xf32, #tpu.memory_space<hbm>>
      tpu.wait_dma2 semaphore(%arg40 : memref<!tpu.dma_semaphore, #tpu.memory_space<semaphore_mem>>) src(%dma_wait3A_94 : memref<24xf32, #tpu.memory_space<hbm>>) dst(%arg30 : memref<24xf32, #tpu.memory_space<vmem>>)
      %convert_element_type3A_95 = arith.extui %gt3A_75 : i1 to i32
      %cond3A_96 = arith.constant 0 : i32
      %cond3A_97 = arith.cmpi ne, %convert_element_type3A_95, %cond3A_96 : i32
      scf.if %cond3A_97 {
        %dma_wait3A_226 = arith.constant 0 : i32
        %dma_wait3A_227 = arith.constant 0 : i32
        %dma_wait3A_228 = tpu.memref_slice %arg34[%dma_wait3A_226, %dma_wait3A_227] : memref<10016x144xf32, #tpu.memory_space<vmem_shared>> -> memref<10016x144xf32, #tpu.memory_space<vmem_shared>>
        tpu.wait_indirect_dma semaphore(%arg42 : memref<!tpu.dma_semaphore, #tpu.memory_space<semaphore_mem>>) src(%arg28 : memref<24x144xf32, #tpu.memory_space<vmem>>) dst(%dma_wait3A_228 : memref<10016x144xf32, #tpu.memory_space<vmem_shared>>)
        %dma_wait3A_229 = arith.constant 0 : i32
        %dma_wait3A_230 = arith.constant 0 : i32
        %dma_wait3A_231 = tpu.memref_slice %arg35[%dma_wait3A_229, %dma_wait3A_230] : memref<10016x8xf32, #tpu.memory_space<vmem_shared>> -> memref<10016x8xf32, #tpu.memory_space<vmem_shared>>
        tpu.wait_indirect_dma semaphore(%arg42 : memref<!tpu.dma_semaphore, #tpu.memory_space<semaphore_mem>>) src(%arg33 : memref<24x8xf32, #tpu.memory_space<vmem>>) dst(%dma_wait3A_231 : memref<10016x8xf32, #tpu.memory_space<vmem_shared>>)
      } else {
      }
      %convert_element_type3A_98 = arith.extui %scan3A : i1 to i32
      %cond3A_99 = arith.constant 0 : i32
      %cond3A_100 = arith.cmpi ne, %convert_element_type3A_98, %cond3A_99 : i32
      scf.if %cond3A_100 {
        %add3A_226 = arith.constant 2 : i32
        %add3A_227 = arith.addi %add3A_77, %add3A_226 : i32
        %mul3A_228 = arith.constant 24 : i32
        %mul3A_229 = arith.muli %add3A_227, %mul3A_228 : i32
        %add3A_230 = arith.addi %mul3A_6, %mul3A_229 : i32
        %multiple_of3A_231 = tpu.assume_multiple %add3A_230, 8 : i32
        %dma_start3A_232 = tpu.memref_slice %arg5[%multiple_of3A_231] : memref<322560xi32, #tpu.memory_space<hbm>> -> memref<24xi32, #tpu.memory_space<hbm>>
        %dma_start3A_233 = tpu.memref_slice %arg5[%multiple_of3A_231] : memref<322560xi32, #tpu.memory_space<hbm>> -> memref<24xi32, #tpu.memory_space<hbm>>
        tpu.enqueue_dma source(%dma_start3A_233 : memref<24xi32, #tpu.memory_space<hbm>>) target(%arg16 : memref<24xi32, #tpu.memory_space<vmem>>) target_semaphore(%arg38 : memref<!tpu.dma_semaphore, #tpu.memory_space<semaphore_mem>>)
        %dma_start3A_234 = tpu.memref_slice %arg6[%multiple_of3A_231] : memref<322560xi32, #tpu.memory_space<hbm>> -> memref<24xi32, #tpu.memory_space<hbm>>
        %dma_start3A_235 = tpu.memref_slice %arg6[%multiple_of3A_231] : memref<322560xi32, #tpu.memory_space<hbm>> -> memref<24xi32, #tpu.memory_space<hbm>>
        tpu.enqueue_dma source(%dma_start3A_235 : memref<24xi32, #tpu.memory_space<hbm>>) target(%arg20 : memref<24xi32, #tpu.memory_space<vmem>>) target_semaphore(%arg38 : memref<!tpu.dma_semaphore, #tpu.memory_space<semaphore_mem>>)
      } else {
      }
      %scan3A_101 = arith.constant 0 : i32
      %scan3A_102 = arith.constant 24 : i32
      %scan3A_103 = arith.addi %scan3A_101, %scan3A_102 : i32
      %scan3A_104 = arith.constant 1 : i32
      scf.for %scan3A_226 = %scan3A_101 to %scan3A_103 step %scan3A_104  : i32 {
        %mul3A_227 = arith.constant 1 : i32
        %mul3A_228 = arith.muli %scan3A_226, %mul3A_227 : i32
        %add3A_229 = arith.constant 0 : i32
        %add3A_230 = arith.addi %add3A_229, %mul3A_228 : i32
        %broadcast_in_dim3A = vector.broadcast %add3A_230 : i32 to vector<16xi32>
        %gather3A = tpu.vector_load_idx %arg30[%broadcast_in_dim3A] : memref<24xf32, #tpu.memory_space<vmem>>[vector<16xi32>], vector<16xf32>,
        %get3A = arith.index_cast %add3A_230 : i32 to index
        %get3A_231 = arith.constant 0 : index
        %get3A_232 = tpu.vector_load %arg26[%get3A, %get3A_231] {strides = array<i32>} : memref<24x160xbf16, #tpu.memory_space<vmem>>, vector<32xbf16>,
        %bitcast3A = vector.bitcast %get3A_232 : vector<32xbf16> to vector<16xi32>
        %shift_left3A = arith.constant 16 : i32
        %shift_left3A_233 = vector.broadcast %shift_left3A : i32 to vector<16xi32>
        %shift_left3A_234 = arith.shli %bitcast3A, %shift_left3A_233 : vector<16xi32>
        %bitcast3A_235 = vector.bitcast %shift_left3A_234 : vector<16xi32> to vector<16xf32>
        %and3A = arith.constant -65536 : i32
        %and3A_236 = vector.broadcast %and3A : i32 to vector<16xi32>
        %and3A_237 = arith.andi %bitcast3A, %and3A_236 : vector<16xi32>
        %bitcast3A_238 = vector.bitcast %and3A_237 : vector<16xi32> to vector<16xf32>
        %get3A_239 = arith.index_cast %add3A_230 : i32 to index
        %get3A_240 = arith.constant 0 : index
        %get3A_241 = tpu.vector_load %arg22[%get3A_239, %get3A_240] {strides = array<i32>} : memref<24x144xf32, #tpu.memory_space<vmem>>, vector<16xf32>,
        %get3A_242 = arith.index_cast %add3A_230 : i32 to index
        %get3A_243 = arith.constant 0 : index
        %get3A_244 = tpu.vector_load %arg24[%get3A_242, %get3A_243] {strides = array<i32>} : memref<24x144xf32, #tpu.memory_space<vmem>>, vector<16xf32>,
        %add3A_245 = arith.addf %get3A_241, %get3A_244 : vector<16xf32>
        %add3A_246 = arith.addf %add3A_245, %bitcast3A_235 : vector<16xf32>
        %get3A_247 = arith.constant 0 : index
        %get3A_248 = tpu.vector_load %arg32[%get3A_247] {strides = array<i32>} : memref<144xf32, #tpu.memory_space<vmem>>, vector<16xf32>,
        %mul3A_249 = arith.mulf %gather3A, %get3A_248 : vector<16xf32>
        %add3A_250 = arith.addf %add3A_246, %mul3A_249 : vector<16xf32>
        %max3A = arith.constant 0.000000e+00 : f32
        %max3A_251 = vector.broadcast %max3A : f32 to vector<16xf32>
        %max3A_252 = arith.maximumf %add3A_250, %max3A_251 : vector<16xf32>
        %swap3A = arith.index_cast %add3A_230 : i32 to index
        %swap3A_253 = arith.constant 0 : index
        %swap3A_254 = tpu.vector_load %arg28[%swap3A, %swap3A_253] {strides = array<i32>} : memref<24x144xf32, #tpu.memory_space<vmem>>, vector<16xf32>,
        tpu.vector_store %arg28[%swap3A, %swap3A_253], %max3A_252 {strides = array<i32>} : memref<24x144xf32, #tpu.memory_space<vmem>>, vector<16xf32>,
        %get3A_255 = arith.index_cast %add3A_230 : i32 to index
        %get3A_256 = arith.constant 16 : index
        %get3A_257 = tpu.vector_load %arg22[%get3A_255, %get3A_256] {strides = array<i32>} : memref<24x144xf32, #tpu.memory_space<vmem>>, vector<16xf32>,
        %get3A_258 = arith.index_cast %add3A_230 : i32 to index
        %get3A_259 = arith.constant 16 : index
        %get3A_260 = tpu.vector_load %arg24[%get3A_258, %get3A_259] {strides = array<i32>} : memref<24x144xf32, #tpu.memory_space<vmem>>, vector<16xf32>,
        %add3A_261 = arith.addf %get3A_257, %get3A_260 : vector<16xf32>
        %add3A_262 = arith.addf %add3A_261, %bitcast3A_238 : vector<16xf32>
        %get3A_263 = arith.constant 16 : index
        %get3A_264 = tpu.vector_load %arg32[%get3A_263] {strides = array<i32>} : memref<144xf32, #tpu.memory_space<vmem>>, vector<16xf32>,
        %mul3A_265 = arith.mulf %gather3A, %get3A_264 : vector<16xf32>
        %add3A_266 = arith.addf %add3A_262, %mul3A_265 : vector<16xf32>
        %max3A_267 = arith.constant 0.000000e+00 : f32
        %max3A_268 = vector.broadcast %max3A_267 : f32 to vector<16xf32>
        %max3A_269 = arith.maximumf %add3A_266, %max3A_268 : vector<16xf32>
        %swap3A_270 = arith.index_cast %add3A_230 : i32 to index
        %swap3A_271 = arith.constant 16 : index
        %swap3A_272 = tpu.vector_load %arg28[%swap3A_270, %swap3A_271] {strides = array<i32>} : memref<24x144xf32, #tpu.memory_space<vmem>>, vector<16xf32>,
        tpu.vector_store %arg28[%swap3A_270, %swap3A_271], %max3A_269 {strides = array<i32>} : memref<24x144xf32, #tpu.memory_space<vmem>>, vector<16xf32>,
        %get3A_273 = arith.index_cast %add3A_230 : i32 to index
        %get3A_274 = arith.constant 32 : index
        %get3A_275 = tpu.vector_load %arg26[%get3A_273, %get3A_274] {strides = array<i32>} : memref<24x160xbf16, #tpu.memory_space<vmem>>, vector<32xbf16>,
        %bitcast3A_276 = vector.bitcast %get3A_275 : vector<32xbf16> to vector<16xi32>
        %shift_left3A_277 = arith.constant 16 : i32
        %shift_left3A_278 = vector.broadcast %shift_left3A_277 : i32 to vector<16xi32>
        %shift_left3A_279 = arith.shli %bitcast3A_276, %shift_left3A_278 : vector<16xi32>
        %bitcast3A_280 = vector.bitcast %shift_left3A_279 : vector<16xi32> to vector<16xf32>
        %and3A_281 = arith.constant -65536 : i32
        %and3A_282 = vector.broadcast %and3A_281 : i32 to vector<16xi32>
        %and3A_283 = arith.andi %bitcast3A_276, %and3A_282 : vector<16xi32>
        %bitcast3A_284 = vector.bitcast %and3A_283 : vector<16xi32> to vector<16xf32>
        %get3A_285 = arith.index_cast %add3A_230 : i32 to index
        %get3A_286 = arith.constant 32 : index
        %get3A_287 = tpu.vector_load %arg22[%get3A_285, %get3A_286] {strides = array<i32>} : memref<24x144xf32, #tpu.memory_space<vmem>>, vector<16xf32>,
        %get3A_288 = arith.index_cast %add3A_230 : i32 to index
        %get3A_289 = arith.constant 32 : index
        %get3A_290 = tpu.vector_load %arg24[%get3A_288, %get3A_289] {strides = array<i32>} : memref<24x144xf32, #tpu.memory_space<vmem>>, vector<16xf32>,
        %add3A_291 = arith.addf %get3A_287, %get3A_290 : vector<16xf32>
        %add3A_292 = arith.addf %add3A_291, %bitcast3A_280 : vector<16xf32>
        %get3A_293 = arith.constant 32 : index
        %get3A_294 = tpu.vector_load %arg32[%get3A_293] {strides = array<i32>} : memref<144xf32, #tpu.memory_space<vmem>>, vector<16xf32>,
        %mul3A_295 = arith.mulf %gather3A, %get3A_294 : vector<16xf32>
        %add3A_296 = arith.addf %add3A_292, %mul3A_295 : vector<16xf32>
        %max3A_297 = arith.constant 0.000000e+00 : f32
        %max3A_298 = vector.broadcast %max3A_297 : f32 to vector<16xf32>
        %max3A_299 = arith.maximumf %add3A_296, %max3A_298 : vector<16xf32>
        %swap3A_300 = arith.index_cast %add3A_230 : i32 to index
        %swap3A_301 = arith.constant 32 : index
        %swap3A_302 = tpu.vector_load %arg28[%swap3A_300, %swap3A_301] {strides = array<i32>} : memref<24x144xf32, #tpu.memory_space<vmem>>, vector<16xf32>,
        tpu.vector_store %arg28[%swap3A_300, %swap3A_301], %max3A_299 {strides = array<i32>} : memref<24x144xf32, #tpu.memory_space<vmem>>, vector<16xf32>,
        %get3A_303 = arith.index_cast %add3A_230 : i32 to index
        %get3A_304 = arith.constant 48 : index
        %get3A_305 = tpu.vector_load %arg22[%get3A_303, %get3A_304] {strides = array<i32>} : memref<24x144xf32, #tpu.memory_space<vmem>>, vector<16xf32>,
        %get3A_306 = arith.index_cast %add3A_230 : i32 to index
        %get3A_307 = arith.constant 48 : index
        %get3A_308 = tpu.vector_load %arg24[%get3A_306, %get3A_307] {strides = array<i32>} : memref<24x144xf32, #tpu.memory_space<vmem>>, vector<16xf32>,
        %add3A_309 = arith.addf %get3A_305, %get3A_308 : vector<16xf32>
        %add3A_310 = arith.addf %add3A_309, %bitcast3A_284 : vector<16xf32>
        %get3A_311 = arith.constant 48 : index
        %get3A_312 = tpu.vector_load %arg32[%get3A_311] {strides = array<i32>} : memref<144xf32, #tpu.memory_space<vmem>>, vector<16xf32>,
        %mul3A_313 = arith.mulf %gather3A, %get3A_312 : vector<16xf32>
        %add3A_314 = arith.addf %add3A_310, %mul3A_313 : vector<16xf32>
        %max3A_315 = arith.constant 0.000000e+00 : f32
        %max3A_316 = vector.broadcast %max3A_315 : f32 to vector<16xf32>
        %max3A_317 = arith.maximumf %add3A_314, %max3A_316 : vector<16xf32>
        %swap3A_318 = arith.index_cast %add3A_230 : i32 to index
        %swap3A_319 = arith.constant 48 : index
        %swap3A_320 = tpu.vector_load %arg28[%swap3A_318, %swap3A_319] {strides = array<i32>} : memref<24x144xf32, #tpu.memory_space<vmem>>, vector<16xf32>,
        tpu.vector_store %arg28[%swap3A_318, %swap3A_319], %max3A_317 {strides = array<i32>} : memref<24x144xf32, #tpu.memory_space<vmem>>, vector<16xf32>,
        %get3A_321 = arith.index_cast %add3A_230 : i32 to index
        %get3A_322 = arith.constant 64 : index
        %get3A_323 = tpu.vector_load %arg26[%get3A_321, %get3A_322] {strides = array<i32>} : memref<24x160xbf16, #tpu.memory_space<vmem>>, vector<32xbf16>,
        %bitcast3A_324 = vector.bitcast %get3A_323 : vector<32xbf16> to vector<16xi32>
        %shift_left3A_325 = arith.constant 16 : i32
        %shift_left3A_326 = vector.broadcast %shift_left3A_325 : i32 to vector<16xi32>
        %shift_left3A_327 = arith.shli %bitcast3A_324, %shift_left3A_326 : vector<16xi32>
        %bitcast3A_328 = vector.bitcast %shift_left3A_327 : vector<16xi32> to vector<16xf32>
        %and3A_329 = arith.constant -65536 : i32
        %and3A_330 = vector.broadcast %and3A_329 : i32 to vector<16xi32>
        %and3A_331 = arith.andi %bitcast3A_324, %and3A_330 : vector<16xi32>
        %bitcast3A_332 = vector.bitcast %and3A_331 : vector<16xi32> to vector<16xf32>
        %get3A_333 = arith.index_cast %add3A_230 : i32 to index
        %get3A_334 = arith.constant 64 : index
        %get3A_335 = tpu.vector_load %arg22[%get3A_333, %get3A_334] {strides = array<i32>} : memref<24x144xf32, #tpu.memory_space<vmem>>, vector<16xf32>,
        %get3A_336 = arith.index_cast %add3A_230 : i32 to index
        %get3A_337 = arith.constant 64 : index
        %get3A_338 = tpu.vector_load %arg24[%get3A_336, %get3A_337] {strides = array<i32>} : memref<24x144xf32, #tpu.memory_space<vmem>>, vector<16xf32>,
        %add3A_339 = arith.addf %get3A_335, %get3A_338 : vector<16xf32>
        %add3A_340 = arith.addf %add3A_339, %bitcast3A_328 : vector<16xf32>
        %get3A_341 = arith.constant 64 : index
        %get3A_342 = tpu.vector_load %arg32[%get3A_341] {strides = array<i32>} : memref<144xf32, #tpu.memory_space<vmem>>, vector<16xf32>,
        %mul3A_343 = arith.mulf %gather3A, %get3A_342 : vector<16xf32>
        %add3A_344 = arith.addf %add3A_340, %mul3A_343 : vector<16xf32>
        %max3A_345 = arith.constant 0.000000e+00 : f32
        %max3A_346 = vector.broadcast %max3A_345 : f32 to vector<16xf32>
        %max3A_347 = arith.maximumf %add3A_344, %max3A_346 : vector<16xf32>
        %swap3A_348 = arith.index_cast %add3A_230 : i32 to index
        %swap3A_349 = arith.constant 64 : index
        %swap3A_350 = tpu.vector_load %arg28[%swap3A_348, %swap3A_349] {strides = array<i32>} : memref<24x144xf32, #tpu.memory_space<vmem>>, vector<16xf32>,
        tpu.vector_store %arg28[%swap3A_348, %swap3A_349], %max3A_347 {strides = array<i32>} : memref<24x144xf32, #tpu.memory_space<vmem>>, vector<16xf32>,
        %get3A_351 = arith.index_cast %add3A_230 : i32 to index
        %get3A_352 = arith.constant 80 : index
        %get3A_353 = tpu.vector_load %arg22[%get3A_351, %get3A_352] {strides = array<i32>} : memref<24x144xf32, #tpu.memory_space<vmem>>, vector<16xf32>,
        %get3A_354 = arith.index_cast %add3A_230 : i32 to index
        %get3A_355 = arith.constant 80 : index
        %get3A_356 = tpu.vector_load %arg24[%get3A_354, %get3A_355] {strides = array<i32>} : memref<24x144xf32, #tpu.memory_space<vmem>>, vector<16xf32>,
        %add3A_357 = arith.addf %get3A_353, %get3A_356 : vector<16xf32>
        %add3A_358 = arith.addf %add3A_357, %bitcast3A_332 : vector<16xf32>
        %get3A_359 = arith.constant 80 : index
        %get3A_360 = tpu.vector_load %arg32[%get3A_359] {strides = array<i32>} : memref<144xf32, #tpu.memory_space<vmem>>, vector<16xf32>,
        %mul3A_361 = arith.mulf %gather3A, %get3A_360 : vector<16xf32>
        %add3A_362 = arith.addf %add3A_358, %mul3A_361 : vector<16xf32>
        %max3A_363 = arith.constant 0.000000e+00 : f32
        %max3A_364 = vector.broadcast %max3A_363 : f32 to vector<16xf32>
        %max3A_365 = arith.maximumf %add3A_362, %max3A_364 : vector<16xf32>
        %swap3A_366 = arith.index_cast %add3A_230 : i32 to index
        %swap3A_367 = arith.constant 80 : index
        %swap3A_368 = tpu.vector_load %arg28[%swap3A_366, %swap3A_367] {strides = array<i32>} : memref<24x144xf32, #tpu.memory_space<vmem>>, vector<16xf32>,
        tpu.vector_store %arg28[%swap3A_366, %swap3A_367], %max3A_365 {strides = array<i32>} : memref<24x144xf32, #tpu.memory_space<vmem>>, vector<16xf32>,
        %get3A_369 = arith.index_cast %add3A_230 : i32 to index
        %get3A_370 = arith.constant 96 : index
        %get3A_371 = tpu.vector_load %arg26[%get3A_369, %get3A_370] {strides = array<i32>} : memref<24x160xbf16, #tpu.memory_space<vmem>>, vector<32xbf16>,
        %bitcast3A_372 = vector.bitcast %get3A_371 : vector<32xbf16> to vector<16xi32>
        %shift_left3A_373 = arith.constant 16 : i32
        %shift_left3A_374 = vector.broadcast %shift_left3A_373 : i32 to vector<16xi32>
        %shift_left3A_375 = arith.shli %bitcast3A_372, %shift_left3A_374 : vector<16xi32>
        %bitcast3A_376 = vector.bitcast %shift_left3A_375 : vector<16xi32> to vector<16xf32>
        %and3A_377 = arith.constant -65536 : i32
        %and3A_378 = vector.broadcast %and3A_377 : i32 to vector<16xi32>
        %and3A_379 = arith.andi %bitcast3A_372, %and3A_378 : vector<16xi32>
        %bitcast3A_380 = vector.bitcast %and3A_379 : vector<16xi32> to vector<16xf32>
        %get3A_381 = arith.index_cast %add3A_230 : i32 to index
        %get3A_382 = arith.constant 96 : index
        %get3A_383 = tpu.vector_load %arg22[%get3A_381, %get3A_382] {strides = array<i32>} : memref<24x144xf32, #tpu.memory_space<vmem>>, vector<16xf32>,
        %get3A_384 = arith.index_cast %add3A_230 : i32 to index
        %get3A_385 = arith.constant 96 : index
        %get3A_386 = tpu.vector_load %arg24[%get3A_384, %get3A_385] {strides = array<i32>} : memref<24x144xf32, #tpu.memory_space<vmem>>, vector<16xf32>,
        %add3A_387 = arith.addf %get3A_383, %get3A_386 : vector<16xf32>
        %add3A_388 = arith.addf %add3A_387, %bitcast3A_376 : vector<16xf32>
        %get3A_389 = arith.constant 96 : index
        %get3A_390 = tpu.vector_load %arg32[%get3A_389] {strides = array<i32>} : memref<144xf32, #tpu.memory_space<vmem>>, vector<16xf32>,
        %mul3A_391 = arith.mulf %gather3A, %get3A_390 : vector<16xf32>
        %add3A_392 = arith.addf %add3A_388, %mul3A_391 : vector<16xf32>
        %max3A_393 = arith.constant 0.000000e+00 : f32
        %max3A_394 = vector.broadcast %max3A_393 : f32 to vector<16xf32>
        %max3A_395 = arith.maximumf %add3A_392, %max3A_394 : vector<16xf32>
        %swap3A_396 = arith.index_cast %add3A_230 : i32 to index
        %swap3A_397 = arith.constant 96 : index
        %swap3A_398 = tpu.vector_load %arg28[%swap3A_396, %swap3A_397] {strides = array<i32>} : memref<24x144xf32, #tpu.memory_space<vmem>>, vector<16xf32>,
        tpu.vector_store %arg28[%swap3A_396, %swap3A_397], %max3A_395 {strides = array<i32>} : memref<24x144xf32, #tpu.memory_space<vmem>>, vector<16xf32>,
        %get3A_399 = arith.index_cast %add3A_230 : i32 to index
        %get3A_400 = arith.constant 112 : index
        %get3A_401 = tpu.vector_load %arg22[%get3A_399, %get3A_400] {strides = array<i32>} : memref<24x144xf32, #tpu.memory_space<vmem>>, vector<16xf32>,
        %get3A_402 = arith.index_cast %add3A_230 : i32 to index
        %get3A_403 = arith.constant 112 : index
        %get3A_404 = tpu.vector_load %arg24[%get3A_402, %get3A_403] {strides = array<i32>} : memref<24x144xf32, #tpu.memory_space<vmem>>, vector<16xf32>,
        %add3A_405 = arith.addf %get3A_401, %get3A_404 : vector<16xf32>
        %add3A_406 = arith.addf %add3A_405, %bitcast3A_380 : vector<16xf32>
        %get3A_407 = arith.constant 112 : index
        %get3A_408 = tpu.vector_load %arg32[%get3A_407] {strides = array<i32>} : memref<144xf32, #tpu.memory_space<vmem>>, vector<16xf32>,
        %mul3A_409 = arith.mulf %gather3A, %get3A_408 : vector<16xf32>
        %add3A_410 = arith.addf %add3A_406, %mul3A_409 : vector<16xf32>
        %max3A_411 = arith.constant 0.000000e+00 : f32
        %max3A_412 = vector.broadcast %max3A_411 : f32 to vector<16xf32>
        %max3A_413 = arith.maximumf %add3A_410, %max3A_412 : vector<16xf32>
        %swap3A_414 = arith.index_cast %add3A_230 : i32 to index
        %swap3A_415 = arith.constant 112 : index
        %swap3A_416 = tpu.vector_load %arg28[%swap3A_414, %swap3A_415] {strides = array<i32>} : memref<24x144xf32, #tpu.memory_space<vmem>>, vector<16xf32>,
        tpu.vector_store %arg28[%swap3A_414, %swap3A_415], %max3A_413 {strides = array<i32>} : memref<24x144xf32, #tpu.memory_space<vmem>>, vector<16xf32>,
        %get3A_417 = arith.index_cast %add3A_230 : i32 to index
        %get3A_418 = arith.constant 128 : index
        %get3A_419 = tpu.vector_load %arg26[%get3A_417, %get3A_418] {strides = array<i32>} : memref<24x160xbf16, #tpu.memory_space<vmem>>, vector<32xbf16>,
        %bitcast3A_420 = vector.bitcast %get3A_419 : vector<32xbf16> to vector<16xi32>
        %shift_left3A_421 = arith.constant 16 : i32
        %shift_left3A_422 = vector.broadcast %shift_left3A_421 : i32 to vector<16xi32>
        %shift_left3A_423 = arith.shli %bitcast3A_420, %shift_left3A_422 : vector<16xi32>
        %bitcast3A_424 = vector.bitcast %shift_left3A_423 : vector<16xi32> to vector<16xf32>
        %and3A_425 = arith.constant -65536 : i32
        %and3A_426 = vector.broadcast %and3A_425 : i32 to vector<16xi32>
        %and3A_427 = arith.andi %bitcast3A_420, %and3A_426 : vector<16xi32>
        %bitcast3A_428 = vector.bitcast %and3A_427 : vector<16xi32> to vector<16xf32>
        %get3A_429 = arith.index_cast %add3A_230 : i32 to index
        %get3A_430 = arith.constant 128 : index
        %get3A_431 = tpu.vector_load %arg22[%get3A_429, %get3A_430] {strides = array<i32>} : memref<24x144xf32, #tpu.memory_space<vmem>>, vector<16xf32>,
        %get3A_432 = arith.index_cast %add3A_230 : i32 to index
        %get3A_433 = arith.constant 128 : index
        %get3A_434 = tpu.vector_load %arg24[%get3A_432, %get3A_433] {strides = array<i32>} : memref<24x144xf32, #tpu.memory_space<vmem>>, vector<16xf32>,
        %add3A_435 = arith.addf %get3A_431, %get3A_434 : vector<16xf32>
        %add3A_436 = arith.addf %add3A_435, %bitcast3A_424 : vector<16xf32>
        %get3A_437 = arith.constant 128 : index
        %get3A_438 = tpu.vector_load %arg32[%get3A_437] {strides = array<i32>} : memref<144xf32, #tpu.memory_space<vmem>>, vector<16xf32>,
        %mul3A_439 = arith.mulf %gather3A, %get3A_438 : vector<16xf32>
        %add3A_440 = arith.addf %add3A_436, %mul3A_439 : vector<16xf32>
        %max3A_441 = arith.constant 0.000000e+00 : f32
        %max3A_442 = vector.broadcast %max3A_441 : f32 to vector<16xf32>
        %max3A_443 = arith.maximumf %add3A_440, %max3A_442 : vector<16xf32>
        %swap3A_444 = arith.index_cast %add3A_230 : i32 to index
        %swap3A_445 = arith.constant 128 : index
        %swap3A_446 = tpu.vector_load %arg28[%swap3A_444, %swap3A_445] {strides = array<i32>} : memref<24x144xf32, #tpu.memory_space<vmem>>, vector<16xf32>,
        tpu.vector_store %arg28[%swap3A_444, %swap3A_445], %max3A_443 {strides = array<i32>} : memref<24x144xf32, #tpu.memory_space<vmem>>, vector<16xf32>,
      }
      %scan3A_105 = arith.constant 24 : i32
      %dma_start3A_106 = arith.constant 0 : i32
      %dma_start3A_107 = arith.constant 0 : i32
      %dma_start3A_108 = tpu.memref_slice %arg34[%dma_start3A_106, %dma_start3A_107] : memref<10016x144xf32, #tpu.memory_space<vmem_shared>> -> memref<10016x144xf32, #tpu.memory_space<vmem_shared>>
      tpu.enqueue_indirect_dma source(%arg28 : memref<24x144xf32, #tpu.memory_space<vmem>>) target(%dma_start3A_108 : memref<10016x144xf32, #tpu.memory_space<vmem_shared>>) offsets(%arg14 : memref<24xi32, #tpu.memory_space<vmem>>) semaphore(%arg42 : memref<!tpu.dma_semaphore, #tpu.memory_space<semaphore_mem>>) {add = true}
      %dma_start3A_109 = arith.constant 0 : i32
      %dma_start3A_110 = arith.constant 0 : i32
      %dma_start3A_111 = tpu.memref_slice %arg35[%dma_start3A_109, %dma_start3A_110] : memref<10016x8xf32, #tpu.memory_space<vmem_shared>> -> memref<10016x8xf32, #tpu.memory_space<vmem_shared>>
      tpu.enqueue_indirect_dma source(%arg33 : memref<24x8xf32, #tpu.memory_space<vmem>>) target(%dma_start3A_111 : memref<10016x8xf32, #tpu.memory_space<vmem_shared>>) offsets(%arg14 : memref<24xi32, #tpu.memory_space<vmem>>) semaphore(%arg42 : memref<!tpu.dma_semaphore, #tpu.memory_space<semaphore_mem>>) {add = true}
      %add3A_112 = arith.constant 1 : i32
      %add3A_113 = arith.addi %mul3A_73, %add3A_112 : i32
      %convert_element_type3A_114 = arith.extui %scan3A : i1 to i32
      %cond3A_115 = arith.constant 0 : i32
      %cond3A_116 = arith.cmpi ne, %convert_element_type3A_114, %cond3A_115 : i32
      scf.if %cond3A_116 {
        %dma_wait3A_226 = arith.constant 0 : i32
        %dma_wait3A_227 = tpu.memref_slice %arg5[%dma_wait3A_226] : memref<322560xi32, #tpu.memory_space<hbm>> -> memref<24xi32, #tpu.memory_space<hbm>>
        %dma_wait3A_228 = arith.constant 0 : i32
        %dma_wait3A_229 = tpu.memref_slice %arg5[%dma_wait3A_228] : memref<322560xi32, #tpu.memory_space<hbm>> -> memref<24xi32, #tpu.memory_space<hbm>>
        tpu.wait_dma2 semaphore(%arg38 : memref<!tpu.dma_semaphore, #tpu.memory_space<semaphore_mem>>) src(%dma_wait3A_229 : memref<24xi32, #tpu.memory_space<hbm>>) dst(%arg16 : memref<24xi32, #tpu.memory_space<vmem>>)
        %dma_wait3A_230 = arith.constant 0 : i32
        %dma_wait3A_231 = tpu.memref_slice %arg6[%dma_wait3A_230] : memref<322560xi32, #tpu.memory_space<hbm>> -> memref<24xi32, #tpu.memory_space<hbm>>
        %dma_wait3A_232 = arith.constant 0 : i32
        %dma_wait3A_233 = tpu.memref_slice %arg6[%dma_wait3A_232] : memref<322560xi32, #tpu.memory_space<hbm>> -> memref<24xi32, #tpu.memory_space<hbm>>
        tpu.wait_dma2 semaphore(%arg38 : memref<!tpu.dma_semaphore, #tpu.memory_space<semaphore_mem>>) src(%dma_wait3A_233 : memref<24xi32, #tpu.memory_space<hbm>>) dst(%arg20 : memref<24xi32, #tpu.memory_space<vmem>>)
        %add3A_234 = arith.constant 1 : i32
        %add3A_235 = arith.addi %add3A_113, %add3A_234 : i32
        %mul3A_236 = arith.constant 24 : i32
        %mul3A_237 = arith.muli %add3A_235, %mul3A_236 : i32
        %add3A_238 = arith.addi %mul3A_6, %mul3A_237 : i32
        %multiple_of3A_239 = tpu.assume_multiple %add3A_238, 8 : i32
        %dma_start3A_240 = arith.constant 0 : i32
        %dma_start3A_241 = arith.constant 0 : i32
        %dma_start3A_242 = tpu.memref_slice %arg2[%dma_start3A_240, %dma_start3A_241] : memref<10016x144xf32, #tpu.memory_space<hbm>> -> memref<10016x144xf32, #tpu.memory_space<hbm>>
        tpu.enqueue_indirect_dma source(%dma_start3A_242 : memref<10016x144xf32, #tpu.memory_space<hbm>>) target(%arg22 : memref<24x144xf32, #tpu.memory_space<vmem>>) offsets(%arg16 : memref<24xi32, #tpu.memory_space<vmem>>) semaphore(%arg40 : memref<!tpu.dma_semaphore, #tpu.memory_space<semaphore_mem>>)
        %dma_start3A_243 = arith.constant 0 : i32
        %dma_start3A_244 = arith.constant 0 : i32
        %dma_start3A_245 = tpu.memref_slice %arg3[%dma_start3A_243, %dma_start3A_244] : memref<10016x144xf32, #tpu.memory_space<hbm>> -> memref<10016x144xf32, #tpu.memory_space<hbm>>
        tpu.enqueue_indirect_dma source(%dma_start3A_245 : memref<10016x144xf32, #tpu.memory_space<hbm>>) target(%arg24 : memref<24x144xf32, #tpu.memory_space<vmem>>) offsets(%arg20 : memref<24xi32, #tpu.memory_space<vmem>>) semaphore(%arg40 : memref<!tpu.dma_semaphore, #tpu.memory_space<semaphore_mem>>)
        %dma_start3A_246 = arith.constant 0 : i32
        %dma_start3A_247 = tpu.memref_slice %arg4[%multiple_of3A_239, %dma_start3A_246] : memref<322560x160xbf16, #tpu.memory_space<hbm>> -> memref<24x160xbf16, #tpu.memory_space<hbm>>
        %dma_start3A_248 = arith.constant 0 : i32
        %dma_start3A_249 = tpu.memref_slice %arg4[%multiple_of3A_239, %dma_start3A_248] : memref<322560x160xbf16, #tpu.memory_space<hbm>> -> memref<24x160xbf16, #tpu.memory_space<hbm>>
        tpu.enqueue_dma source(%dma_start3A_249 : memref<24x160xbf16, #tpu.memory_space<hbm>>) target(%arg26 : memref<24x160xbf16, #tpu.memory_space<vmem>>) target_semaphore(%arg40 : memref<!tpu.dma_semaphore, #tpu.memory_space<semaphore_mem>>)
        %dma_start3A_250 = tpu.memref_slice %arg7[%multiple_of3A_239] : memref<322560xf32, #tpu.memory_space<hbm>> -> memref<24xf32, #tpu.memory_space<hbm>>
        %dma_start3A_251 = tpu.memref_slice %arg7[%multiple_of3A_239] : memref<322560xf32, #tpu.memory_space<hbm>> -> memref<24xf32, #tpu.memory_space<hbm>>
        tpu.enqueue_dma source(%dma_start3A_251 : memref<24xf32, #tpu.memory_space<hbm>>) target(%arg30 : memref<24xf32, #tpu.memory_space<vmem>>) target_semaphore(%arg40 : memref<!tpu.dma_semaphore, #tpu.memory_space<semaphore_mem>>)
      } else {
      }
      %dma_wait3A_117 = arith.constant 0 : i32
      %dma_wait3A_118 = arith.constant 0 : i32
      %dma_wait3A_119 = tpu.memref_slice %arg2[%dma_wait3A_117, %dma_wait3A_118] : memref<10016x144xf32, #tpu.memory_space<hbm>> -> memref<10016x144xf32, #tpu.memory_space<hbm>>
      tpu.wait_indirect_dma semaphore(%arg41 : memref<!tpu.dma_semaphore, #tpu.memory_space<semaphore_mem>>) src(%dma_wait3A_119 : memref<10016x144xf32, #tpu.memory_space<hbm>>) dst(%arg23 : memref<24x144xf32, #tpu.memory_space<vmem>>)
      %dma_wait3A_120 = arith.constant 0 : i32
      %dma_wait3A_121 = arith.constant 0 : i32
      %dma_wait3A_122 = tpu.memref_slice %arg3[%dma_wait3A_120, %dma_wait3A_121] : memref<10016x144xf32, #tpu.memory_space<hbm>> -> memref<10016x144xf32, #tpu.memory_space<hbm>>
      tpu.wait_indirect_dma semaphore(%arg41 : memref<!tpu.dma_semaphore, #tpu.memory_space<semaphore_mem>>) src(%dma_wait3A_122 : memref<10016x144xf32, #tpu.memory_space<hbm>>) dst(%arg25 : memref<24x144xf32, #tpu.memory_space<vmem>>)
      %dma_wait3A_123 = arith.constant 0 : i32
      %dma_wait3A_124 = arith.constant 0 : i32
      %dma_wait3A_125 = tpu.memref_slice %arg4[%dma_wait3A_123, %dma_wait3A_124] : memref<322560x160xbf16, #tpu.memory_space<hbm>> -> memref<24x160xbf16, #tpu.memory_space<hbm>>
      %dma_wait3A_126 = arith.constant 0 : i32
      %dma_wait3A_127 = arith.constant 0 : i32
      %dma_wait3A_128 = tpu.memref_slice %arg4[%dma_wait3A_126, %dma_wait3A_127] : memref<322560x160xbf16, #tpu.memory_space<hbm>> -> memref<24x160xbf16, #tpu.memory_space<hbm>>
      tpu.wait_dma2 semaphore(%arg41 : memref<!tpu.dma_semaphore, #tpu.memory_space<semaphore_mem>>) src(%dma_wait3A_128 : memref<24x160xbf16, #tpu.memory_space<hbm>>) dst(%arg27 : memref<24x160xbf16, #tpu.memory_space<vmem>>)
      %dma_wait3A_129 = arith.constant 0 : i32
      %dma_wait3A_130 = tpu.memref_slice %arg7[%dma_wait3A_129] : memref<322560xf32, #tpu.memory_space<hbm>> -> memref<24xf32, #tpu.memory_space<hbm>>
      %dma_wait3A_131 = arith.constant 0 : i32
      %dma_wait3A_132 = tpu.memref_slice %arg7[%dma_wait3A_131] : memref<322560xf32, #tpu.memory_space<hbm>> -> memref<24xf32, #tpu.memory_space<hbm>>
      tpu.wait_dma2 semaphore(%arg41 : memref<!tpu.dma_semaphore, #tpu.memory_space<semaphore_mem>>) src(%dma_wait3A_132 : memref<24xf32, #tpu.memory_space<hbm>>) dst(%arg31 : memref<24xf32, #tpu.memory_space<vmem>>)
      %convert_element_type3A_133 = arith.extui %gt3A_75 : i1 to i32
      %cond3A_134 = arith.constant 0 : i32
      %cond3A_135 = arith.cmpi ne, %convert_element_type3A_133, %cond3A_134 : i32
      scf.if %cond3A_135 {
        %dma_wait3A_226 = arith.constant 0 : i32
        %dma_wait3A_227 = arith.constant 0 : i32
        %dma_wait3A_228 = tpu.memref_slice %arg34[%dma_wait3A_226, %dma_wait3A_227] : memref<10016x144xf32, #tpu.memory_space<vmem_shared>> -> memref<10016x144xf32, #tpu.memory_space<vmem_shared>>
        tpu.wait_indirect_dma semaphore(%arg43 : memref<!tpu.dma_semaphore, #tpu.memory_space<semaphore_mem>>) src(%arg29 : memref<24x144xf32, #tpu.memory_space<vmem>>) dst(%dma_wait3A_228 : memref<10016x144xf32, #tpu.memory_space<vmem_shared>>)
        %dma_wait3A_229 = arith.constant 0 : i32
        %dma_wait3A_230 = arith.constant 0 : i32
        %dma_wait3A_231 = tpu.memref_slice %arg35[%dma_wait3A_229, %dma_wait3A_230] : memref<10016x8xf32, #tpu.memory_space<vmem_shared>> -> memref<10016x8xf32, #tpu.memory_space<vmem_shared>>
        tpu.wait_indirect_dma semaphore(%arg43 : memref<!tpu.dma_semaphore, #tpu.memory_space<semaphore_mem>>) src(%arg33 : memref<24x8xf32, #tpu.memory_space<vmem>>) dst(%dma_wait3A_231 : memref<10016x8xf32, #tpu.memory_space<vmem_shared>>)
      } else {
      }
      %convert_element_type3A_136 = arith.extui %scan3A : i1 to i32
      %cond3A_137 = arith.constant 0 : i32
      %cond3A_138 = arith.cmpi ne, %convert_element_type3A_136, %cond3A_137 : i32
      scf.if %cond3A_138 {
        %add3A_226 = arith.constant 2 : i32
        %add3A_227 = arith.addi %add3A_113, %add3A_226 : i32
        %mul3A_228 = arith.constant 24 : i32
        %mul3A_229 = arith.muli %add3A_227, %mul3A_228 : i32
        %add3A_230 = arith.addi %mul3A_6, %mul3A_229 : i32
        %multiple_of3A_231 = tpu.assume_multiple %add3A_230, 8 : i32
        %dma_start3A_232 = tpu.memref_slice %arg5[%multiple_of3A_231] : memref<322560xi32, #tpu.memory_space<hbm>> -> memref<24xi32, #tpu.memory_space<hbm>>
        %dma_start3A_233 = tpu.memref_slice %arg5[%multiple_of3A_231] : memref<322560xi32, #tpu.memory_space<hbm>> -> memref<24xi32, #tpu.memory_space<hbm>>
        tpu.enqueue_dma source(%dma_start3A_233 : memref<24xi32, #tpu.memory_space<hbm>>) target(%arg17 : memref<24xi32, #tpu.memory_space<vmem>>) target_semaphore(%arg39 : memref<!tpu.dma_semaphore, #tpu.memory_space<semaphore_mem>>)
        %dma_start3A_234 = tpu.memref_slice %arg6[%multiple_of3A_231] : memref<322560xi32, #tpu.memory_space<hbm>> -> memref<24xi32, #tpu.memory_space<hbm>>
        %dma_start3A_235 = tpu.memref_slice %arg6[%multiple_of3A_231] : memref<322560xi32, #tpu.memory_space<hbm>> -> memref<24xi32, #tpu.memory_space<hbm>>
        tpu.enqueue_dma source(%dma_start3A_235 : memref<24xi32, #tpu.memory_space<hbm>>) target(%arg21 : memref<24xi32, #tpu.memory_space<vmem>>) target_semaphore(%arg39 : memref<!tpu.dma_semaphore, #tpu.memory_space<semaphore_mem>>)
      } else {
      }
      %scan3A_139 = arith.constant 0 : i32
      %scan3A_140 = arith.constant 24 : i32
      %scan3A_141 = arith.addi %scan3A_139, %scan3A_140 : i32
      %scan3A_142 = arith.constant 1 : i32
      scf.for %scan3A_226 = %scan3A_139 to %scan3A_141 step %scan3A_142  : i32 {
        %mul3A_227 = arith.constant 1 : i32
        %mul3A_228 = arith.muli %scan3A_226, %mul3A_227 : i32
        %add3A_229 = arith.constant 0 : i32
        %add3A_230 = arith.addi %add3A_229, %mul3A_228 : i32
        %broadcast_in_dim3A = vector.broadcast %add3A_230 : i32 to vector<16xi32>
        %gather3A = tpu.vector_load_idx %arg31[%broadcast_in_dim3A] : memref<24xf32, #tpu.memory_space<vmem>>[vector<16xi32>], vector<16xf32>,
        %get3A = arith.index_cast %add3A_230 : i32 to index
        %get3A_231 = arith.constant 0 : index
        %get3A_232 = tpu.vector_load %arg27[%get3A, %get3A_231] {strides = array<i32>} : memref<24x160xbf16, #tpu.memory_space<vmem>>, vector<32xbf16>,
        %bitcast3A = vector.bitcast %get3A_232 : vector<32xbf16> to vector<16xi32>
        %shift_left3A = arith.constant 16 : i32
        %shift_left3A_233 = vector.broadcast %shift_left3A : i32 to vector<16xi32>
        %shift_left3A_234 = arith.shli %bitcast3A, %shift_left3A_233 : vector<16xi32>
        %bitcast3A_235 = vector.bitcast %shift_left3A_234 : vector<16xi32> to vector<16xf32>
        %and3A = arith.constant -65536 : i32
        %and3A_236 = vector.broadcast %and3A : i32 to vector<16xi32>
        %and3A_237 = arith.andi %bitcast3A, %and3A_236 : vector<16xi32>
        %bitcast3A_238 = vector.bitcast %and3A_237 : vector<16xi32> to vector<16xf32>
        %get3A_239 = arith.index_cast %add3A_230 : i32 to index
        %get3A_240 = arith.constant 0 : index
        %get3A_241 = tpu.vector_load %arg23[%get3A_239, %get3A_240] {strides = array<i32>} : memref<24x144xf32, #tpu.memory_space<vmem>>, vector<16xf32>,
        %get3A_242 = arith.index_cast %add3A_230 : i32 to index
        %get3A_243 = arith.constant 0 : index
        %get3A_244 = tpu.vector_load %arg25[%get3A_242, %get3A_243] {strides = array<i32>} : memref<24x144xf32, #tpu.memory_space<vmem>>, vector<16xf32>,
        %add3A_245 = arith.addf %get3A_241, %get3A_244 : vector<16xf32>
        %add3A_246 = arith.addf %add3A_245, %bitcast3A_235 : vector<16xf32>
        %get3A_247 = arith.constant 0 : index
        %get3A_248 = tpu.vector_load %arg32[%get3A_247] {strides = array<i32>} : memref<144xf32, #tpu.memory_space<vmem>>, vector<16xf32>,
        %mul3A_249 = arith.mulf %gather3A, %get3A_248 : vector<16xf32>
        %add3A_250 = arith.addf %add3A_246, %mul3A_249 : vector<16xf32>
        %max3A = arith.constant 0.000000e+00 : f32
        %max3A_251 = vector.broadcast %max3A : f32 to vector<16xf32>
        %max3A_252 = arith.maximumf %add3A_250, %max3A_251 : vector<16xf32>
        %swap3A = arith.index_cast %add3A_230 : i32 to index
        %swap3A_253 = arith.constant 0 : index
        %swap3A_254 = tpu.vector_load %arg29[%swap3A, %swap3A_253] {strides = array<i32>} : memref<24x144xf32, #tpu.memory_space<vmem>>, vector<16xf32>,
        tpu.vector_store %arg29[%swap3A, %swap3A_253], %max3A_252 {strides = array<i32>} : memref<24x144xf32, #tpu.memory_space<vmem>>, vector<16xf32>,
        %get3A_255 = arith.index_cast %add3A_230 : i32 to index
        %get3A_256 = arith.constant 16 : index
        %get3A_257 = tpu.vector_load %arg23[%get3A_255, %get3A_256] {strides = array<i32>} : memref<24x144xf32, #tpu.memory_space<vmem>>, vector<16xf32>,
        %get3A_258 = arith.index_cast %add3A_230 : i32 to index
        %get3A_259 = arith.constant 16 : index
        %get3A_260 = tpu.vector_load %arg25[%get3A_258, %get3A_259] {strides = array<i32>} : memref<24x144xf32, #tpu.memory_space<vmem>>, vector<16xf32>,
        %add3A_261 = arith.addf %get3A_257, %get3A_260 : vector<16xf32>
        %add3A_262 = arith.addf %add3A_261, %bitcast3A_238 : vector<16xf32>
        %get3A_263 = arith.constant 16 : index
        %get3A_264 = tpu.vector_load %arg32[%get3A_263] {strides = array<i32>} : memref<144xf32, #tpu.memory_space<vmem>>, vector<16xf32>,
        %mul3A_265 = arith.mulf %gather3A, %get3A_264 : vector<16xf32>
        %add3A_266 = arith.addf %add3A_262, %mul3A_265 : vector<16xf32>
        %max3A_267 = arith.constant 0.000000e+00 : f32
        %max3A_268 = vector.broadcast %max3A_267 : f32 to vector<16xf32>
        %max3A_269 = arith.maximumf %add3A_266, %max3A_268 : vector<16xf32>
        %swap3A_270 = arith.index_cast %add3A_230 : i32 to index
        %swap3A_271 = arith.constant 16 : index
        %swap3A_272 = tpu.vector_load %arg29[%swap3A_270, %swap3A_271] {strides = array<i32>} : memref<24x144xf32, #tpu.memory_space<vmem>>, vector<16xf32>,
        tpu.vector_store %arg29[%swap3A_270, %swap3A_271], %max3A_269 {strides = array<i32>} : memref<24x144xf32, #tpu.memory_space<vmem>>, vector<16xf32>,
        %get3A_273 = arith.index_cast %add3A_230 : i32 to index
        %get3A_274 = arith.constant 32 : index
        %get3A_275 = tpu.vector_load %arg27[%get3A_273, %get3A_274] {strides = array<i32>} : memref<24x160xbf16, #tpu.memory_space<vmem>>, vector<32xbf16>,
        %bitcast3A_276 = vector.bitcast %get3A_275 : vector<32xbf16> to vector<16xi32>
        %shift_left3A_277 = arith.constant 16 : i32
        %shift_left3A_278 = vector.broadcast %shift_left3A_277 : i32 to vector<16xi32>
        %shift_left3A_279 = arith.shli %bitcast3A_276, %shift_left3A_278 : vector<16xi32>
        %bitcast3A_280 = vector.bitcast %shift_left3A_279 : vector<16xi32> to vector<16xf32>
        %and3A_281 = arith.constant -65536 : i32
        %and3A_282 = vector.broadcast %and3A_281 : i32 to vector<16xi32>
        %and3A_283 = arith.andi %bitcast3A_276, %and3A_282 : vector<16xi32>
        %bitcast3A_284 = vector.bitcast %and3A_283 : vector<16xi32> to vector<16xf32>
        %get3A_285 = arith.index_cast %add3A_230 : i32 to index
        %get3A_286 = arith.constant 32 : index
        %get3A_287 = tpu.vector_load %arg23[%get3A_285, %get3A_286] {strides = array<i32>} : memref<24x144xf32, #tpu.memory_space<vmem>>, vector<16xf32>,
        %get3A_288 = arith.index_cast %add3A_230 : i32 to index
        %get3A_289 = arith.constant 32 : index
        %get3A_290 = tpu.vector_load %arg25[%get3A_288, %get3A_289] {strides = array<i32>} : memref<24x144xf32, #tpu.memory_space<vmem>>, vector<16xf32>,
        %add3A_291 = arith.addf %get3A_287, %get3A_290 : vector<16xf32>
        %add3A_292 = arith.addf %add3A_291, %bitcast3A_280 : vector<16xf32>
        %get3A_293 = arith.constant 32 : index
        %get3A_294 = tpu.vector_load %arg32[%get3A_293] {strides = array<i32>} : memref<144xf32, #tpu.memory_space<vmem>>, vector<16xf32>,
        %mul3A_295 = arith.mulf %gather3A, %get3A_294 : vector<16xf32>
        %add3A_296 = arith.addf %add3A_292, %mul3A_295 : vector<16xf32>
        %max3A_297 = arith.constant 0.000000e+00 : f32
        %max3A_298 = vector.broadcast %max3A_297 : f32 to vector<16xf32>
        %max3A_299 = arith.maximumf %add3A_296, %max3A_298 : vector<16xf32>
        %swap3A_300 = arith.index_cast %add3A_230 : i32 to index
        %swap3A_301 = arith.constant 32 : index
        %swap3A_302 = tpu.vector_load %arg29[%swap3A_300, %swap3A_301] {strides = array<i32>} : memref<24x144xf32, #tpu.memory_space<vmem>>, vector<16xf32>,
        tpu.vector_store %arg29[%swap3A_300, %swap3A_301], %max3A_299 {strides = array<i32>} : memref<24x144xf32, #tpu.memory_space<vmem>>, vector<16xf32>,
        %get3A_303 = arith.index_cast %add3A_230 : i32 to index
        %get3A_304 = arith.constant 48 : index
        %get3A_305 = tpu.vector_load %arg23[%get3A_303, %get3A_304] {strides = array<i32>} : memref<24x144xf32, #tpu.memory_space<vmem>>, vector<16xf32>,
        %get3A_306 = arith.index_cast %add3A_230 : i32 to index
        %get3A_307 = arith.constant 48 : index
        %get3A_308 = tpu.vector_load %arg25[%get3A_306, %get3A_307] {strides = array<i32>} : memref<24x144xf32, #tpu.memory_space<vmem>>, vector<16xf32>,
        %add3A_309 = arith.addf %get3A_305, %get3A_308 : vector<16xf32>
        %add3A_310 = arith.addf %add3A_309, %bitcast3A_284 : vector<16xf32>
        %get3A_311 = arith.constant 48 : index
        %get3A_312 = tpu.vector_load %arg32[%get3A_311] {strides = array<i32>} : memref<144xf32, #tpu.memory_space<vmem>>, vector<16xf32>,
        %mul3A_313 = arith.mulf %gather3A, %get3A_312 : vector<16xf32>
        %add3A_314 = arith.addf %add3A_310, %mul3A_313 : vector<16xf32>
        %max3A_315 = arith.constant 0.000000e+00 : f32
        %max3A_316 = vector.broadcast %max3A_315 : f32 to vector<16xf32>
        %max3A_317 = arith.maximumf %add3A_314, %max3A_316 : vector<16xf32>
        %swap3A_318 = arith.index_cast %add3A_230 : i32 to index
        %swap3A_319 = arith.constant 48 : index
        %swap3A_320 = tpu.vector_load %arg29[%swap3A_318, %swap3A_319] {strides = array<i32>} : memref<24x144xf32, #tpu.memory_space<vmem>>, vector<16xf32>,
        tpu.vector_store %arg29[%swap3A_318, %swap3A_319], %max3A_317 {strides = array<i32>} : memref<24x144xf32, #tpu.memory_space<vmem>>, vector<16xf32>,
        %get3A_321 = arith.index_cast %add3A_230 : i32 to index
        %get3A_322 = arith.constant 64 : index
        %get3A_323 = tpu.vector_load %arg27[%get3A_321, %get3A_322] {strides = array<i32>} : memref<24x160xbf16, #tpu.memory_space<vmem>>, vector<32xbf16>,
        %bitcast3A_324 = vector.bitcast %get3A_323 : vector<32xbf16> to vector<16xi32>
        %shift_left3A_325 = arith.constant 16 : i32
        %shift_left3A_326 = vector.broadcast %shift_left3A_325 : i32 to vector<16xi32>
        %shift_left3A_327 = arith.shli %bitcast3A_324, %shift_left3A_326 : vector<16xi32>
        %bitcast3A_328 = vector.bitcast %shift_left3A_327 : vector<16xi32> to vector<16xf32>
        %and3A_329 = arith.constant -65536 : i32
        %and3A_330 = vector.broadcast %and3A_329 : i32 to vector<16xi32>
        %and3A_331 = arith.andi %bitcast3A_324, %and3A_330 : vector<16xi32>
        %bitcast3A_332 = vector.bitcast %and3A_331 : vector<16xi32> to vector<16xf32>
        %get3A_333 = arith.index_cast %add3A_230 : i32 to index
        %get3A_334 = arith.constant 64 : index
        %get3A_335 = tpu.vector_load %arg23[%get3A_333, %get3A_334] {strides = array<i32>} : memref<24x144xf32, #tpu.memory_space<vmem>>, vector<16xf32>,
        %get3A_336 = arith.index_cast %add3A_230 : i32 to index
        %get3A_337 = arith.constant 64 : index
        %get3A_338 = tpu.vector_load %arg25[%get3A_336, %get3A_337] {strides = array<i32>} : memref<24x144xf32, #tpu.memory_space<vmem>>, vector<16xf32>,
        %add3A_339 = arith.addf %get3A_335, %get3A_338 : vector<16xf32>
        %add3A_340 = arith.addf %add3A_339, %bitcast3A_328 : vector<16xf32>
        %get3A_341 = arith.constant 64 : index
        %get3A_342 = tpu.vector_load %arg32[%get3A_341] {strides = array<i32>} : memref<144xf32, #tpu.memory_space<vmem>>, vector<16xf32>,
        %mul3A_343 = arith.mulf %gather3A, %get3A_342 : vector<16xf32>
        %add3A_344 = arith.addf %add3A_340, %mul3A_343 : vector<16xf32>
        %max3A_345 = arith.constant 0.000000e+00 : f32
        %max3A_346 = vector.broadcast %max3A_345 : f32 to vector<16xf32>
        %max3A_347 = arith.maximumf %add3A_344, %max3A_346 : vector<16xf32>
        %swap3A_348 = arith.index_cast %add3A_230 : i32 to index
        %swap3A_349 = arith.constant 64 : index
        %swap3A_350 = tpu.vector_load %arg29[%swap3A_348, %swap3A_349] {strides = array<i32>} : memref<24x144xf32, #tpu.memory_space<vmem>>, vector<16xf32>,
        tpu.vector_store %arg29[%swap3A_348, %swap3A_349], %max3A_347 {strides = array<i32>} : memref<24x144xf32, #tpu.memory_space<vmem>>, vector<16xf32>,
        %get3A_351 = arith.index_cast %add3A_230 : i32 to index
        %get3A_352 = arith.constant 80 : index
        %get3A_353 = tpu.vector_load %arg23[%get3A_351, %get3A_352] {strides = array<i32>} : memref<24x144xf32, #tpu.memory_space<vmem>>, vector<16xf32>,
        %get3A_354 = arith.index_cast %add3A_230 : i32 to index
        %get3A_355 = arith.constant 80 : index
        %get3A_356 = tpu.vector_load %arg25[%get3A_354, %get3A_355] {strides = array<i32>} : memref<24x144xf32, #tpu.memory_space<vmem>>, vector<16xf32>,
        %add3A_357 = arith.addf %get3A_353, %get3A_356 : vector<16xf32>
        %add3A_358 = arith.addf %add3A_357, %bitcast3A_332 : vector<16xf32>
        %get3A_359 = arith.constant 80 : index
        %get3A_360 = tpu.vector_load %arg32[%get3A_359] {strides = array<i32>} : memref<144xf32, #tpu.memory_space<vmem>>, vector<16xf32>,
        %mul3A_361 = arith.mulf %gather3A, %get3A_360 : vector<16xf32>
        %add3A_362 = arith.addf %add3A_358, %mul3A_361 : vector<16xf32>
        %max3A_363 = arith.constant 0.000000e+00 : f32
        %max3A_364 = vector.broadcast %max3A_363 : f32 to vector<16xf32>
        %max3A_365 = arith.maximumf %add3A_362, %max3A_364 : vector<16xf32>
        %swap3A_366 = arith.index_cast %add3A_230 : i32 to index
        %swap3A_367 = arith.constant 80 : index
        %swap3A_368 = tpu.vector_load %arg29[%swap3A_366, %swap3A_367] {strides = array<i32>} : memref<24x144xf32, #tpu.memory_space<vmem>>, vector<16xf32>,
        tpu.vector_store %arg29[%swap3A_366, %swap3A_367], %max3A_365 {strides = array<i32>} : memref<24x144xf32, #tpu.memory_space<vmem>>, vector<16xf32>,
        %get3A_369 = arith.index_cast %add3A_230 : i32 to index
        %get3A_370 = arith.constant 96 : index
        %get3A_371 = tpu.vector_load %arg27[%get3A_369, %get3A_370] {strides = array<i32>} : memref<24x160xbf16, #tpu.memory_space<vmem>>, vector<32xbf16>,
        %bitcast3A_372 = vector.bitcast %get3A_371 : vector<32xbf16> to vector<16xi32>
        %shift_left3A_373 = arith.constant 16 : i32
        %shift_left3A_374 = vector.broadcast %shift_left3A_373 : i32 to vector<16xi32>
        %shift_left3A_375 = arith.shli %bitcast3A_372, %shift_left3A_374 : vector<16xi32>
        %bitcast3A_376 = vector.bitcast %shift_left3A_375 : vector<16xi32> to vector<16xf32>
        %and3A_377 = arith.constant -65536 : i32
        %and3A_378 = vector.broadcast %and3A_377 : i32 to vector<16xi32>
        %and3A_379 = arith.andi %bitcast3A_372, %and3A_378 : vector<16xi32>
        %bitcast3A_380 = vector.bitcast %and3A_379 : vector<16xi32> to vector<16xf32>
        %get3A_381 = arith.index_cast %add3A_230 : i32 to index
        %get3A_382 = arith.constant 96 : index
        %get3A_383 = tpu.vector_load %arg23[%get3A_381, %get3A_382] {strides = array<i32>} : memref<24x144xf32, #tpu.memory_space<vmem>>, vector<16xf32>,
        %get3A_384 = arith.index_cast %add3A_230 : i32 to index
        %get3A_385 = arith.constant 96 : index
        %get3A_386 = tpu.vector_load %arg25[%get3A_384, %get3A_385] {strides = array<i32>} : memref<24x144xf32, #tpu.memory_space<vmem>>, vector<16xf32>,
        %add3A_387 = arith.addf %get3A_383, %get3A_386 : vector<16xf32>
        %add3A_388 = arith.addf %add3A_387, %bitcast3A_376 : vector<16xf32>
        %get3A_389 = arith.constant 96 : index
        %get3A_390 = tpu.vector_load %arg32[%get3A_389] {strides = array<i32>} : memref<144xf32, #tpu.memory_space<vmem>>, vector<16xf32>,
        %mul3A_391 = arith.mulf %gather3A, %get3A_390 : vector<16xf32>
        %add3A_392 = arith.addf %add3A_388, %mul3A_391 : vector<16xf32>
        %max3A_393 = arith.constant 0.000000e+00 : f32
        %max3A_394 = vector.broadcast %max3A_393 : f32 to vector<16xf32>
        %max3A_395 = arith.maximumf %add3A_392, %max3A_394 : vector<16xf32>
        %swap3A_396 = arith.index_cast %add3A_230 : i32 to index
        %swap3A_397 = arith.constant 96 : index
        %swap3A_398 = tpu.vector_load %arg29[%swap3A_396, %swap3A_397] {strides = array<i32>} : memref<24x144xf32, #tpu.memory_space<vmem>>, vector<16xf32>,
        tpu.vector_store %arg29[%swap3A_396, %swap3A_397], %max3A_395 {strides = array<i32>} : memref<24x144xf32, #tpu.memory_space<vmem>>, vector<16xf32>,
        %get3A_399 = arith.index_cast %add3A_230 : i32 to index
        %get3A_400 = arith.constant 112 : index
        %get3A_401 = tpu.vector_load %arg23[%get3A_399, %get3A_400] {strides = array<i32>} : memref<24x144xf32, #tpu.memory_space<vmem>>, vector<16xf32>,
        %get3A_402 = arith.index_cast %add3A_230 : i32 to index
        %get3A_403 = arith.constant 112 : index
        %get3A_404 = tpu.vector_load %arg25[%get3A_402, %get3A_403] {strides = array<i32>} : memref<24x144xf32, #tpu.memory_space<vmem>>, vector<16xf32>,
        %add3A_405 = arith.addf %get3A_401, %get3A_404 : vector<16xf32>
        %add3A_406 = arith.addf %add3A_405, %bitcast3A_380 : vector<16xf32>
        %get3A_407 = arith.constant 112 : index
        %get3A_408 = tpu.vector_load %arg32[%get3A_407] {strides = array<i32>} : memref<144xf32, #tpu.memory_space<vmem>>, vector<16xf32>,
        %mul3A_409 = arith.mulf %gather3A, %get3A_408 : vector<16xf32>
        %add3A_410 = arith.addf %add3A_406, %mul3A_409 : vector<16xf32>
        %max3A_411 = arith.constant 0.000000e+00 : f32
        %max3A_412 = vector.broadcast %max3A_411 : f32 to vector<16xf32>
        %max3A_413 = arith.maximumf %add3A_410, %max3A_412 : vector<16xf32>
        %swap3A_414 = arith.index_cast %add3A_230 : i32 to index
        %swap3A_415 = arith.constant 112 : index
        %swap3A_416 = tpu.vector_load %arg29[%swap3A_414, %swap3A_415] {strides = array<i32>} : memref<24x144xf32, #tpu.memory_space<vmem>>, vector<16xf32>,
        tpu.vector_store %arg29[%swap3A_414, %swap3A_415], %max3A_413 {strides = array<i32>} : memref<24x144xf32, #tpu.memory_space<vmem>>, vector<16xf32>,
        %get3A_417 = arith.index_cast %add3A_230 : i32 to index
        %get3A_418 = arith.constant 128 : index
        %get3A_419 = tpu.vector_load %arg27[%get3A_417, %get3A_418] {strides = array<i32>} : memref<24x160xbf16, #tpu.memory_space<vmem>>, vector<32xbf16>,
        %bitcast3A_420 = vector.bitcast %get3A_419 : vector<32xbf16> to vector<16xi32>
        %shift_left3A_421 = arith.constant 16 : i32
        %shift_left3A_422 = vector.broadcast %shift_left3A_421 : i32 to vector<16xi32>
        %shift_left3A_423 = arith.shli %bitcast3A_420, %shift_left3A_422 : vector<16xi32>
        %bitcast3A_424 = vector.bitcast %shift_left3A_423 : vector<16xi32> to vector<16xf32>
        %and3A_425 = arith.constant -65536 : i32
        %and3A_426 = vector.broadcast %and3A_425 : i32 to vector<16xi32>
        %and3A_427 = arith.andi %bitcast3A_420, %and3A_426 : vector<16xi32>
        %bitcast3A_428 = vector.bitcast %and3A_427 : vector<16xi32> to vector<16xf32>
        %get3A_429 = arith.index_cast %add3A_230 : i32 to index
        %get3A_430 = arith.constant 128 : index
        %get3A_431 = tpu.vector_load %arg23[%get3A_429, %get3A_430] {strides = array<i32>} : memref<24x144xf32, #tpu.memory_space<vmem>>, vector<16xf32>,
        %get3A_432 = arith.index_cast %add3A_230 : i32 to index
        %get3A_433 = arith.constant 128 : index
        %get3A_434 = tpu.vector_load %arg25[%get3A_432, %get3A_433] {strides = array<i32>} : memref<24x144xf32, #tpu.memory_space<vmem>>, vector<16xf32>,
        %add3A_435 = arith.addf %get3A_431, %get3A_434 : vector<16xf32>
        %add3A_436 = arith.addf %add3A_435, %bitcast3A_424 : vector<16xf32>
        %get3A_437 = arith.constant 128 : index
        %get3A_438 = tpu.vector_load %arg32[%get3A_437] {strides = array<i32>} : memref<144xf32, #tpu.memory_space<vmem>>, vector<16xf32>,
        %mul3A_439 = arith.mulf %gather3A, %get3A_438 : vector<16xf32>
        %add3A_440 = arith.addf %add3A_436, %mul3A_439 : vector<16xf32>
        %max3A_441 = arith.constant 0.000000e+00 : f32
        %max3A_442 = vector.broadcast %max3A_441 : f32 to vector<16xf32>
        %max3A_443 = arith.maximumf %add3A_440, %max3A_442 : vector<16xf32>
        %swap3A_444 = arith.index_cast %add3A_230 : i32 to index
        %swap3A_445 = arith.constant 128 : index
        %swap3A_446 = tpu.vector_load %arg29[%swap3A_444, %swap3A_445] {strides = array<i32>} : memref<24x144xf32, #tpu.memory_space<vmem>>, vector<16xf32>,
        tpu.vector_store %arg29[%swap3A_444, %swap3A_445], %max3A_443 {strides = array<i32>} : memref<24x144xf32, #tpu.memory_space<vmem>>, vector<16xf32>,
      }
      %scan3A_143 = arith.constant 24 : i32
      %dma_start3A_144 = arith.constant 0 : i32
      %dma_start3A_145 = arith.constant 0 : i32
      %dma_start3A_146 = tpu.memref_slice %arg34[%dma_start3A_144, %dma_start3A_145] : memref<10016x144xf32, #tpu.memory_space<vmem_shared>> -> memref<10016x144xf32, #tpu.memory_space<vmem_shared>>
      tpu.enqueue_indirect_dma source(%arg29 : memref<24x144xf32, #tpu.memory_space<vmem>>) target(%dma_start3A_146 : memref<10016x144xf32, #tpu.memory_space<vmem_shared>>) offsets(%arg15 : memref<24xi32, #tpu.memory_space<vmem>>) semaphore(%arg43 : memref<!tpu.dma_semaphore, #tpu.memory_space<semaphore_mem>>) {add = true}
      %dma_start3A_147 = arith.constant 0 : i32
      %dma_start3A_148 = arith.constant 0 : i32
      %dma_start3A_149 = tpu.memref_slice %arg35[%dma_start3A_147, %dma_start3A_148] : memref<10016x8xf32, #tpu.memory_space<vmem_shared>> -> memref<10016x8xf32, #tpu.memory_space<vmem_shared>>
      tpu.enqueue_indirect_dma source(%arg33 : memref<24x8xf32, #tpu.memory_space<vmem>>) target(%dma_start3A_149 : memref<10016x8xf32, #tpu.memory_space<vmem_shared>>) offsets(%arg15 : memref<24xi32, #tpu.memory_space<vmem>>) semaphore(%arg43 : memref<!tpu.dma_semaphore, #tpu.memory_space<semaphore_mem>>) {add = true}
      %add3A_150 = arith.constant 2 : i32
      %add3A_151 = arith.addi %mul3A_73, %add3A_150 : i32
      %convert_element_type3A_152 = arith.extui %scan3A : i1 to i32
      %cond3A_153 = arith.constant 0 : i32
      %cond3A_154 = arith.cmpi ne, %convert_element_type3A_152, %cond3A_153 : i32
      scf.if %cond3A_154 {
        %dma_wait3A_226 = arith.constant 0 : i32
        %dma_wait3A_227 = tpu.memref_slice %arg5[%dma_wait3A_226] : memref<322560xi32, #tpu.memory_space<hbm>> -> memref<24xi32, #tpu.memory_space<hbm>>
        %dma_wait3A_228 = arith.constant 0 : i32
        %dma_wait3A_229 = tpu.memref_slice %arg5[%dma_wait3A_228] : memref<322560xi32, #tpu.memory_space<hbm>> -> memref<24xi32, #tpu.memory_space<hbm>>
        tpu.wait_dma2 semaphore(%arg39 : memref<!tpu.dma_semaphore, #tpu.memory_space<semaphore_mem>>) src(%dma_wait3A_229 : memref<24xi32, #tpu.memory_space<hbm>>) dst(%arg17 : memref<24xi32, #tpu.memory_space<vmem>>)
        %dma_wait3A_230 = arith.constant 0 : i32
        %dma_wait3A_231 = tpu.memref_slice %arg6[%dma_wait3A_230] : memref<322560xi32, #tpu.memory_space<hbm>> -> memref<24xi32, #tpu.memory_space<hbm>>
        %dma_wait3A_232 = arith.constant 0 : i32
        %dma_wait3A_233 = tpu.memref_slice %arg6[%dma_wait3A_232] : memref<322560xi32, #tpu.memory_space<hbm>> -> memref<24xi32, #tpu.memory_space<hbm>>
        tpu.wait_dma2 semaphore(%arg39 : memref<!tpu.dma_semaphore, #tpu.memory_space<semaphore_mem>>) src(%dma_wait3A_233 : memref<24xi32, #tpu.memory_space<hbm>>) dst(%arg21 : memref<24xi32, #tpu.memory_space<vmem>>)
        %add3A_234 = arith.constant 1 : i32
        %add3A_235 = arith.addi %add3A_151, %add3A_234 : i32
        %mul3A_236 = arith.constant 24 : i32
        %mul3A_237 = arith.muli %add3A_235, %mul3A_236 : i32
        %add3A_238 = arith.addi %mul3A_6, %mul3A_237 : i32
        %multiple_of3A_239 = tpu.assume_multiple %add3A_238, 8 : i32
        %dma_start3A_240 = arith.constant 0 : i32
        %dma_start3A_241 = arith.constant 0 : i32
        %dma_start3A_242 = tpu.memref_slice %arg2[%dma_start3A_240, %dma_start3A_241] : memref<10016x144xf32, #tpu.memory_space<hbm>> -> memref<10016x144xf32, #tpu.memory_space<hbm>>
        tpu.enqueue_indirect_dma source(%dma_start3A_242 : memref<10016x144xf32, #tpu.memory_space<hbm>>) target(%arg23 : memref<24x144xf32, #tpu.memory_space<vmem>>) offsets(%arg17 : memref<24xi32, #tpu.memory_space<vmem>>) semaphore(%arg41 : memref<!tpu.dma_semaphore, #tpu.memory_space<semaphore_mem>>)
        %dma_start3A_243 = arith.constant 0 : i32
        %dma_start3A_244 = arith.constant 0 : i32
        %dma_start3A_245 = tpu.memref_slice %arg3[%dma_start3A_243, %dma_start3A_244] : memref<10016x144xf32, #tpu.memory_space<hbm>> -> memref<10016x144xf32, #tpu.memory_space<hbm>>
        tpu.enqueue_indirect_dma source(%dma_start3A_245 : memref<10016x144xf32, #tpu.memory_space<hbm>>) target(%arg25 : memref<24x144xf32, #tpu.memory_space<vmem>>) offsets(%arg21 : memref<24xi32, #tpu.memory_space<vmem>>) semaphore(%arg41 : memref<!tpu.dma_semaphore, #tpu.memory_space<semaphore_mem>>)
        %dma_start3A_246 = arith.constant 0 : i32
        %dma_start3A_247 = tpu.memref_slice %arg4[%multiple_of3A_239, %dma_start3A_246] : memref<322560x160xbf16, #tpu.memory_space<hbm>> -> memref<24x160xbf16, #tpu.memory_space<hbm>>
        %dma_start3A_248 = arith.constant 0 : i32
        %dma_start3A_249 = tpu.memref_slice %arg4[%multiple_of3A_239, %dma_start3A_248] : memref<322560x160xbf16, #tpu.memory_space<hbm>> -> memref<24x160xbf16, #tpu.memory_space<hbm>>
        tpu.enqueue_dma source(%dma_start3A_249 : memref<24x160xbf16, #tpu.memory_space<hbm>>) target(%arg27 : memref<24x160xbf16, #tpu.memory_space<vmem>>) target_semaphore(%arg41 : memref<!tpu.dma_semaphore, #tpu.memory_space<semaphore_mem>>)
        %dma_start3A_250 = tpu.memref_slice %arg7[%multiple_of3A_239] : memref<322560xf32, #tpu.memory_space<hbm>> -> memref<24xf32, #tpu.memory_space<hbm>>
        %dma_start3A_251 = tpu.memref_slice %arg7[%multiple_of3A_239] : memref<322560xf32, #tpu.memory_space<hbm>> -> memref<24xf32, #tpu.memory_space<hbm>>
        tpu.enqueue_dma source(%dma_start3A_251 : memref<24xf32, #tpu.memory_space<hbm>>) target(%arg31 : memref<24xf32, #tpu.memory_space<vmem>>) target_semaphore(%arg41 : memref<!tpu.dma_semaphore, #tpu.memory_space<semaphore_mem>>)
      } else {
      }
      %dma_wait3A_155 = arith.constant 0 : i32
      %dma_wait3A_156 = arith.constant 0 : i32
      %dma_wait3A_157 = tpu.memref_slice %arg2[%dma_wait3A_155, %dma_wait3A_156] : memref<10016x144xf32, #tpu.memory_space<hbm>> -> memref<10016x144xf32, #tpu.memory_space<hbm>>
      tpu.wait_indirect_dma semaphore(%arg40 : memref<!tpu.dma_semaphore, #tpu.memory_space<semaphore_mem>>) src(%dma_wait3A_157 : memref<10016x144xf32, #tpu.memory_space<hbm>>) dst(%arg22 : memref<24x144xf32, #tpu.memory_space<vmem>>)
      %dma_wait3A_158 = arith.constant 0 : i32
      %dma_wait3A_159 = arith.constant 0 : i32
      %dma_wait3A_160 = tpu.memref_slice %arg3[%dma_wait3A_158, %dma_wait3A_159] : memref<10016x144xf32, #tpu.memory_space<hbm>> -> memref<10016x144xf32, #tpu.memory_space<hbm>>
      tpu.wait_indirect_dma semaphore(%arg40 : memref<!tpu.dma_semaphore, #tpu.memory_space<semaphore_mem>>) src(%dma_wait3A_160 : memref<10016x144xf32, #tpu.memory_space<hbm>>) dst(%arg24 : memref<24x144xf32, #tpu.memory_space<vmem>>)
      %dma_wait3A_161 = arith.constant 0 : i32
      %dma_wait3A_162 = arith.constant 0 : i32
      %dma_wait3A_163 = tpu.memref_slice %arg4[%dma_wait3A_161, %dma_wait3A_162] : memref<322560x160xbf16, #tpu.memory_space<hbm>> -> memref<24x160xbf16, #tpu.memory_space<hbm>>
      %dma_wait3A_164 = arith.constant 0 : i32
      %dma_wait3A_165 = arith.constant 0 : i32
      %dma_wait3A_166 = tpu.memref_slice %arg4[%dma_wait3A_164, %dma_wait3A_165] : memref<322560x160xbf16, #tpu.memory_space<hbm>> -> memref<24x160xbf16, #tpu.memory_space<hbm>>
      tpu.wait_dma2 semaphore(%arg40 : memref<!tpu.dma_semaphore, #tpu.memory_space<semaphore_mem>>) src(%dma_wait3A_166 : memref<24x160xbf16, #tpu.memory_space<hbm>>) dst(%arg26 : memref<24x160xbf16, #tpu.memory_space<vmem>>)
      %dma_wait3A_167 = arith.constant 0 : i32
      %dma_wait3A_168 = tpu.memref_slice %arg7[%dma_wait3A_167] : memref<322560xf32, #tpu.memory_space<hbm>> -> memref<24xf32, #tpu.memory_space<hbm>>
      %dma_wait3A_169 = arith.constant 0 : i32
      %dma_wait3A_170 = tpu.memref_slice %arg7[%dma_wait3A_169] : memref<322560xf32, #tpu.memory_space<hbm>> -> memref<24xf32, #tpu.memory_space<hbm>>
      tpu.wait_dma2 semaphore(%arg40 : memref<!tpu.dma_semaphore, #tpu.memory_space<semaphore_mem>>) src(%dma_wait3A_170 : memref<24xf32, #tpu.memory_space<hbm>>) dst(%arg30 : memref<24xf32, #tpu.memory_space<vmem>>)
      %convert_element_type3A_171 = arith.extui %scan3A : i1 to i32
      %cond3A_172 = arith.constant 0 : i32
      %cond3A_173 = arith.cmpi ne, %convert_element_type3A_171, %cond3A_172 : i32
      scf.if %cond3A_173 {
        %dma_wait3A_226 = arith.constant 0 : i32
        %dma_wait3A_227 = arith.constant 0 : i32
        %dma_wait3A_228 = tpu.memref_slice %arg34[%dma_wait3A_226, %dma_wait3A_227] : memref<10016x144xf32, #tpu.memory_space<vmem_shared>> -> memref<10016x144xf32, #tpu.memory_space<vmem_shared>>
        tpu.wait_indirect_dma semaphore(%arg42 : memref<!tpu.dma_semaphore, #tpu.memory_space<semaphore_mem>>) src(%arg28 : memref<24x144xf32, #tpu.memory_space<vmem>>) dst(%dma_wait3A_228 : memref<10016x144xf32, #tpu.memory_space<vmem_shared>>)
        %dma_wait3A_229 = arith.constant 0 : i32
        %dma_wait3A_230 = arith.constant 0 : i32
        %dma_wait3A_231 = tpu.memref_slice %arg35[%dma_wait3A_229, %dma_wait3A_230] : memref<10016x8xf32, #tpu.memory_space<vmem_shared>> -> memref<10016x8xf32, #tpu.memory_space<vmem_shared>>
        tpu.wait_indirect_dma semaphore(%arg42 : memref<!tpu.dma_semaphore, #tpu.memory_space<semaphore_mem>>) src(%arg33 : memref<24x8xf32, #tpu.memory_space<vmem>>) dst(%dma_wait3A_231 : memref<10016x8xf32, #tpu.memory_space<vmem_shared>>)
      } else {
      }
      %convert_element_type3A_174 = arith.extui %lt3A_74 : i1 to i32
      %cond3A_175 = arith.constant 0 : i32
      %cond3A_176 = arith.cmpi ne, %convert_element_type3A_174, %cond3A_175 : i32
      scf.if %cond3A_176 {
        %add3A_226 = arith.constant 2 : i32
        %add3A_227 = arith.addi %add3A_151, %add3A_226 : i32
        %mul3A_228 = arith.constant 24 : i32
        %mul3A_229 = arith.muli %add3A_227, %mul3A_228 : i32
        %add3A_230 = arith.addi %mul3A_6, %mul3A_229 : i32
        %multiple_of3A_231 = tpu.assume_multiple %add3A_230, 8 : i32
        %dma_start3A_232 = tpu.memref_slice %arg5[%multiple_of3A_231] : memref<322560xi32, #tpu.memory_space<hbm>> -> memref<24xi32, #tpu.memory_space<hbm>>
        %dma_start3A_233 = tpu.memref_slice %arg5[%multiple_of3A_231] : memref<322560xi32, #tpu.memory_space<hbm>> -> memref<24xi32, #tpu.memory_space<hbm>>
        tpu.enqueue_dma source(%dma_start3A_233 : memref<24xi32, #tpu.memory_space<hbm>>) target(%arg14 : memref<24xi32, #tpu.memory_space<vmem>>) target_semaphore(%arg36 : memref<!tpu.dma_semaphore, #tpu.memory_space<semaphore_mem>>)
        %dma_start3A_234 = tpu.memref_slice %arg6[%multiple_of3A_231] : memref<322560xi32, #tpu.memory_space<hbm>> -> memref<24xi32, #tpu.memory_space<hbm>>
        %dma_start3A_235 = tpu.memref_slice %arg6[%multiple_of3A_231] : memref<322560xi32, #tpu.memory_space<hbm>> -> memref<24xi32, #tpu.memory_space<hbm>>
        tpu.enqueue_dma source(%dma_start3A_235 : memref<24xi32, #tpu.memory_space<hbm>>) target(%arg18 : memref<24xi32, #tpu.memory_space<vmem>>) target_semaphore(%arg36 : memref<!tpu.dma_semaphore, #tpu.memory_space<semaphore_mem>>)
      } else {
      }
      %scan3A_177 = arith.constant 0 : i32
      %scan3A_178 = arith.constant 24 : i32
      %scan3A_179 = arith.addi %scan3A_177, %scan3A_178 : i32
      %scan3A_180 = arith.constant 1 : i32
      scf.for %scan3A_226 = %scan3A_177 to %scan3A_179 step %scan3A_180  : i32 {
        %mul3A_227 = arith.constant 1 : i32
        %mul3A_228 = arith.muli %scan3A_226, %mul3A_227 : i32
        %add3A_229 = arith.constant 0 : i32
        %add3A_230 = arith.addi %add3A_229, %mul3A_228 : i32
        %broadcast_in_dim3A = vector.broadcast %add3A_230 : i32 to vector<16xi32>
        %gather3A = tpu.vector_load_idx %arg30[%broadcast_in_dim3A] : memref<24xf32, #tpu.memory_space<vmem>>[vector<16xi32>], vector<16xf32>,
        %get3A = arith.index_cast %add3A_230 : i32 to index
        %get3A_231 = arith.constant 0 : index
        %get3A_232 = tpu.vector_load %arg26[%get3A, %get3A_231] {strides = array<i32>} : memref<24x160xbf16, #tpu.memory_space<vmem>>, vector<32xbf16>,
        %bitcast3A = vector.bitcast %get3A_232 : vector<32xbf16> to vector<16xi32>
        %shift_left3A = arith.constant 16 : i32
        %shift_left3A_233 = vector.broadcast %shift_left3A : i32 to vector<16xi32>
        %shift_left3A_234 = arith.shli %bitcast3A, %shift_left3A_233 : vector<16xi32>
        %bitcast3A_235 = vector.bitcast %shift_left3A_234 : vector<16xi32> to vector<16xf32>
        %and3A = arith.constant -65536 : i32
        %and3A_236 = vector.broadcast %and3A : i32 to vector<16xi32>
        %and3A_237 = arith.andi %bitcast3A, %and3A_236 : vector<16xi32>
        %bitcast3A_238 = vector.bitcast %and3A_237 : vector<16xi32> to vector<16xf32>
        %get3A_239 = arith.index_cast %add3A_230 : i32 to index
        %get3A_240 = arith.constant 0 : index
        %get3A_241 = tpu.vector_load %arg22[%get3A_239, %get3A_240] {strides = array<i32>} : memref<24x144xf32, #tpu.memory_space<vmem>>, vector<16xf32>,
        %get3A_242 = arith.index_cast %add3A_230 : i32 to index
        %get3A_243 = arith.constant 0 : index
        %get3A_244 = tpu.vector_load %arg24[%get3A_242, %get3A_243] {strides = array<i32>} : memref<24x144xf32, #tpu.memory_space<vmem>>, vector<16xf32>,
        %add3A_245 = arith.addf %get3A_241, %get3A_244 : vector<16xf32>
        %add3A_246 = arith.addf %add3A_245, %bitcast3A_235 : vector<16xf32>
        %get3A_247 = arith.constant 0 : index
        %get3A_248 = tpu.vector_load %arg32[%get3A_247] {strides = array<i32>} : memref<144xf32, #tpu.memory_space<vmem>>, vector<16xf32>,
        %mul3A_249 = arith.mulf %gather3A, %get3A_248 : vector<16xf32>
        %add3A_250 = arith.addf %add3A_246, %mul3A_249 : vector<16xf32>
        %max3A = arith.constant 0.000000e+00 : f32
        %max3A_251 = vector.broadcast %max3A : f32 to vector<16xf32>
        %max3A_252 = arith.maximumf %add3A_250, %max3A_251 : vector<16xf32>
        %swap3A = arith.index_cast %add3A_230 : i32 to index
        %swap3A_253 = arith.constant 0 : index
        %swap3A_254 = tpu.vector_load %arg28[%swap3A, %swap3A_253] {strides = array<i32>} : memref<24x144xf32, #tpu.memory_space<vmem>>, vector<16xf32>,
        tpu.vector_store %arg28[%swap3A, %swap3A_253], %max3A_252 {strides = array<i32>} : memref<24x144xf32, #tpu.memory_space<vmem>>, vector<16xf32>,
        %get3A_255 = arith.index_cast %add3A_230 : i32 to index
        %get3A_256 = arith.constant 16 : index
        %get3A_257 = tpu.vector_load %arg22[%get3A_255, %get3A_256] {strides = array<i32>} : memref<24x144xf32, #tpu.memory_space<vmem>>, vector<16xf32>,
        %get3A_258 = arith.index_cast %add3A_230 : i32 to index
        %get3A_259 = arith.constant 16 : index
        %get3A_260 = tpu.vector_load %arg24[%get3A_258, %get3A_259] {strides = array<i32>} : memref<24x144xf32, #tpu.memory_space<vmem>>, vector<16xf32>,
        %add3A_261 = arith.addf %get3A_257, %get3A_260 : vector<16xf32>
        %add3A_262 = arith.addf %add3A_261, %bitcast3A_238 : vector<16xf32>
        %get3A_263 = arith.constant 16 : index
        %get3A_264 = tpu.vector_load %arg32[%get3A_263] {strides = array<i32>} : memref<144xf32, #tpu.memory_space<vmem>>, vector<16xf32>,
        %mul3A_265 = arith.mulf %gather3A, %get3A_264 : vector<16xf32>
        %add3A_266 = arith.addf %add3A_262, %mul3A_265 : vector<16xf32>
        %max3A_267 = arith.constant 0.000000e+00 : f32
        %max3A_268 = vector.broadcast %max3A_267 : f32 to vector<16xf32>
        %max3A_269 = arith.maximumf %add3A_266, %max3A_268 : vector<16xf32>
        %swap3A_270 = arith.index_cast %add3A_230 : i32 to index
        %swap3A_271 = arith.constant 16 : index
        %swap3A_272 = tpu.vector_load %arg28[%swap3A_270, %swap3A_271] {strides = array<i32>} : memref<24x144xf32, #tpu.memory_space<vmem>>, vector<16xf32>,
        tpu.vector_store %arg28[%swap3A_270, %swap3A_271], %max3A_269 {strides = array<i32>} : memref<24x144xf32, #tpu.memory_space<vmem>>, vector<16xf32>,
        %get3A_273 = arith.index_cast %add3A_230 : i32 to index
        %get3A_274 = arith.constant 32 : index
        %get3A_275 = tpu.vector_load %arg26[%get3A_273, %get3A_274] {strides = array<i32>} : memref<24x160xbf16, #tpu.memory_space<vmem>>, vector<32xbf16>,
        %bitcast3A_276 = vector.bitcast %get3A_275 : vector<32xbf16> to vector<16xi32>
        %shift_left3A_277 = arith.constant 16 : i32
        %shift_left3A_278 = vector.broadcast %shift_left3A_277 : i32 to vector<16xi32>
        %shift_left3A_279 = arith.shli %bitcast3A_276, %shift_left3A_278 : vector<16xi32>
        %bitcast3A_280 = vector.bitcast %shift_left3A_279 : vector<16xi32> to vector<16xf32>
        %and3A_281 = arith.constant -65536 : i32
        %and3A_282 = vector.broadcast %and3A_281 : i32 to vector<16xi32>
        %and3A_283 = arith.andi %bitcast3A_276, %and3A_282 : vector<16xi32>
        %bitcast3A_284 = vector.bitcast %and3A_283 : vector<16xi32> to vector<16xf32>
        %get3A_285 = arith.index_cast %add3A_230 : i32 to index
        %get3A_286 = arith.constant 32 : index
        %get3A_287 = tpu.vector_load %arg22[%get3A_285, %get3A_286] {strides = array<i32>} : memref<24x144xf32, #tpu.memory_space<vmem>>, vector<16xf32>,
        %get3A_288 = arith.index_cast %add3A_230 : i32 to index
        %get3A_289 = arith.constant 32 : index
        %get3A_290 = tpu.vector_load %arg24[%get3A_288, %get3A_289] {strides = array<i32>} : memref<24x144xf32, #tpu.memory_space<vmem>>, vector<16xf32>,
        %add3A_291 = arith.addf %get3A_287, %get3A_290 : vector<16xf32>
        %add3A_292 = arith.addf %add3A_291, %bitcast3A_280 : vector<16xf32>
        %get3A_293 = arith.constant 32 : index
        %get3A_294 = tpu.vector_load %arg32[%get3A_293] {strides = array<i32>} : memref<144xf32, #tpu.memory_space<vmem>>, vector<16xf32>,
        %mul3A_295 = arith.mulf %gather3A, %get3A_294 : vector<16xf32>
        %add3A_296 = arith.addf %add3A_292, %mul3A_295 : vector<16xf32>
        %max3A_297 = arith.constant 0.000000e+00 : f32
        %max3A_298 = vector.broadcast %max3A_297 : f32 to vector<16xf32>
        %max3A_299 = arith.maximumf %add3A_296, %max3A_298 : vector<16xf32>
        %swap3A_300 = arith.index_cast %add3A_230 : i32 to index
        %swap3A_301 = arith.constant 32 : index
        %swap3A_302 = tpu.vector_load %arg28[%swap3A_300, %swap3A_301] {strides = array<i32>} : memref<24x144xf32, #tpu.memory_space<vmem>>, vector<16xf32>,
        tpu.vector_store %arg28[%swap3A_300, %swap3A_301], %max3A_299 {strides = array<i32>} : memref<24x144xf32, #tpu.memory_space<vmem>>, vector<16xf32>,
        %get3A_303 = arith.index_cast %add3A_230 : i32 to index
        %get3A_304 = arith.constant 48 : index
        %get3A_305 = tpu.vector_load %arg22[%get3A_303, %get3A_304] {strides = array<i32>} : memref<24x144xf32, #tpu.memory_space<vmem>>, vector<16xf32>,
        %get3A_306 = arith.index_cast %add3A_230 : i32 to index
        %get3A_307 = arith.constant 48 : index
        %get3A_308 = tpu.vector_load %arg24[%get3A_306, %get3A_307] {strides = array<i32>} : memref<24x144xf32, #tpu.memory_space<vmem>>, vector<16xf32>,
        %add3A_309 = arith.addf %get3A_305, %get3A_308 : vector<16xf32>
        %add3A_310 = arith.addf %add3A_309, %bitcast3A_284 : vector<16xf32>
        %get3A_311 = arith.constant 48 : index
        %get3A_312 = tpu.vector_load %arg32[%get3A_311] {strides = array<i32>} : memref<144xf32, #tpu.memory_space<vmem>>, vector<16xf32>,
        %mul3A_313 = arith.mulf %gather3A, %get3A_312 : vector<16xf32>
        %add3A_314 = arith.addf %add3A_310, %mul3A_313 : vector<16xf32>
        %max3A_315 = arith.constant 0.000000e+00 : f32
        %max3A_316 = vector.broadcast %max3A_315 : f32 to vector<16xf32>
        %max3A_317 = arith.maximumf %add3A_314, %max3A_316 : vector<16xf32>
        %swap3A_318 = arith.index_cast %add3A_230 : i32 to index
        %swap3A_319 = arith.constant 48 : index
        %swap3A_320 = tpu.vector_load %arg28[%swap3A_318, %swap3A_319] {strides = array<i32>} : memref<24x144xf32, #tpu.memory_space<vmem>>, vector<16xf32>,
        tpu.vector_store %arg28[%swap3A_318, %swap3A_319], %max3A_317 {strides = array<i32>} : memref<24x144xf32, #tpu.memory_space<vmem>>, vector<16xf32>,
        %get3A_321 = arith.index_cast %add3A_230 : i32 to index
        %get3A_322 = arith.constant 64 : index
        %get3A_323 = tpu.vector_load %arg26[%get3A_321, %get3A_322] {strides = array<i32>} : memref<24x160xbf16, #tpu.memory_space<vmem>>, vector<32xbf16>,
        %bitcast3A_324 = vector.bitcast %get3A_323 : vector<32xbf16> to vector<16xi32>
        %shift_left3A_325 = arith.constant 16 : i32
        %shift_left3A_326 = vector.broadcast %shift_left3A_325 : i32 to vector<16xi32>
        %shift_left3A_327 = arith.shli %bitcast3A_324, %shift_left3A_326 : vector<16xi32>
        %bitcast3A_328 = vector.bitcast %shift_left3A_327 : vector<16xi32> to vector<16xf32>
        %and3A_329 = arith.constant -65536 : i32
        %and3A_330 = vector.broadcast %and3A_329 : i32 to vector<16xi32>
        %and3A_331 = arith.andi %bitcast3A_324, %and3A_330 : vector<16xi32>
        %bitcast3A_332 = vector.bitcast %and3A_331 : vector<16xi32> to vector<16xf32>
        %get3A_333 = arith.index_cast %add3A_230 : i32 to index
        %get3A_334 = arith.constant 64 : index
        %get3A_335 = tpu.vector_load %arg22[%get3A_333, %get3A_334] {strides = array<i32>} : memref<24x144xf32, #tpu.memory_space<vmem>>, vector<16xf32>,
        %get3A_336 = arith.index_cast %add3A_230 : i32 to index
        %get3A_337 = arith.constant 64 : index
        %get3A_338 = tpu.vector_load %arg24[%get3A_336, %get3A_337] {strides = array<i32>} : memref<24x144xf32, #tpu.memory_space<vmem>>, vector<16xf32>,
        %add3A_339 = arith.addf %get3A_335, %get3A_338 : vector<16xf32>
        %add3A_340 = arith.addf %add3A_339, %bitcast3A_328 : vector<16xf32>
        %get3A_341 = arith.constant 64 : index
        %get3A_342 = tpu.vector_load %arg32[%get3A_341] {strides = array<i32>} : memref<144xf32, #tpu.memory_space<vmem>>, vector<16xf32>,
        %mul3A_343 = arith.mulf %gather3A, %get3A_342 : vector<16xf32>
        %add3A_344 = arith.addf %add3A_340, %mul3A_343 : vector<16xf32>
        %max3A_345 = arith.constant 0.000000e+00 : f32
        %max3A_346 = vector.broadcast %max3A_345 : f32 to vector<16xf32>
        %max3A_347 = arith.maximumf %add3A_344, %max3A_346 : vector<16xf32>
        %swap3A_348 = arith.index_cast %add3A_230 : i32 to index
        %swap3A_349 = arith.constant 64 : index
        %swap3A_350 = tpu.vector_load %arg28[%swap3A_348, %swap3A_349] {strides = array<i32>} : memref<24x144xf32, #tpu.memory_space<vmem>>, vector<16xf32>,
        tpu.vector_store %arg28[%swap3A_348, %swap3A_349], %max3A_347 {strides = array<i32>} : memref<24x144xf32, #tpu.memory_space<vmem>>, vector<16xf32>,
        %get3A_351 = arith.index_cast %add3A_230 : i32 to index
        %get3A_352 = arith.constant 80 : index
        %get3A_353 = tpu.vector_load %arg22[%get3A_351, %get3A_352] {strides = array<i32>} : memref<24x144xf32, #tpu.memory_space<vmem>>, vector<16xf32>,
        %get3A_354 = arith.index_cast %add3A_230 : i32 to index
        %get3A_355 = arith.constant 80 : index
        %get3A_356 = tpu.vector_load %arg24[%get3A_354, %get3A_355] {strides = array<i32>} : memref<24x144xf32, #tpu.memory_space<vmem>>, vector<16xf32>,
        %add3A_357 = arith.addf %get3A_353, %get3A_356 : vector<16xf32>
        %add3A_358 = arith.addf %add3A_357, %bitcast3A_332 : vector<16xf32>
        %get3A_359 = arith.constant 80 : index
        %get3A_360 = tpu.vector_load %arg32[%get3A_359] {strides = array<i32>} : memref<144xf32, #tpu.memory_space<vmem>>, vector<16xf32>,
        %mul3A_361 = arith.mulf %gather3A, %get3A_360 : vector<16xf32>
        %add3A_362 = arith.addf %add3A_358, %mul3A_361 : vector<16xf32>
        %max3A_363 = arith.constant 0.000000e+00 : f32
        %max3A_364 = vector.broadcast %max3A_363 : f32 to vector<16xf32>
        %max3A_365 = arith.maximumf %add3A_362, %max3A_364 : vector<16xf32>
        %swap3A_366 = arith.index_cast %add3A_230 : i32 to index
        %swap3A_367 = arith.constant 80 : index
        %swap3A_368 = tpu.vector_load %arg28[%swap3A_366, %swap3A_367] {strides = array<i32>} : memref<24x144xf32, #tpu.memory_space<vmem>>, vector<16xf32>,
        tpu.vector_store %arg28[%swap3A_366, %swap3A_367], %max3A_365 {strides = array<i32>} : memref<24x144xf32, #tpu.memory_space<vmem>>, vector<16xf32>,
        %get3A_369 = arith.index_cast %add3A_230 : i32 to index
        %get3A_370 = arith.constant 96 : index
        %get3A_371 = tpu.vector_load %arg26[%get3A_369, %get3A_370] {strides = array<i32>} : memref<24x160xbf16, #tpu.memory_space<vmem>>, vector<32xbf16>,
        %bitcast3A_372 = vector.bitcast %get3A_371 : vector<32xbf16> to vector<16xi32>
        %shift_left3A_373 = arith.constant 16 : i32
        %shift_left3A_374 = vector.broadcast %shift_left3A_373 : i32 to vector<16xi32>
        %shift_left3A_375 = arith.shli %bitcast3A_372, %shift_left3A_374 : vector<16xi32>
        %bitcast3A_376 = vector.bitcast %shift_left3A_375 : vector<16xi32> to vector<16xf32>
        %and3A_377 = arith.constant -65536 : i32
        %and3A_378 = vector.broadcast %and3A_377 : i32 to vector<16xi32>
        %and3A_379 = arith.andi %bitcast3A_372, %and3A_378 : vector<16xi32>
        %bitcast3A_380 = vector.bitcast %and3A_379 : vector<16xi32> to vector<16xf32>
        %get3A_381 = arith.index_cast %add3A_230 : i32 to index
        %get3A_382 = arith.constant 96 : index
        %get3A_383 = tpu.vector_load %arg22[%get3A_381, %get3A_382] {strides = array<i32>} : memref<24x144xf32, #tpu.memory_space<vmem>>, vector<16xf32>,
        %get3A_384 = arith.index_cast %add3A_230 : i32 to index
        %get3A_385 = arith.constant 96 : index
        %get3A_386 = tpu.vector_load %arg24[%get3A_384, %get3A_385] {strides = array<i32>} : memref<24x144xf32, #tpu.memory_space<vmem>>, vector<16xf32>,
        %add3A_387 = arith.addf %get3A_383, %get3A_386 : vector<16xf32>
        %add3A_388 = arith.addf %add3A_387, %bitcast3A_376 : vector<16xf32>
        %get3A_389 = arith.constant 96 : index
        %get3A_390 = tpu.vector_load %arg32[%get3A_389] {strides = array<i32>} : memref<144xf32, #tpu.memory_space<vmem>>, vector<16xf32>,
        %mul3A_391 = arith.mulf %gather3A, %get3A_390 : vector<16xf32>
        %add3A_392 = arith.addf %add3A_388, %mul3A_391 : vector<16xf32>
        %max3A_393 = arith.constant 0.000000e+00 : f32
        %max3A_394 = vector.broadcast %max3A_393 : f32 to vector<16xf32>
        %max3A_395 = arith.maximumf %add3A_392, %max3A_394 : vector<16xf32>
        %swap3A_396 = arith.index_cast %add3A_230 : i32 to index
        %swap3A_397 = arith.constant 96 : index
        %swap3A_398 = tpu.vector_load %arg28[%swap3A_396, %swap3A_397] {strides = array<i32>} : memref<24x144xf32, #tpu.memory_space<vmem>>, vector<16xf32>,
        tpu.vector_store %arg28[%swap3A_396, %swap3A_397], %max3A_395 {strides = array<i32>} : memref<24x144xf32, #tpu.memory_space<vmem>>, vector<16xf32>,
        %get3A_399 = arith.index_cast %add3A_230 : i32 to index
        %get3A_400 = arith.constant 112 : index
        %get3A_401 = tpu.vector_load %arg22[%get3A_399, %get3A_400] {strides = array<i32>} : memref<24x144xf32, #tpu.memory_space<vmem>>, vector<16xf32>,
        %get3A_402 = arith.index_cast %add3A_230 : i32 to index
        %get3A_403 = arith.constant 112 : index
        %get3A_404 = tpu.vector_load %arg24[%get3A_402, %get3A_403] {strides = array<i32>} : memref<24x144xf32, #tpu.memory_space<vmem>>, vector<16xf32>,
        %add3A_405 = arith.addf %get3A_401, %get3A_404 : vector<16xf32>
        %add3A_406 = arith.addf %add3A_405, %bitcast3A_380 : vector<16xf32>
        %get3A_407 = arith.constant 112 : index
        %get3A_408 = tpu.vector_load %arg32[%get3A_407] {strides = array<i32>} : memref<144xf32, #tpu.memory_space<vmem>>, vector<16xf32>,
        %mul3A_409 = arith.mulf %gather3A, %get3A_408 : vector<16xf32>
        %add3A_410 = arith.addf %add3A_406, %mul3A_409 : vector<16xf32>
        %max3A_411 = arith.constant 0.000000e+00 : f32
        %max3A_412 = vector.broadcast %max3A_411 : f32 to vector<16xf32>
        %max3A_413 = arith.maximumf %add3A_410, %max3A_412 : vector<16xf32>
        %swap3A_414 = arith.index_cast %add3A_230 : i32 to index
        %swap3A_415 = arith.constant 112 : index
        %swap3A_416 = tpu.vector_load %arg28[%swap3A_414, %swap3A_415] {strides = array<i32>} : memref<24x144xf32, #tpu.memory_space<vmem>>, vector<16xf32>,
        tpu.vector_store %arg28[%swap3A_414, %swap3A_415], %max3A_413 {strides = array<i32>} : memref<24x144xf32, #tpu.memory_space<vmem>>, vector<16xf32>,
        %get3A_417 = arith.index_cast %add3A_230 : i32 to index
        %get3A_418 = arith.constant 128 : index
        %get3A_419 = tpu.vector_load %arg26[%get3A_417, %get3A_418] {strides = array<i32>} : memref<24x160xbf16, #tpu.memory_space<vmem>>, vector<32xbf16>,
        %bitcast3A_420 = vector.bitcast %get3A_419 : vector<32xbf16> to vector<16xi32>
        %shift_left3A_421 = arith.constant 16 : i32
        %shift_left3A_422 = vector.broadcast %shift_left3A_421 : i32 to vector<16xi32>
        %shift_left3A_423 = arith.shli %bitcast3A_420, %shift_left3A_422 : vector<16xi32>
        %bitcast3A_424 = vector.bitcast %shift_left3A_423 : vector<16xi32> to vector<16xf32>
        %and3A_425 = arith.constant -65536 : i32
        %and3A_426 = vector.broadcast %and3A_425 : i32 to vector<16xi32>
        %and3A_427 = arith.andi %bitcast3A_420, %and3A_426 : vector<16xi32>
        %bitcast3A_428 = vector.bitcast %and3A_427 : vector<16xi32> to vector<16xf32>
        %get3A_429 = arith.index_cast %add3A_230 : i32 to index
        %get3A_430 = arith.constant 128 : index
        %get3A_431 = tpu.vector_load %arg22[%get3A_429, %get3A_430] {strides = array<i32>} : memref<24x144xf32, #tpu.memory_space<vmem>>, vector<16xf32>,
        %get3A_432 = arith.index_cast %add3A_230 : i32 to index
        %get3A_433 = arith.constant 128 : index
        %get3A_434 = tpu.vector_load %arg24[%get3A_432, %get3A_433] {strides = array<i32>} : memref<24x144xf32, #tpu.memory_space<vmem>>, vector<16xf32>,
        %add3A_435 = arith.addf %get3A_431, %get3A_434 : vector<16xf32>
        %add3A_436 = arith.addf %add3A_435, %bitcast3A_424 : vector<16xf32>
        %get3A_437 = arith.constant 128 : index
        %get3A_438 = tpu.vector_load %arg32[%get3A_437] {strides = array<i32>} : memref<144xf32, #tpu.memory_space<vmem>>, vector<16xf32>,
        %mul3A_439 = arith.mulf %gather3A, %get3A_438 : vector<16xf32>
        %add3A_440 = arith.addf %add3A_436, %mul3A_439 : vector<16xf32>
        %max3A_441 = arith.constant 0.000000e+00 : f32
        %max3A_442 = vector.broadcast %max3A_441 : f32 to vector<16xf32>
        %max3A_443 = arith.maximumf %add3A_440, %max3A_442 : vector<16xf32>
        %swap3A_444 = arith.index_cast %add3A_230 : i32 to index
        %swap3A_445 = arith.constant 128 : index
        %swap3A_446 = tpu.vector_load %arg28[%swap3A_444, %swap3A_445] {strides = array<i32>} : memref<24x144xf32, #tpu.memory_space<vmem>>, vector<16xf32>,
        tpu.vector_store %arg28[%swap3A_444, %swap3A_445], %max3A_443 {strides = array<i32>} : memref<24x144xf32, #tpu.memory_space<vmem>>, vector<16xf32>,
      }
      %scan3A_181 = arith.constant 24 : i32
      %dma_start3A_182 = arith.constant 0 : i32
      %dma_start3A_183 = arith.constant 0 : i32
      %dma_start3A_184 = tpu.memref_slice %arg34[%dma_start3A_182, %dma_start3A_183] : memref<10016x144xf32, #tpu.memory_space<vmem_shared>> -> memref<10016x144xf32, #tpu.memory_space<vmem_shared>>
      tpu.enqueue_indirect_dma source(%arg28 : memref<24x144xf32, #tpu.memory_space<vmem>>) target(%dma_start3A_184 : memref<10016x144xf32, #tpu.memory_space<vmem_shared>>) offsets(%arg16 : memref<24xi32, #tpu.memory_space<vmem>>) semaphore(%arg42 : memref<!tpu.dma_semaphore, #tpu.memory_space<semaphore_mem>>) {add = true}
      %dma_start3A_185 = arith.constant 0 : i32
      %dma_start3A_186 = arith.constant 0 : i32
      %dma_start3A_187 = tpu.memref_slice %arg35[%dma_start3A_185, %dma_start3A_186] : memref<10016x8xf32, #tpu.memory_space<vmem_shared>> -> memref<10016x8xf32, #tpu.memory_space<vmem_shared>>
      tpu.enqueue_indirect_dma source(%arg33 : memref<24x8xf32, #tpu.memory_space<vmem>>) target(%dma_start3A_187 : memref<10016x8xf32, #tpu.memory_space<vmem_shared>>) offsets(%arg16 : memref<24xi32, #tpu.memory_space<vmem>>) semaphore(%arg42 : memref<!tpu.dma_semaphore, #tpu.memory_space<semaphore_mem>>) {add = true}
      %add3A_188 = arith.constant 3 : i32
      %add3A_189 = arith.addi %mul3A_73, %add3A_188 : i32
      %convert_element_type3A_190 = arith.extui %lt3A_74 : i1 to i32
      %cond3A_191 = arith.constant 0 : i32
      %cond3A_192 = arith.cmpi ne, %convert_element_type3A_190, %cond3A_191 : i32
      scf.if %cond3A_192 {
        %dma_wait3A_226 = arith.constant 0 : i32
        %dma_wait3A_227 = tpu.memref_slice %arg5[%dma_wait3A_226] : memref<322560xi32, #tpu.memory_space<hbm>> -> memref<24xi32, #tpu.memory_space<hbm>>
        %dma_wait3A_228 = arith.constant 0 : i32
        %dma_wait3A_229 = tpu.memref_slice %arg5[%dma_wait3A_228] : memref<322560xi32, #tpu.memory_space<hbm>> -> memref<24xi32, #tpu.memory_space<hbm>>
        tpu.wait_dma2 semaphore(%arg36 : memref<!tpu.dma_semaphore, #tpu.memory_space<semaphore_mem>>) src(%dma_wait3A_229 : memref<24xi32, #tpu.memory_space<hbm>>) dst(%arg14 : memref<24xi32, #tpu.memory_space<vmem>>)
        %dma_wait3A_230 = arith.constant 0 : i32
        %dma_wait3A_231 = tpu.memref_slice %arg6[%dma_wait3A_230] : memref<322560xi32, #tpu.memory_space<hbm>> -> memref<24xi32, #tpu.memory_space<hbm>>
        %dma_wait3A_232 = arith.constant 0 : i32
        %dma_wait3A_233 = tpu.memref_slice %arg6[%dma_wait3A_232] : memref<322560xi32, #tpu.memory_space<hbm>> -> memref<24xi32, #tpu.memory_space<hbm>>
        tpu.wait_dma2 semaphore(%arg36 : memref<!tpu.dma_semaphore, #tpu.memory_space<semaphore_mem>>) src(%dma_wait3A_233 : memref<24xi32, #tpu.memory_space<hbm>>) dst(%arg18 : memref<24xi32, #tpu.memory_space<vmem>>)
        %add3A_234 = arith.constant 1 : i32
        %add3A_235 = arith.addi %add3A_189, %add3A_234 : i32
        %mul3A_236 = arith.constant 24 : i32
        %mul3A_237 = arith.muli %add3A_235, %mul3A_236 : i32
        %add3A_238 = arith.addi %mul3A_6, %mul3A_237 : i32
        %multiple_of3A_239 = tpu.assume_multiple %add3A_238, 8 : i32
        %dma_start3A_240 = arith.constant 0 : i32
        %dma_start3A_241 = arith.constant 0 : i32
        %dma_start3A_242 = tpu.memref_slice %arg2[%dma_start3A_240, %dma_start3A_241] : memref<10016x144xf32, #tpu.memory_space<hbm>> -> memref<10016x144xf32, #tpu.memory_space<hbm>>
        tpu.enqueue_indirect_dma source(%dma_start3A_242 : memref<10016x144xf32, #tpu.memory_space<hbm>>) target(%arg22 : memref<24x144xf32, #tpu.memory_space<vmem>>) offsets(%arg14 : memref<24xi32, #tpu.memory_space<vmem>>) semaphore(%arg40 : memref<!tpu.dma_semaphore, #tpu.memory_space<semaphore_mem>>)
        %dma_start3A_243 = arith.constant 0 : i32
        %dma_start3A_244 = arith.constant 0 : i32
        %dma_start3A_245 = tpu.memref_slice %arg3[%dma_start3A_243, %dma_start3A_244] : memref<10016x144xf32, #tpu.memory_space<hbm>> -> memref<10016x144xf32, #tpu.memory_space<hbm>>
        tpu.enqueue_indirect_dma source(%dma_start3A_245 : memref<10016x144xf32, #tpu.memory_space<hbm>>) target(%arg24 : memref<24x144xf32, #tpu.memory_space<vmem>>) offsets(%arg18 : memref<24xi32, #tpu.memory_space<vmem>>) semaphore(%arg40 : memref<!tpu.dma_semaphore, #tpu.memory_space<semaphore_mem>>)
        %dma_start3A_246 = arith.constant 0 : i32
        %dma_start3A_247 = tpu.memref_slice %arg4[%multiple_of3A_239, %dma_start3A_246] : memref<322560x160xbf16, #tpu.memory_space<hbm>> -> memref<24x160xbf16, #tpu.memory_space<hbm>>
        %dma_start3A_248 = arith.constant 0 : i32
        %dma_start3A_249 = tpu.memref_slice %arg4[%multiple_of3A_239, %dma_start3A_248] : memref<322560x160xbf16, #tpu.memory_space<hbm>> -> memref<24x160xbf16, #tpu.memory_space<hbm>>
        tpu.enqueue_dma source(%dma_start3A_249 : memref<24x160xbf16, #tpu.memory_space<hbm>>) target(%arg26 : memref<24x160xbf16, #tpu.memory_space<vmem>>) target_semaphore(%arg40 : memref<!tpu.dma_semaphore, #tpu.memory_space<semaphore_mem>>)
        %dma_start3A_250 = tpu.memref_slice %arg7[%multiple_of3A_239] : memref<322560xf32, #tpu.memory_space<hbm>> -> memref<24xf32, #tpu.memory_space<hbm>>
        %dma_start3A_251 = tpu.memref_slice %arg7[%multiple_of3A_239] : memref<322560xf32, #tpu.memory_space<hbm>> -> memref<24xf32, #tpu.memory_space<hbm>>
        tpu.enqueue_dma source(%dma_start3A_251 : memref<24xf32, #tpu.memory_space<hbm>>) target(%arg30 : memref<24xf32, #tpu.memory_space<vmem>>) target_semaphore(%arg40 : memref<!tpu.dma_semaphore, #tpu.memory_space<semaphore_mem>>)
      } else {
      }
      %dma_wait3A_193 = arith.constant 0 : i32
      %dma_wait3A_194 = arith.constant 0 : i32
      %dma_wait3A_195 = tpu.memref_slice %arg2[%dma_wait3A_193, %dma_wait3A_194] : memref<10016x144xf32, #tpu.memory_space<hbm>> -> memref<10016x144xf32, #tpu.memory_space<hbm>>
      tpu.wait_indirect_dma semaphore(%arg41 : memref<!tpu.dma_semaphore, #tpu.memory_space<semaphore_mem>>) src(%dma_wait3A_195 : memref<10016x144xf32, #tpu.memory_space<hbm>>) dst(%arg23 : memref<24x144xf32, #tpu.memory_space<vmem>>)
      %dma_wait3A_196 = arith.constant 0 : i32
      %dma_wait3A_197 = arith.constant 0 : i32
      %dma_wait3A_198 = tpu.memref_slice %arg3[%dma_wait3A_196, %dma_wait3A_197] : memref<10016x144xf32, #tpu.memory_space<hbm>> -> memref<10016x144xf32, #tpu.memory_space<hbm>>
      tpu.wait_indirect_dma semaphore(%arg41 : memref<!tpu.dma_semaphore, #tpu.memory_space<semaphore_mem>>) src(%dma_wait3A_198 : memref<10016x144xf32, #tpu.memory_space<hbm>>) dst(%arg25 : memref<24x144xf32, #tpu.memory_space<vmem>>)
      %dma_wait3A_199 = arith.constant 0 : i32
      %dma_wait3A_200 = arith.constant 0 : i32
      %dma_wait3A_201 = tpu.memref_slice %arg4[%dma_wait3A_199, %dma_wait3A_200] : memref<322560x160xbf16, #tpu.memory_space<hbm>> -> memref<24x160xbf16, #tpu.memory_space<hbm>>
      %dma_wait3A_202 = arith.constant 0 : i32
      %dma_wait3A_203 = arith.constant 0 : i32
      %dma_wait3A_204 = tpu.memref_slice %arg4[%dma_wait3A_202, %dma_wait3A_203] : memref<322560x160xbf16, #tpu.memory_space<hbm>> -> memref<24x160xbf16, #tpu.memory_space<hbm>>
      tpu.wait_dma2 semaphore(%arg41 : memref<!tpu.dma_semaphore, #tpu.memory_space<semaphore_mem>>) src(%dma_wait3A_204 : memref<24x160xbf16, #tpu.memory_space<hbm>>) dst(%arg27 : memref<24x160xbf16, #tpu.memory_space<vmem>>)
      %dma_wait3A_205 = arith.constant 0 : i32
      %dma_wait3A_206 = tpu.memref_slice %arg7[%dma_wait3A_205] : memref<322560xf32, #tpu.memory_space<hbm>> -> memref<24xf32, #tpu.memory_space<hbm>>
      %dma_wait3A_207 = arith.constant 0 : i32
      %dma_wait3A_208 = tpu.memref_slice %arg7[%dma_wait3A_207] : memref<322560xf32, #tpu.memory_space<hbm>> -> memref<24xf32, #tpu.memory_space<hbm>>
      tpu.wait_dma2 semaphore(%arg41 : memref<!tpu.dma_semaphore, #tpu.memory_space<semaphore_mem>>) src(%dma_wait3A_208 : memref<24xf32, #tpu.memory_space<hbm>>) dst(%arg31 : memref<24xf32, #tpu.memory_space<vmem>>)
      %convert_element_type3A_209 = arith.extui %scan3A : i1 to i32
      %cond3A_210 = arith.constant 0 : i32
      %cond3A_211 = arith.cmpi ne, %convert_element_type3A_209, %cond3A_210 : i32
      scf.if %cond3A_211 {
        %dma_wait3A_226 = arith.constant 0 : i32
        %dma_wait3A_227 = arith.constant 0 : i32
        %dma_wait3A_228 = tpu.memref_slice %arg34[%dma_wait3A_226, %dma_wait3A_227] : memref<10016x144xf32, #tpu.memory_space<vmem_shared>> -> memref<10016x144xf32, #tpu.memory_space<vmem_shared>>
        tpu.wait_indirect_dma semaphore(%arg43 : memref<!tpu.dma_semaphore, #tpu.memory_space<semaphore_mem>>) src(%arg29 : memref<24x144xf32, #tpu.memory_space<vmem>>) dst(%dma_wait3A_228 : memref<10016x144xf32, #tpu.memory_space<vmem_shared>>)
        %dma_wait3A_229 = arith.constant 0 : i32
        %dma_wait3A_230 = arith.constant 0 : i32
        %dma_wait3A_231 = tpu.memref_slice %arg35[%dma_wait3A_229, %dma_wait3A_230] : memref<10016x8xf32, #tpu.memory_space<vmem_shared>> -> memref<10016x8xf32, #tpu.memory_space<vmem_shared>>
        tpu.wait_indirect_dma semaphore(%arg43 : memref<!tpu.dma_semaphore, #tpu.memory_space<semaphore_mem>>) src(%arg33 : memref<24x8xf32, #tpu.memory_space<vmem>>) dst(%dma_wait3A_231 : memref<10016x8xf32, #tpu.memory_space<vmem_shared>>)
      } else {
      }
      %convert_element_type3A_212 = arith.extui %lt3A_74 : i1 to i32
      %cond3A_213 = arith.constant 0 : i32
      %cond3A_214 = arith.cmpi ne, %convert_element_type3A_212, %cond3A_213 : i32
      scf.if %cond3A_214 {
        %add3A_226 = arith.constant 2 : i32
        %add3A_227 = arith.addi %add3A_189, %add3A_226 : i32
        %mul3A_228 = arith.constant 24 : i32
        %mul3A_229 = arith.muli %add3A_227, %mul3A_228 : i32
        %add3A_230 = arith.addi %mul3A_6, %mul3A_229 : i32
        %multiple_of3A_231 = tpu.assume_multiple %add3A_230, 8 : i32
        %dma_start3A_232 = tpu.memref_slice %arg5[%multiple_of3A_231] : memref<322560xi32, #tpu.memory_space<hbm>> -> memref<24xi32, #tpu.memory_space<hbm>>
        %dma_start3A_233 = tpu.memref_slice %arg5[%multiple_of3A_231] : memref<322560xi32, #tpu.memory_space<hbm>> -> memref<24xi32, #tpu.memory_space<hbm>>
        tpu.enqueue_dma source(%dma_start3A_233 : memref<24xi32, #tpu.memory_space<hbm>>) target(%arg15 : memref<24xi32, #tpu.memory_space<vmem>>) target_semaphore(%arg37 : memref<!tpu.dma_semaphore, #tpu.memory_space<semaphore_mem>>)
        %dma_start3A_234 = tpu.memref_slice %arg6[%multiple_of3A_231] : memref<322560xi32, #tpu.memory_space<hbm>> -> memref<24xi32, #tpu.memory_space<hbm>>
        %dma_start3A_235 = tpu.memref_slice %arg6[%multiple_of3A_231] : memref<322560xi32, #tpu.memory_space<hbm>> -> memref<24xi32, #tpu.memory_space<hbm>>
        tpu.enqueue_dma source(%dma_start3A_235 : memref<24xi32, #tpu.memory_space<hbm>>) target(%arg19 : memref<24xi32, #tpu.memory_space<vmem>>) target_semaphore(%arg37 : memref<!tpu.dma_semaphore, #tpu.memory_space<semaphore_mem>>)
      } else {
      }
      %scan3A_215 = arith.constant 0 : i32
      %scan3A_216 = arith.constant 24 : i32
      %scan3A_217 = arith.addi %scan3A_215, %scan3A_216 : i32
      %scan3A_218 = arith.constant 1 : i32
      scf.for %scan3A_226 = %scan3A_215 to %scan3A_217 step %scan3A_218  : i32 {
        %mul3A_227 = arith.constant 1 : i32
        %mul3A_228 = arith.muli %scan3A_226, %mul3A_227 : i32
        %add3A_229 = arith.constant 0 : i32
        %add3A_230 = arith.addi %add3A_229, %mul3A_228 : i32
        %broadcast_in_dim3A = vector.broadcast %add3A_230 : i32 to vector<16xi32>
        %gather3A = tpu.vector_load_idx %arg31[%broadcast_in_dim3A] : memref<24xf32, #tpu.memory_space<vmem>>[vector<16xi32>], vector<16xf32>,
        %get3A = arith.index_cast %add3A_230 : i32 to index
        %get3A_231 = arith.constant 0 : index
        %get3A_232 = tpu.vector_load %arg27[%get3A, %get3A_231] {strides = array<i32>} : memref<24x160xbf16, #tpu.memory_space<vmem>>, vector<32xbf16>,
        %bitcast3A = vector.bitcast %get3A_232 : vector<32xbf16> to vector<16xi32>
        %shift_left3A = arith.constant 16 : i32
        %shift_left3A_233 = vector.broadcast %shift_left3A : i32 to vector<16xi32>
        %shift_left3A_234 = arith.shli %bitcast3A, %shift_left3A_233 : vector<16xi32>
        %bitcast3A_235 = vector.bitcast %shift_left3A_234 : vector<16xi32> to vector<16xf32>
        %and3A = arith.constant -65536 : i32
        %and3A_236 = vector.broadcast %and3A : i32 to vector<16xi32>
        %and3A_237 = arith.andi %bitcast3A, %and3A_236 : vector<16xi32>
        %bitcast3A_238 = vector.bitcast %and3A_237 : vector<16xi32> to vector<16xf32>
        %get3A_239 = arith.index_cast %add3A_230 : i32 to index
        %get3A_240 = arith.constant 0 : index
        %get3A_241 = tpu.vector_load %arg23[%get3A_239, %get3A_240] {strides = array<i32>} : memref<24x144xf32, #tpu.memory_space<vmem>>, vector<16xf32>,
        %get3A_242 = arith.index_cast %add3A_230 : i32 to index
        %get3A_243 = arith.constant 0 : index
        %get3A_244 = tpu.vector_load %arg25[%get3A_242, %get3A_243] {strides = array<i32>} : memref<24x144xf32, #tpu.memory_space<vmem>>, vector<16xf32>,
        %add3A_245 = arith.addf %get3A_241, %get3A_244 : vector<16xf32>
        %add3A_246 = arith.addf %add3A_245, %bitcast3A_235 : vector<16xf32>
        %get3A_247 = arith.constant 0 : index
        %get3A_248 = tpu.vector_load %arg32[%get3A_247] {strides = array<i32>} : memref<144xf32, #tpu.memory_space<vmem>>, vector<16xf32>,
        %mul3A_249 = arith.mulf %gather3A, %get3A_248 : vector<16xf32>
        %add3A_250 = arith.addf %add3A_246, %mul3A_249 : vector<16xf32>
        %max3A = arith.constant 0.000000e+00 : f32
        %max3A_251 = vector.broadcast %max3A : f32 to vector<16xf32>
        %max3A_252 = arith.maximumf %add3A_250, %max3A_251 : vector<16xf32>
        %swap3A = arith.index_cast %add3A_230 : i32 to index
        %swap3A_253 = arith.constant 0 : index
        %swap3A_254 = tpu.vector_load %arg29[%swap3A, %swap3A_253] {strides = array<i32>} : memref<24x144xf32, #tpu.memory_space<vmem>>, vector<16xf32>,
        tpu.vector_store %arg29[%swap3A, %swap3A_253], %max3A_252 {strides = array<i32>} : memref<24x144xf32, #tpu.memory_space<vmem>>, vector<16xf32>,
        %get3A_255 = arith.index_cast %add3A_230 : i32 to index
        %get3A_256 = arith.constant 16 : index
        %get3A_257 = tpu.vector_load %arg23[%get3A_255, %get3A_256] {strides = array<i32>} : memref<24x144xf32, #tpu.memory_space<vmem>>, vector<16xf32>,
        %get3A_258 = arith.index_cast %add3A_230 : i32 to index
        %get3A_259 = arith.constant 16 : index
        %get3A_260 = tpu.vector_load %arg25[%get3A_258, %get3A_259] {strides = array<i32>} : memref<24x144xf32, #tpu.memory_space<vmem>>, vector<16xf32>,
        %add3A_261 = arith.addf %get3A_257, %get3A_260 : vector<16xf32>
        %add3A_262 = arith.addf %add3A_261, %bitcast3A_238 : vector<16xf32>
        %get3A_263 = arith.constant 16 : index
        %get3A_264 = tpu.vector_load %arg32[%get3A_263] {strides = array<i32>} : memref<144xf32, #tpu.memory_space<vmem>>, vector<16xf32>,
        %mul3A_265 = arith.mulf %gather3A, %get3A_264 : vector<16xf32>
        %add3A_266 = arith.addf %add3A_262, %mul3A_265 : vector<16xf32>
        %max3A_267 = arith.constant 0.000000e+00 : f32
        %max3A_268 = vector.broadcast %max3A_267 : f32 to vector<16xf32>
        %max3A_269 = arith.maximumf %add3A_266, %max3A_268 : vector<16xf32>
        %swap3A_270 = arith.index_cast %add3A_230 : i32 to index
        %swap3A_271 = arith.constant 16 : index
        %swap3A_272 = tpu.vector_load %arg29[%swap3A_270, %swap3A_271] {strides = array<i32>} : memref<24x144xf32, #tpu.memory_space<vmem>>, vector<16xf32>,
        tpu.vector_store %arg29[%swap3A_270, %swap3A_271], %max3A_269 {strides = array<i32>} : memref<24x144xf32, #tpu.memory_space<vmem>>, vector<16xf32>,
        %get3A_273 = arith.index_cast %add3A_230 : i32 to index
        %get3A_274 = arith.constant 32 : index
        %get3A_275 = tpu.vector_load %arg27[%get3A_273, %get3A_274] {strides = array<i32>} : memref<24x160xbf16, #tpu.memory_space<vmem>>, vector<32xbf16>,
        %bitcast3A_276 = vector.bitcast %get3A_275 : vector<32xbf16> to vector<16xi32>
        %shift_left3A_277 = arith.constant 16 : i32
        %shift_left3A_278 = vector.broadcast %shift_left3A_277 : i32 to vector<16xi32>
        %shift_left3A_279 = arith.shli %bitcast3A_276, %shift_left3A_278 : vector<16xi32>
        %bitcast3A_280 = vector.bitcast %shift_left3A_279 : vector<16xi32> to vector<16xf32>
        %and3A_281 = arith.constant -65536 : i32
        %and3A_282 = vector.broadcast %and3A_281 : i32 to vector<16xi32>
        %and3A_283 = arith.andi %bitcast3A_276, %and3A_282 : vector<16xi32>
        %bitcast3A_284 = vector.bitcast %and3A_283 : vector<16xi32> to vector<16xf32>
        %get3A_285 = arith.index_cast %add3A_230 : i32 to index
        %get3A_286 = arith.constant 32 : index
        %get3A_287 = tpu.vector_load %arg23[%get3A_285, %get3A_286] {strides = array<i32>} : memref<24x144xf32, #tpu.memory_space<vmem>>, vector<16xf32>,
        %get3A_288 = arith.index_cast %add3A_230 : i32 to index
        %get3A_289 = arith.constant 32 : index
        %get3A_290 = tpu.vector_load %arg25[%get3A_288, %get3A_289] {strides = array<i32>} : memref<24x144xf32, #tpu.memory_space<vmem>>, vector<16xf32>,
        %add3A_291 = arith.addf %get3A_287, %get3A_290 : vector<16xf32>
        %add3A_292 = arith.addf %add3A_291, %bitcast3A_280 : vector<16xf32>
        %get3A_293 = arith.constant 32 : index
        %get3A_294 = tpu.vector_load %arg32[%get3A_293] {strides = array<i32>} : memref<144xf32, #tpu.memory_space<vmem>>, vector<16xf32>,
        %mul3A_295 = arith.mulf %gather3A, %get3A_294 : vector<16xf32>
        %add3A_296 = arith.addf %add3A_292, %mul3A_295 : vector<16xf32>
        %max3A_297 = arith.constant 0.000000e+00 : f32
        %max3A_298 = vector.broadcast %max3A_297 : f32 to vector<16xf32>
        %max3A_299 = arith.maximumf %add3A_296, %max3A_298 : vector<16xf32>
        %swap3A_300 = arith.index_cast %add3A_230 : i32 to index
        %swap3A_301 = arith.constant 32 : index
        %swap3A_302 = tpu.vector_load %arg29[%swap3A_300, %swap3A_301] {strides = array<i32>} : memref<24x144xf32, #tpu.memory_space<vmem>>, vector<16xf32>,
        tpu.vector_store %arg29[%swap3A_300, %swap3A_301], %max3A_299 {strides = array<i32>} : memref<24x144xf32, #tpu.memory_space<vmem>>, vector<16xf32>,
        %get3A_303 = arith.index_cast %add3A_230 : i32 to index
        %get3A_304 = arith.constant 48 : index
        %get3A_305 = tpu.vector_load %arg23[%get3A_303, %get3A_304] {strides = array<i32>} : memref<24x144xf32, #tpu.memory_space<vmem>>, vector<16xf32>,
        %get3A_306 = arith.index_cast %add3A_230 : i32 to index
        %get3A_307 = arith.constant 48 : index
        %get3A_308 = tpu.vector_load %arg25[%get3A_306, %get3A_307] {strides = array<i32>} : memref<24x144xf32, #tpu.memory_space<vmem>>, vector<16xf32>,
        %add3A_309 = arith.addf %get3A_305, %get3A_308 : vector<16xf32>
        %add3A_310 = arith.addf %add3A_309, %bitcast3A_284 : vector<16xf32>
        %get3A_311 = arith.constant 48 : index
        %get3A_312 = tpu.vector_load %arg32[%get3A_311] {strides = array<i32>} : memref<144xf32, #tpu.memory_space<vmem>>, vector<16xf32>,
        %mul3A_313 = arith.mulf %gather3A, %get3A_312 : vector<16xf32>
        %add3A_314 = arith.addf %add3A_310, %mul3A_313 : vector<16xf32>
        %max3A_315 = arith.constant 0.000000e+00 : f32
        %max3A_316 = vector.broadcast %max3A_315 : f32 to vector<16xf32>
        %max3A_317 = arith.maximumf %add3A_314, %max3A_316 : vector<16xf32>
        %swap3A_318 = arith.index_cast %add3A_230 : i32 to index
        %swap3A_319 = arith.constant 48 : index
        %swap3A_320 = tpu.vector_load %arg29[%swap3A_318, %swap3A_319] {strides = array<i32>} : memref<24x144xf32, #tpu.memory_space<vmem>>, vector<16xf32>,
        tpu.vector_store %arg29[%swap3A_318, %swap3A_319], %max3A_317 {strides = array<i32>} : memref<24x144xf32, #tpu.memory_space<vmem>>, vector<16xf32>,
        %get3A_321 = arith.index_cast %add3A_230 : i32 to index
        %get3A_322 = arith.constant 64 : index
        %get3A_323 = tpu.vector_load %arg27[%get3A_321, %get3A_322] {strides = array<i32>} : memref<24x160xbf16, #tpu.memory_space<vmem>>, vector<32xbf16>,
        %bitcast3A_324 = vector.bitcast %get3A_323 : vector<32xbf16> to vector<16xi32>
        %shift_left3A_325 = arith.constant 16 : i32
        %shift_left3A_326 = vector.broadcast %shift_left3A_325 : i32 to vector<16xi32>
        %shift_left3A_327 = arith.shli %bitcast3A_324, %shift_left3A_326 : vector<16xi32>
        %bitcast3A_328 = vector.bitcast %shift_left3A_327 : vector<16xi32> to vector<16xf32>
        %and3A_329 = arith.constant -65536 : i32
        %and3A_330 = vector.broadcast %and3A_329 : i32 to vector<16xi32>
        %and3A_331 = arith.andi %bitcast3A_324, %and3A_330 : vector<16xi32>
        %bitcast3A_332 = vector.bitcast %and3A_331 : vector<16xi32> to vector<16xf32>
        %get3A_333 = arith.index_cast %add3A_230 : i32 to index
        %get3A_334 = arith.constant 64 : index
        %get3A_335 = tpu.vector_load %arg23[%get3A_333, %get3A_334] {strides = array<i32>} : memref<24x144xf32, #tpu.memory_space<vmem>>, vector<16xf32>,
        %get3A_336 = arith.index_cast %add3A_230 : i32 to index
        %get3A_337 = arith.constant 64 : index
        %get3A_338 = tpu.vector_load %arg25[%get3A_336, %get3A_337] {strides = array<i32>} : memref<24x144xf32, #tpu.memory_space<vmem>>, vector<16xf32>,
        %add3A_339 = arith.addf %get3A_335, %get3A_338 : vector<16xf32>
        %add3A_340 = arith.addf %add3A_339, %bitcast3A_328 : vector<16xf32>
        %get3A_341 = arith.constant 64 : index
        %get3A_342 = tpu.vector_load %arg32[%get3A_341] {strides = array<i32>} : memref<144xf32, #tpu.memory_space<vmem>>, vector<16xf32>,
        %mul3A_343 = arith.mulf %gather3A, %get3A_342 : vector<16xf32>
        %add3A_344 = arith.addf %add3A_340, %mul3A_343 : vector<16xf32>
        %max3A_345 = arith.constant 0.000000e+00 : f32
        %max3A_346 = vector.broadcast %max3A_345 : f32 to vector<16xf32>
        %max3A_347 = arith.maximumf %add3A_344, %max3A_346 : vector<16xf32>
        %swap3A_348 = arith.index_cast %add3A_230 : i32 to index
        %swap3A_349 = arith.constant 64 : index
        %swap3A_350 = tpu.vector_load %arg29[%swap3A_348, %swap3A_349] {strides = array<i32>} : memref<24x144xf32, #tpu.memory_space<vmem>>, vector<16xf32>,
        tpu.vector_store %arg29[%swap3A_348, %swap3A_349], %max3A_347 {strides = array<i32>} : memref<24x144xf32, #tpu.memory_space<vmem>>, vector<16xf32>,
        %get3A_351 = arith.index_cast %add3A_230 : i32 to index
        %get3A_352 = arith.constant 80 : index
        %get3A_353 = tpu.vector_load %arg23[%get3A_351, %get3A_352] {strides = array<i32>} : memref<24x144xf32, #tpu.memory_space<vmem>>, vector<16xf32>,
        %get3A_354 = arith.index_cast %add3A_230 : i32 to index
        %get3A_355 = arith.constant 80 : index
        %get3A_356 = tpu.vector_load %arg25[%get3A_354, %get3A_355] {strides = array<i32>} : memref<24x144xf32, #tpu.memory_space<vmem>>, vector<16xf32>,
        %add3A_357 = arith.addf %get3A_353, %get3A_356 : vector<16xf32>
        %add3A_358 = arith.addf %add3A_357, %bitcast3A_332 : vector<16xf32>
        %get3A_359 = arith.constant 80 : index
        %get3A_360 = tpu.vector_load %arg32[%get3A_359] {strides = array<i32>} : memref<144xf32, #tpu.memory_space<vmem>>, vector<16xf32>,
        %mul3A_361 = arith.mulf %gather3A, %get3A_360 : vector<16xf32>
        %add3A_362 = arith.addf %add3A_358, %mul3A_361 : vector<16xf32>
        %max3A_363 = arith.constant 0.000000e+00 : f32
        %max3A_364 = vector.broadcast %max3A_363 : f32 to vector<16xf32>
        %max3A_365 = arith.maximumf %add3A_362, %max3A_364 : vector<16xf32>
        %swap3A_366 = arith.index_cast %add3A_230 : i32 to index
        %swap3A_367 = arith.constant 80 : index
        %swap3A_368 = tpu.vector_load %arg29[%swap3A_366, %swap3A_367] {strides = array<i32>} : memref<24x144xf32, #tpu.memory_space<vmem>>, vector<16xf32>,
        tpu.vector_store %arg29[%swap3A_366, %swap3A_367], %max3A_365 {strides = array<i32>} : memref<24x144xf32, #tpu.memory_space<vmem>>, vector<16xf32>,
        %get3A_369 = arith.index_cast %add3A_230 : i32 to index
        %get3A_370 = arith.constant 96 : index
        %get3A_371 = tpu.vector_load %arg27[%get3A_369, %get3A_370] {strides = array<i32>} : memref<24x160xbf16, #tpu.memory_space<vmem>>, vector<32xbf16>,
        %bitcast3A_372 = vector.bitcast %get3A_371 : vector<32xbf16> to vector<16xi32>
        %shift_left3A_373 = arith.constant 16 : i32
        %shift_left3A_374 = vector.broadcast %shift_left3A_373 : i32 to vector<16xi32>
        %shift_left3A_375 = arith.shli %bitcast3A_372, %shift_left3A_374 : vector<16xi32>
        %bitcast3A_376 = vector.bitcast %shift_left3A_375 : vector<16xi32> to vector<16xf32>
        %and3A_377 = arith.constant -65536 : i32
        %and3A_378 = vector.broadcast %and3A_377 : i32 to vector<16xi32>
        %and3A_379 = arith.andi %bitcast3A_372, %and3A_378 : vector<16xi32>
        %bitcast3A_380 = vector.bitcast %and3A_379 : vector<16xi32> to vector<16xf32>
        %get3A_381 = arith.index_cast %add3A_230 : i32 to index
        %get3A_382 = arith.constant 96 : index
        %get3A_383 = tpu.vector_load %arg23[%get3A_381, %get3A_382] {strides = array<i32>} : memref<24x144xf32, #tpu.memory_space<vmem>>, vector<16xf32>,
        %get3A_384 = arith.index_cast %add3A_230 : i32 to index
        %get3A_385 = arith.constant 96 : index
        %get3A_386 = tpu.vector_load %arg25[%get3A_384, %get3A_385] {strides = array<i32>} : memref<24x144xf32, #tpu.memory_space<vmem>>, vector<16xf32>,
        %add3A_387 = arith.addf %get3A_383, %get3A_386 : vector<16xf32>
        %add3A_388 = arith.addf %add3A_387, %bitcast3A_376 : vector<16xf32>
        %get3A_389 = arith.constant 96 : index
        %get3A_390 = tpu.vector_load %arg32[%get3A_389] {strides = array<i32>} : memref<144xf32, #tpu.memory_space<vmem>>, vector<16xf32>,
        %mul3A_391 = arith.mulf %gather3A, %get3A_390 : vector<16xf32>
        %add3A_392 = arith.addf %add3A_388, %mul3A_391 : vector<16xf32>
        %max3A_393 = arith.constant 0.000000e+00 : f32
        %max3A_394 = vector.broadcast %max3A_393 : f32 to vector<16xf32>
        %max3A_395 = arith.maximumf %add3A_392, %max3A_394 : vector<16xf32>
        %swap3A_396 = arith.index_cast %add3A_230 : i32 to index
        %swap3A_397 = arith.constant 96 : index
        %swap3A_398 = tpu.vector_load %arg29[%swap3A_396, %swap3A_397] {strides = array<i32>} : memref<24x144xf32, #tpu.memory_space<vmem>>, vector<16xf32>,
        tpu.vector_store %arg29[%swap3A_396, %swap3A_397], %max3A_395 {strides = array<i32>} : memref<24x144xf32, #tpu.memory_space<vmem>>, vector<16xf32>,
        %get3A_399 = arith.index_cast %add3A_230 : i32 to index
        %get3A_400 = arith.constant 112 : index
        %get3A_401 = tpu.vector_load %arg23[%get3A_399, %get3A_400] {strides = array<i32>} : memref<24x144xf32, #tpu.memory_space<vmem>>, vector<16xf32>,
        %get3A_402 = arith.index_cast %add3A_230 : i32 to index
        %get3A_403 = arith.constant 112 : index
        %get3A_404 = tpu.vector_load %arg25[%get3A_402, %get3A_403] {strides = array<i32>} : memref<24x144xf32, #tpu.memory_space<vmem>>, vector<16xf32>,
        %add3A_405 = arith.addf %get3A_401, %get3A_404 : vector<16xf32>
        %add3A_406 = arith.addf %add3A_405, %bitcast3A_380 : vector<16xf32>
        %get3A_407 = arith.constant 112 : index
        %get3A_408 = tpu.vector_load %arg32[%get3A_407] {strides = array<i32>} : memref<144xf32, #tpu.memory_space<vmem>>, vector<16xf32>,
        %mul3A_409 = arith.mulf %gather3A, %get3A_408 : vector<16xf32>
        %add3A_410 = arith.addf %add3A_406, %mul3A_409 : vector<16xf32>
        %max3A_411 = arith.constant 0.000000e+00 : f32
        %max3A_412 = vector.broadcast %max3A_411 : f32 to vector<16xf32>
        %max3A_413 = arith.maximumf %add3A_410, %max3A_412 : vector<16xf32>
        %swap3A_414 = arith.index_cast %add3A_230 : i32 to index
        %swap3A_415 = arith.constant 112 : index
        %swap3A_416 = tpu.vector_load %arg29[%swap3A_414, %swap3A_415] {strides = array<i32>} : memref<24x144xf32, #tpu.memory_space<vmem>>, vector<16xf32>,
        tpu.vector_store %arg29[%swap3A_414, %swap3A_415], %max3A_413 {strides = array<i32>} : memref<24x144xf32, #tpu.memory_space<vmem>>, vector<16xf32>,
        %get3A_417 = arith.index_cast %add3A_230 : i32 to index
        %get3A_418 = arith.constant 128 : index
        %get3A_419 = tpu.vector_load %arg27[%get3A_417, %get3A_418] {strides = array<i32>} : memref<24x160xbf16, #tpu.memory_space<vmem>>, vector<32xbf16>,
        %bitcast3A_420 = vector.bitcast %get3A_419 : vector<32xbf16> to vector<16xi32>
        %shift_left3A_421 = arith.constant 16 : i32
        %shift_left3A_422 = vector.broadcast %shift_left3A_421 : i32 to vector<16xi32>
        %shift_left3A_423 = arith.shli %bitcast3A_420, %shift_left3A_422 : vector<16xi32>
        %bitcast3A_424 = vector.bitcast %shift_left3A_423 : vector<16xi32> to vector<16xf32>
        %and3A_425 = arith.constant -65536 : i32
        %and3A_426 = vector.broadcast %and3A_425 : i32 to vector<16xi32>
        %and3A_427 = arith.andi %bitcast3A_420, %and3A_426 : vector<16xi32>
        %bitcast3A_428 = vector.bitcast %and3A_427 : vector<16xi32> to vector<16xf32>
        %get3A_429 = arith.index_cast %add3A_230 : i32 to index
        %get3A_430 = arith.constant 128 : index
        %get3A_431 = tpu.vector_load %arg23[%get3A_429, %get3A_430] {strides = array<i32>} : memref<24x144xf32, #tpu.memory_space<vmem>>, vector<16xf32>,
        %get3A_432 = arith.index_cast %add3A_230 : i32 to index
        %get3A_433 = arith.constant 128 : index
        %get3A_434 = tpu.vector_load %arg25[%get3A_432, %get3A_433] {strides = array<i32>} : memref<24x144xf32, #tpu.memory_space<vmem>>, vector<16xf32>,
        %add3A_435 = arith.addf %get3A_431, %get3A_434 : vector<16xf32>
        %add3A_436 = arith.addf %add3A_435, %bitcast3A_424 : vector<16xf32>
        %get3A_437 = arith.constant 128 : index
        %get3A_438 = tpu.vector_load %arg32[%get3A_437] {strides = array<i32>} : memref<144xf32, #tpu.memory_space<vmem>>, vector<16xf32>,
        %mul3A_439 = arith.mulf %gather3A, %get3A_438 : vector<16xf32>
        %add3A_440 = arith.addf %add3A_436, %mul3A_439 : vector<16xf32>
        %max3A_441 = arith.constant 0.000000e+00 : f32
        %max3A_442 = vector.broadcast %max3A_441 : f32 to vector<16xf32>
        %max3A_443 = arith.maximumf %add3A_440, %max3A_442 : vector<16xf32>
        %swap3A_444 = arith.index_cast %add3A_230 : i32 to index
        %swap3A_445 = arith.constant 128 : index
        %swap3A_446 = tpu.vector_load %arg29[%swap3A_444, %swap3A_445] {strides = array<i32>} : memref<24x144xf32, #tpu.memory_space<vmem>>, vector<16xf32>,
        tpu.vector_store %arg29[%swap3A_444, %swap3A_445], %max3A_443 {strides = array<i32>} : memref<24x144xf32, #tpu.memory_space<vmem>>, vector<16xf32>,
      }
      %scan3A_219 = arith.constant 24 : i32
      %dma_start3A_220 = arith.constant 0 : i32
      %dma_start3A_221 = arith.constant 0 : i32
      %dma_start3A_222 = tpu.memref_slice %arg34[%dma_start3A_220, %dma_start3A_221] : memref<10016x144xf32, #tpu.memory_space<vmem_shared>> -> memref<10016x144xf32, #tpu.memory_space<vmem_shared>>
      tpu.enqueue_indirect_dma source(%arg29 : memref<24x144xf32, #tpu.memory_space<vmem>>) target(%dma_start3A_222 : memref<10016x144xf32, #tpu.memory_space<vmem_shared>>) offsets(%arg17 : memref<24xi32, #tpu.memory_space<vmem>>) semaphore(%arg43 : memref<!tpu.dma_semaphore, #tpu.memory_space<semaphore_mem>>) {add = true}
      %dma_start3A_223 = arith.constant 0 : i32
      %dma_start3A_224 = arith.constant 0 : i32
      %dma_start3A_225 = tpu.memref_slice %arg35[%dma_start3A_223, %dma_start3A_224] : memref<10016x8xf32, #tpu.memory_space<vmem_shared>> -> memref<10016x8xf32, #tpu.memory_space<vmem_shared>>
      tpu.enqueue_indirect_dma source(%arg33 : memref<24x8xf32, #tpu.memory_space<vmem>>) target(%dma_start3A_225 : memref<10016x8xf32, #tpu.memory_space<vmem_shared>>) offsets(%arg17 : memref<24xi32, #tpu.memory_space<vmem>>) semaphore(%arg43 : memref<!tpu.dma_semaphore, #tpu.memory_space<semaphore_mem>>) {add = true}
    }
    %scan3A_45 = arith.constant 105 : i32
    %dma_wait3A_46 = arith.constant 0 : i32
    %dma_wait3A_47 = arith.constant 0 : i32
    %dma_wait3A_48 = tpu.memref_slice %arg34[%dma_wait3A_46, %dma_wait3A_47] : memref<10016x144xf32, #tpu.memory_space<vmem_shared>> -> memref<10016x144xf32, #tpu.memory_space<vmem_shared>>
    tpu.wait_indirect_dma semaphore(%arg42 : memref<!tpu.dma_semaphore, #tpu.memory_space<semaphore_mem>>) src(%arg28 : memref<24x144xf32, #tpu.memory_space<vmem>>) dst(%dma_wait3A_48 : memref<10016x144xf32, #tpu.memory_space<vmem_shared>>)
    %dma_wait3A_49 = arith.constant 0 : i32
    %dma_wait3A_50 = arith.constant 0 : i32
    %dma_wait3A_51 = tpu.memref_slice %arg35[%dma_wait3A_49, %dma_wait3A_50] : memref<10016x8xf32, #tpu.memory_space<vmem_shared>> -> memref<10016x8xf32, #tpu.memory_space<vmem_shared>>
    tpu.wait_indirect_dma semaphore(%arg42 : memref<!tpu.dma_semaphore, #tpu.memory_space<semaphore_mem>>) src(%arg33 : memref<24x8xf32, #tpu.memory_space<vmem>>) dst(%dma_wait3A_51 : memref<10016x8xf32, #tpu.memory_space<vmem_shared>>)
    %dma_wait3A_52 = arith.constant 0 : i32
    %dma_wait3A_53 = arith.constant 0 : i32
    %dma_wait3A_54 = tpu.memref_slice %arg34[%dma_wait3A_52, %dma_wait3A_53] : memref<10016x144xf32, #tpu.memory_space<vmem_shared>> -> memref<10016x144xf32, #tpu.memory_space<vmem_shared>>
    tpu.wait_indirect_dma semaphore(%arg43 : memref<!tpu.dma_semaphore, #tpu.memory_space<semaphore_mem>>) src(%arg29 : memref<24x144xf32, #tpu.memory_space<vmem>>) dst(%dma_wait3A_54 : memref<10016x144xf32, #tpu.memory_space<vmem_shared>>)
    %dma_wait3A_55 = arith.constant 0 : i32
    %dma_wait3A_56 = arith.constant 0 : i32
    %dma_wait3A_57 = tpu.memref_slice %arg35[%dma_wait3A_55, %dma_wait3A_56] : memref<10016x8xf32, #tpu.memory_space<vmem_shared>> -> memref<10016x8xf32, #tpu.memory_space<vmem_shared>>
    tpu.wait_indirect_dma semaphore(%arg43 : memref<!tpu.dma_semaphore, #tpu.memory_space<semaphore_mem>>) src(%arg33 : memref<24x8xf32, #tpu.memory_space<vmem>>) dst(%dma_wait3A_57 : memref<10016x8xf32, #tpu.memory_space<vmem_shared>>)
    %barrier3A_58 = arith.constant 0 : index
    tpu.barrier barrier_id(%barrier3A_58)
    %mul3A_59 = arith.constant 626 : i32
    %mul3A_60 = arith.muli %arg1, %mul3A_59 : i32
    %mul3A_61 = arith.constant 626 : i32
    %mul3A_62 = arith.muli %arg1, %mul3A_61 : i32
    "tpu.region"() ({
      %run_scoped3A = tpu.sem_alloc : memref<!tpu.dma_semaphore, #tpu.memory_space<semaphore_mem>>
      %dma_start3A_67 = arith.constant 0 : i32
      %dma_start3A_68 = tpu.memref_slice %arg12[%arg0, %mul3A_62, %dma_start3A_67] : memref<2x10016x144xf32, #tpu.memory_space<hbm>> -> memref<1x626x144xf32, #tpu.memory_space<hbm>>
      %dma_start3A_69 = tpu.memref_squeeze %dma_start3A_68 : memref<1x626x144xf32, #tpu.memory_space<hbm>> -> memref<626x144xf32, #tpu.memory_space<hbm>>
      %dma_start3A_70 = arith.constant 0 : i32
      %dma_start3A_71 = tpu.memref_slice %arg34[%mul3A_60, %dma_start3A_70] : memref<10016x144xf32, #tpu.memory_space<vmem_shared>> -> memref<626x144xf32, #tpu.memory_space<vmem_shared>>
      tpu.enqueue_dma source(%dma_start3A_71 : memref<626x144xf32, #tpu.memory_space<vmem_shared>>) target(%dma_start3A_69 : memref<626x144xf32, #tpu.memory_space<hbm>>) target_semaphore(%run_scoped3A : memref<!tpu.dma_semaphore, #tpu.memory_space<semaphore_mem>>)
      %dma_wait3A_72 = arith.constant 0 : i32
      %dma_wait3A_73 = tpu.memref_slice %arg12[%arg0, %mul3A_62, %dma_wait3A_72] : memref<2x10016x144xf32, #tpu.memory_space<hbm>> -> memref<1x626x144xf32, #tpu.memory_space<hbm>>
      %dma_wait3A_74 = tpu.memref_squeeze %dma_wait3A_73 : memref<1x626x144xf32, #tpu.memory_space<hbm>> -> memref<626x144xf32, #tpu.memory_space<hbm>>
      %dma_wait3A_75 = arith.constant 0 : i32
      %dma_wait3A_76 = tpu.memref_slice %arg34[%mul3A_60, %dma_wait3A_75] : memref<10016x144xf32, #tpu.memory_space<vmem_shared>> -> memref<626x144xf32, #tpu.memory_space<vmem_shared>>
      tpu.wait_dma2 semaphore(%run_scoped3A : memref<!tpu.dma_semaphore, #tpu.memory_space<semaphore_mem>>) src(%dma_wait3A_76 : memref<626x144xf32, #tpu.memory_space<vmem_shared>>) dst(%dma_wait3A_74 : memref<626x144xf32, #tpu.memory_space<hbm>>)
      tpu.yield
    }) : () -> ()
    %mul3A_63 = arith.constant 626 : i32
    %mul3A_64 = arith.muli %arg1, %mul3A_63 : i32
    %mul3A_65 = arith.constant 626 : i32
    %mul3A_66 = arith.muli %arg1, %mul3A_65 : i32
    "tpu.region"() ({
      %run_scoped3A = tpu.sem_alloc : memref<!tpu.dma_semaphore, #tpu.memory_space<semaphore_mem>>
      %dma_start3A_67 = arith.constant 0 : i32
      %dma_start3A_68 = tpu.memref_slice %arg13[%arg0, %mul3A_66, %dma_start3A_67] : memref<2x10016x8xf32, #tpu.memory_space<hbm>> -> memref<1x626x8xf32, #tpu.memory_space<hbm>>
      %dma_start3A_69 = tpu.memref_squeeze %dma_start3A_68 : memref<1x626x8xf32, #tpu.memory_space<hbm>> -> memref<626x8xf32, #tpu.memory_space<hbm>>
      %dma_start3A_70 = arith.constant 0 : i32
      %dma_start3A_71 = tpu.memref_slice %arg35[%mul3A_64, %dma_start3A_70] : memref<10016x8xf32, #tpu.memory_space<vmem_shared>> -> memref<626x8xf32, #tpu.memory_space<vmem_shared>>
      tpu.enqueue_dma source(%dma_start3A_71 : memref<626x8xf32, #tpu.memory_space<vmem_shared>>) target(%dma_start3A_69 : memref<626x8xf32, #tpu.memory_space<hbm>>) target_semaphore(%run_scoped3A : memref<!tpu.dma_semaphore, #tpu.memory_space<semaphore_mem>>)
      %dma_wait3A_72 = arith.constant 0 : i32
      %dma_wait3A_73 = tpu.memref_slice %arg13[%arg0, %mul3A_66, %dma_wait3A_72] : memref<2x10016x8xf32, #tpu.memory_space<hbm>> -> memref<1x626x8xf32, #tpu.memory_space<hbm>>
      %dma_wait3A_74 = tpu.memref_squeeze %dma_wait3A_73 : memref<1x626x8xf32, #tpu.memory_space<hbm>> -> memref<626x8xf32, #tpu.memory_space<hbm>>
      %dma_wait3A_75 = arith.constant 0 : i32
      %dma_wait3A_76 = tpu.memref_slice %arg35[%mul3A_64, %dma_wait3A_75] : memref<10016x8xf32, #tpu.memory_space<vmem_shared>> -> memref<626x8xf32, #tpu.memory_space<vmem_shared>>
      tpu.wait_dma2 semaphore(%run_scoped3A : memref<!tpu.dma_semaphore, #tpu.memory_space<semaphore_mem>>) src(%dma_wait3A_76 : memref<626x8xf32, #tpu.memory_space<vmem_shared>>) dst(%dma_wait3A_74 : memref<626x8xf32, #tpu.memory_space<hbm>>)
      tpu.yield
    }) : () -> ()
    return
  }
}

module attributes {stable_mosaic.version = 14 : i64} {
  func.func @_edge_const_body(%arg0: i32, %arg1: memref<8000x16xf32, #tpu.memory_space<vmem>>, %arg2: memref<16x160xf32, #tpu.memory_space<vmem>>, %arg3: memref<1x160xf32, #tpu.memory_space<vmem>>, %arg4: memref<8000x160xbf16, #tpu.memory_space<vmem>>) attributes {dimension_semantics = [#tpu.dimension_semantics<arbitrary>], iteration_bounds = array<i64: 40>, scalar_prefetch = 0 : i64, scratch_operands = 0 : i64, tpu.core_type = #tpu.core_type<tc>, window_params = [{transform_indices = @transform_0, window_bounds = array<i64: 8000, 16>}, {pipeline_mode = #tpu.pipeline_mode<synchronous>, transform_indices = @transform_1, window_bounds = array<i64: 16, 160>}, {pipeline_mode = #tpu.pipeline_mode<synchronous>, transform_indices = @transform_2, window_bounds = array<i64: 1, 160>}, {transform_indices = @transform_3, window_bounds = array<i64: 8000, 160>}]} {
    %get3A = arith.constant 0 : index
    %get3A_0 = arith.constant 0 : index
    %get3A_1 = vector.load %arg1[%get3A, %get3A_0] : memref<8000x16xf32, #tpu.memory_space<vmem>>, vector<8000x16xf32>
    %get3A_2 = arith.constant 0 : index
    %get3A_3 = arith.constant 0 : index
    %get3A_4 = vector.load %arg2[%get3A_2, %get3A_3] : memref<16x160xf32, #tpu.memory_space<vmem>>, vector<16x160xf32>
    %dot_general3A = arith.constant dense<0.000000e+00> : vector<8000x160xf32>
    %dot_general3A_5 = tpu.matmul %get3A_1, %get3A_4, %dot_general3A {dimension_numbers = #tpu.dot_dimension_numbers<[1], [0], [0], [1], [0, 0, 1, 1], [], []>, transpose_lhs_hint = false} : vector<8000x16xf32>, vector<16x160xf32>, vector<8000x160xf32> -> vector<8000x160xf32>
    %get3A_6 = arith.constant 0 : index
    %get3A_7 = arith.constant 0 : index
    %get3A_8 = vector.load %arg3[%get3A_6, %get3A_7] : memref<1x160xf32, #tpu.memory_space<vmem>>, vector<1x160xf32>
    %add3A = vector.broadcast %get3A_8 : vector<1x160xf32> to vector<8000x160xf32>
    %add3A_9 = arith.addf %dot_general3A_5, %add3A : vector<8000x160xf32>
    %convert_element_type3A = arith.truncf %add3A_9 : vector<8000x160xf32> to vector<8000x160xbf16>
    %swap3A = arith.constant 0 : index
    %swap3A_10 = arith.constant 0 : index
    %swap3A_11 = vector.load %arg4[%swap3A, %swap3A_10] : memref<8000x160xbf16, #tpu.memory_space<vmem>>, vector<8000x160xbf16>
    tpu.vector_store %arg4[%swap3A, %swap3A_10], %convert_element_type3A {strides = array<i32>} : memref<8000x160xbf16, #tpu.memory_space<vmem>>, vector<8000x160xbf16>,
    return
  }
  func.func @transform_0(%arg0: i32) -> (i32, i32) {
    %c0_i32 = arith.constant 0 : i32
    %c0_i32_0 = arith.constant 0 : i32
    return %arg0, %c0_i32 : i32, i32
  }
  func.func @transform_1(%arg0: i32) -> (i32, i32) {
    %c0_i32 = arith.constant 0 : i32
    %c0_i32_0 = arith.constant 0 : i32
    %c0_i32_1 = arith.constant 0 : i32
    return %c0_i32, %c0_i32_0 : i32, i32
  }
  func.func @transform_2(%arg0: i32) -> (i32, i32) {
    %c0_i32 = arith.constant 0 : i32
    %c0_i32_0 = arith.constant 0 : i32
    %c0_i32_1 = arith.constant 0 : i32
    return %c0_i32, %c0_i32_0 : i32, i32
  }
  func.func @transform_3(%arg0: i32) -> (i32, i32) {
    %c0_i32 = arith.constant 0 : i32
    %c0_i32_0 = arith.constant 0 : i32
    return %arg0, %c0_i32 : i32, i32
  }
}

module attributes {stable_mosaic.version = 14 : i64} {
  func.func @_node_proj_body(%arg0: i32, %arg1: memref<2000x128xf32, #tpu.memory_space<vmem>>, %arg2: memref<2000x1xf32, #tpu.memory_space<vmem>>, %arg3: memref<128x144xf32, #tpu.memory_space<vmem>>, %arg4: memref<128x144xf32, #tpu.memory_space<vmem>>, %arg5: memref<1x144xf32, #tpu.memory_space<vmem>>, %arg6: memref<2000x144xf32, #tpu.memory_space<vmem>>, %arg7: memref<2000x144xf32, #tpu.memory_space<vmem>>) attributes {dimension_semantics = [#tpu.dimension_semantics<arbitrary>], iteration_bounds = array<i64: 5>, scalar_prefetch = 0 : i64, scratch_operands = 0 : i64, tpu.core_type = #tpu.core_type<tc>, window_params = [{transform_indices = @transform_0, window_bounds = array<i64: 2000, 128>}, {transform_indices = @transform_1, window_bounds = array<i64: 2000, 1>}, {pipeline_mode = #tpu.pipeline_mode<synchronous>, transform_indices = @transform_2, window_bounds = array<i64: 128, 144>}, {pipeline_mode = #tpu.pipeline_mode<synchronous>, transform_indices = @transform_3, window_bounds = array<i64: 128, 144>}, {pipeline_mode = #tpu.pipeline_mode<synchronous>, transform_indices = @transform_4, window_bounds = array<i64: 1, 144>}, {transform_indices = @transform_5, window_bounds = array<i64: 2000, 144>}, {transform_indices = @transform_6, window_bounds = array<i64: 2000, 144>}]} {
    %get3A = arith.constant 0 : index
    %get3A_0 = arith.constant 0 : index
    %get3A_1 = vector.load %arg1[%get3A, %get3A_0] : memref<2000x128xf32, #tpu.memory_space<vmem>>, vector<2000x128xf32>
    %get3A_2 = arith.constant 0 : index
    %get3A_3 = arith.constant 0 : index
    %get3A_4 = vector.load %arg3[%get3A_2, %get3A_3] : memref<128x144xf32, #tpu.memory_space<vmem>>, vector<128x144xf32>
    %dot_general3A = arith.constant dense<0.000000e+00> : vector<2000x144xf32>
    %dot_general3A_5 = tpu.matmul %get3A_1, %get3A_4, %dot_general3A {dimension_numbers = #tpu.dot_dimension_numbers<[1], [0], [0], [1], [0, 0, 1, 1], [], []>, transpose_lhs_hint = false} : vector<2000x128xf32>, vector<128x144xf32>, vector<2000x144xf32> -> vector<2000x144xf32>
    %get3A_6 = arith.constant 0 : index
    %get3A_7 = arith.constant 0 : index
    %get3A_8 = vector.load %arg2[%get3A_6, %get3A_7] : memref<2000x1xf32, #tpu.memory_space<vmem>>, vector<2000x1xf32>
    %get3A_9 = arith.constant 0 : index
    %get3A_10 = arith.constant 0 : index
    %get3A_11 = vector.load %arg5[%get3A_9, %get3A_10] : memref<1x144xf32, #tpu.memory_space<vmem>>, vector<1x144xf32>
    %mul3A = vector.broadcast %get3A_8 : vector<2000x1xf32> to vector<2000x144xf32>
    %mul3A_12 = vector.broadcast %get3A_11 : vector<1x144xf32> to vector<2000x144xf32>
    %mul3A_13 = arith.mulf %mul3A, %mul3A_12 : vector<2000x144xf32>
    %sub3A = arith.subf %dot_general3A_5, %mul3A_13 : vector<2000x144xf32>
    %swap3A = arith.constant 0 : index
    %swap3A_14 = arith.constant 0 : index
    %swap3A_15 = vector.load %arg6[%swap3A, %swap3A_14] : memref<2000x144xf32, #tpu.memory_space<vmem>>, vector<2000x144xf32>
    tpu.vector_store %arg6[%swap3A, %swap3A_14], %sub3A {strides = array<i32>} : memref<2000x144xf32, #tpu.memory_space<vmem>>, vector<2000x144xf32>,
    %get3A_16 = arith.constant 0 : index
    %get3A_17 = arith.constant 0 : index
    %get3A_18 = vector.load %arg4[%get3A_16, %get3A_17] : memref<128x144xf32, #tpu.memory_space<vmem>>, vector<128x144xf32>
    %dot_general3A_19 = arith.constant dense<0.000000e+00> : vector<2000x144xf32>
    %dot_general3A_20 = tpu.matmul %get3A_1, %get3A_18, %dot_general3A_19 {dimension_numbers = #tpu.dot_dimension_numbers<[1], [0], [0], [1], [0, 0, 1, 1], [], []>, transpose_lhs_hint = false} : vector<2000x128xf32>, vector<128x144xf32>, vector<2000x144xf32> -> vector<2000x144xf32>
    %swap3A_21 = arith.constant 0 : index
    %swap3A_22 = arith.constant 0 : index
    %swap3A_23 = vector.load %arg7[%swap3A_21, %swap3A_22] : memref<2000x144xf32, #tpu.memory_space<vmem>>, vector<2000x144xf32>
    tpu.vector_store %arg7[%swap3A_21, %swap3A_22], %dot_general3A_20 {strides = array<i32>} : memref<2000x144xf32, #tpu.memory_space<vmem>>, vector<2000x144xf32>,
    return
  }
  func.func @transform_0(%arg0: i32) -> (i32, i32) {
    %c0_i32 = arith.constant 0 : i32
    %c0_i32_0 = arith.constant 0 : i32
    return %arg0, %c0_i32 : i32, i32
  }
  func.func @transform_1(%arg0: i32) -> (i32, i32) {
    %c0_i32 = arith.constant 0 : i32
    %c0_i32_0 = arith.constant 0 : i32
    return %arg0, %c0_i32 : i32, i32
  }
  func.func @transform_2(%arg0: i32) -> (i32, i32) {
    %c0_i32 = arith.constant 0 : i32
    %c0_i32_0 = arith.constant 0 : i32
    %c0_i32_1 = arith.constant 0 : i32
    return %c0_i32, %c0_i32_0 : i32, i32
  }
  func.func @transform_3(%arg0: i32) -> (i32, i32) {
    %c0_i32 = arith.constant 0 : i32
    %c0_i32_0 = arith.constant 0 : i32
    %c0_i32_1 = arith.constant 0 : i32
    return %c0_i32, %c0_i32_0 : i32, i32
  }
  func.func @transform_4(%arg0: i32) -> (i32, i32) {
    %c0_i32 = arith.constant 0 : i32
    %c0_i32_0 = arith.constant 0 : i32
    %c0_i32_1 = arith.constant 0 : i32
    return %c0_i32, %c0_i32_0 : i32, i32
  }
  func.func @transform_5(%arg0: i32) -> (i32, i32) {
    %c0_i32 = arith.constant 0 : i32
    %c0_i32_0 = arith.constant 0 : i32
    return %arg0, %c0_i32 : i32, i32
  }
  func.func @transform_6(%arg0: i32) -> (i32, i32) {
    %c0_i32 = arith.constant 0 : i32
    %c0_i32_0 = arith.constant 0 : i32
    return %arg0, %c0_i32 : i32, i32
  }
}

module attributes {stable_mosaic.version = 14 : i64} {
  func.func @_finish_body(%arg0: i32, %arg1: memref<2x2000x144xf32, #tpu.memory_space<vmem>>, %arg2: memref<2x2000x8xf32, #tpu.memory_space<vmem>>, %arg3: memref<2000x128xf32, #tpu.memory_space<vmem>>, %arg4: memref<144x128xf32, #tpu.memory_space<vmem>>, %arg5: memref<1x128xf32, #tpu.memory_space<vmem>>, %arg6: memref<128x384xf32, #tpu.memory_space<vmem>>, %arg7: memref<128x384xf32, #tpu.memory_space<vmem>>, %arg8: memref<1x384xf32, #tpu.memory_space<vmem>>, %arg9: memref<1x384xf32, #tpu.memory_space<vmem>>, %arg10: memref<2000x128xf32, #tpu.memory_space<vmem>>) attributes {dimension_semantics = [#tpu.dimension_semantics<arbitrary>], iteration_bounds = array<i64: 5>, scalar_prefetch = 0 : i64, scratch_operands = 0 : i64, tpu.core_type = #tpu.core_type<tc>, window_params = [{transform_indices = @transform_0, window_bounds = array<i64: 2, 2000, 144>}, {transform_indices = @transform_1, window_bounds = array<i64: 2, 2000, 8>}, {transform_indices = @transform_2, window_bounds = array<i64: 2000, 128>}, {pipeline_mode = #tpu.pipeline_mode<synchronous>, transform_indices = @transform_3, window_bounds = array<i64: 144, 128>}, {pipeline_mode = #tpu.pipeline_mode<synchronous>, transform_indices = @transform_4, window_bounds = array<i64: 1, 128>}, {pipeline_mode = #tpu.pipeline_mode<synchronous>, transform_indices = @transform_5, window_bounds = array<i64: 128, 384>}, {pipeline_mode = #tpu.pipeline_mode<synchronous>, transform_indices = @transform_6, window_bounds = array<i64: 128, 384>}, {pipeline_mode = #tpu.pipeline_mode<synchronous>, transform_indices = @transform_7, window_bounds = array<i64: 1, 384>}, {pipeline_mode = #tpu.pipeline_mode<synchronous>, transform_indices = @transform_8, window_bounds = array<i64: 1, 384>}, {transform_indices = @transform_9, window_bounds = array<i64: 2000, 128>}]} {
    %get3A = arith.constant 0 : index
    %get3A_0 = arith.constant 0 : index
    %get3A_1 = arith.constant 0 : index
    %get3A_2 = vector.load %arg1[%get3A, %get3A_0, %get3A_1] : memref<2x2000x144xf32, #tpu.memory_space<vmem>>, vector<1x2000x144xf32>
    %get3A_3 = vector.shape_cast %get3A_2 : vector<1x2000x144xf32> to vector<2000x144xf32>
    %get3A_4 = arith.constant 1 : index
    %get3A_5 = arith.constant 0 : index
    %get3A_6 = arith.constant 0 : index
    %get3A_7 = vector.load %arg1[%get3A_4, %get3A_5, %get3A_6] : memref<2x2000x144xf32, #tpu.memory_space<vmem>>, vector<1x2000x144xf32>
    %get3A_8 = vector.shape_cast %get3A_7 : vector<1x2000x144xf32> to vector<2000x144xf32>
    %add3A = arith.addf %get3A_3, %get3A_8 : vector<2000x144xf32>
    %get3A_9 = arith.constant 0 : index
    %get3A_10 = arith.constant 0 : index
    %get3A_11 = arith.constant 0 : index
    %get3A_12 = vector.load %arg2[%get3A_9, %get3A_10, %get3A_11] : memref<2x2000x8xf32, #tpu.memory_space<vmem>>, vector<1x2000x1xf32>
    %get3A_13 = vector.shape_cast %get3A_12 : vector<1x2000x1xf32> to vector<2000x1xf32>
    %get3A_14 = arith.constant 1 : index
    %get3A_15 = arith.constant 0 : index
    %get3A_16 = arith.constant 0 : index
    %get3A_17 = vector.load %arg2[%get3A_14, %get3A_15, %get3A_16] : memref<2x2000x8xf32, #tpu.memory_space<vmem>>, vector<1x2000x1xf32>
    %get3A_18 = vector.shape_cast %get3A_17 : vector<1x2000x1xf32> to vector<2000x1xf32>
    %add3A_19 = arith.addf %get3A_13, %get3A_18 : vector<2000x1xf32>
    %max3A = arith.constant 1.000000e+00 : f32
    %max3A_20 = vector.broadcast %max3A : f32 to vector<2000x1xf32>
    %max3A_21 = arith.maximumf %add3A_19, %max3A_20 : vector<2000x1xf32>
    %div3A = vector.broadcast %max3A_21 : vector<2000x1xf32> to vector<2000x144xf32>
    %div3A_22 = arith.divf %add3A, %div3A : vector<2000x144xf32>
    %get3A_23 = arith.constant 0 : index
    %get3A_24 = arith.constant 0 : index
    %get3A_25 = vector.load %arg4[%get3A_23, %get3A_24] : memref<144x128xf32, #tpu.memory_space<vmem>>, vector<144x128xf32>
    %dot_general3A = arith.constant dense<0.000000e+00> : vector<2000x128xf32>
    %dot_general3A_26 = tpu.matmul %div3A_22, %get3A_25, %dot_general3A {dimension_numbers = #tpu.dot_dimension_numbers<[1], [0], [0], [1], [0, 0, 1, 1], [], []>, transpose_lhs_hint = false} : vector<2000x144xf32>, vector<144x128xf32>, vector<2000x128xf32> -> vector<2000x128xf32>
    %get3A_27 = arith.constant 0 : index
    %get3A_28 = arith.constant 0 : index
    %get3A_29 = vector.load %arg5[%get3A_27, %get3A_28] : memref<1x128xf32, #tpu.memory_space<vmem>>, vector<1x128xf32>
    %add3A_30 = vector.broadcast %get3A_29 : vector<1x128xf32> to vector<2000x128xf32>
    %add3A_31 = arith.addf %dot_general3A_26, %add3A_30 : vector<2000x128xf32>
    %get3A_32 = arith.constant 0 : index
    %get3A_33 = arith.constant 0 : index
    %get3A_34 = vector.load %arg3[%get3A_32, %get3A_33] : memref<2000x128xf32, #tpu.memory_space<vmem>>, vector<2000x128xf32>
    %get3A_35 = arith.constant 0 : index
    %get3A_36 = arith.constant 0 : index
    %get3A_37 = vector.load %arg6[%get3A_35, %get3A_36] : memref<128x384xf32, #tpu.memory_space<vmem>>, vector<128x384xf32>
    %dot_general3A_38 = arith.constant dense<0.000000e+00> : vector<2000x384xf32>
    %dot_general3A_39 = tpu.matmul %add3A_31, %get3A_37, %dot_general3A_38 {dimension_numbers = #tpu.dot_dimension_numbers<[1], [0], [0], [1], [0, 0, 1, 1], [], []>, transpose_lhs_hint = false} : vector<2000x128xf32>, vector<128x384xf32>, vector<2000x384xf32> -> vector<2000x384xf32>
    %get3A_40 = arith.constant 0 : index
    %get3A_41 = arith.constant 0 : index
    %get3A_42 = vector.load %arg8[%get3A_40, %get3A_41] : memref<1x384xf32, #tpu.memory_space<vmem>>, vector<1x384xf32>
    %add3A_43 = vector.broadcast %get3A_42 : vector<1x384xf32> to vector<2000x384xf32>
    %add3A_44 = arith.addf %dot_general3A_39, %add3A_43 : vector<2000x384xf32>
    %get3A_45 = arith.constant 0 : index
    %get3A_46 = arith.constant 0 : index
    %get3A_47 = vector.load %arg7[%get3A_45, %get3A_46] : memref<128x384xf32, #tpu.memory_space<vmem>>, vector<128x384xf32>
    %dot_general3A_48 = arith.constant dense<0.000000e+00> : vector<2000x384xf32>
    %dot_general3A_49 = tpu.matmul %get3A_34, %get3A_47, %dot_general3A_48 {dimension_numbers = #tpu.dot_dimension_numbers<[1], [0], [0], [1], [0, 0, 1, 1], [], []>, transpose_lhs_hint = false} : vector<2000x128xf32>, vector<128x384xf32>, vector<2000x384xf32> -> vector<2000x384xf32>
    %get3A_50 = arith.constant 0 : index
    %get3A_51 = arith.constant 0 : index
    %get3A_52 = vector.load %arg9[%get3A_50, %get3A_51] : memref<1x384xf32, #tpu.memory_space<vmem>>, vector<1x384xf32>
    %add3A_53 = vector.broadcast %get3A_52 : vector<1x384xf32> to vector<2000x384xf32>
    %add3A_54 = arith.addf %dot_general3A_49, %add3A_53 : vector<2000x384xf32>
    %slice3A = vector.extract_strided_slice %add3A_44 {offsets = [0, 0], sizes = [2000, 128], strides = [1, 1]} : vector<2000x384xf32> to vector<2000x128xf32>
    %slice3A_55 = vector.extract_strided_slice %add3A_54 {offsets = [0, 0], sizes = [2000, 128], strides = [1, 1]} : vector<2000x384xf32> to vector<2000x128xf32>
    %add3A_56 = arith.addf %slice3A, %slice3A_55 : vector<2000x128xf32>
    %logistic3A = arith.negf %add3A_56 : vector<2000x128xf32>
    %logistic3A_57 = math.exp %logistic3A : vector<2000x128xf32>
    %logistic3A_58 = arith.constant 1.000000e+00 : f32
    %logistic3A_59 = vector.broadcast %logistic3A_58 : f32 to vector<2000x128xf32>
    %logistic3A_60 = arith.addf %logistic3A_59, %logistic3A_57 : vector<2000x128xf32>
    %logistic3A_61 = arith.divf %logistic3A_59, %logistic3A_60 : vector<2000x128xf32>
    %slice3A_62 = vector.extract_strided_slice %add3A_44 {offsets = [0, 128], sizes = [2000, 128], strides = [1, 1]} : vector<2000x384xf32> to vector<2000x128xf32>
    %slice3A_63 = vector.extract_strided_slice %add3A_54 {offsets = [0, 128], sizes = [2000, 128], strides = [1, 1]} : vector<2000x384xf32> to vector<2000x128xf32>
    %add3A_64 = arith.addf %slice3A_62, %slice3A_63 : vector<2000x128xf32>
    %logistic3A_65 = arith.negf %add3A_64 : vector<2000x128xf32>
    %logistic3A_66 = math.exp %logistic3A_65 : vector<2000x128xf32>
    %logistic3A_67 = arith.constant 1.000000e+00 : f32
    %logistic3A_68 = vector.broadcast %logistic3A_67 : f32 to vector<2000x128xf32>
    %logistic3A_69 = arith.addf %logistic3A_68, %logistic3A_66 : vector<2000x128xf32>
    %logistic3A_70 = arith.divf %logistic3A_68, %logistic3A_69 : vector<2000x128xf32>
    %slice3A_71 = vector.extract_strided_slice %add3A_44 {offsets = [0, 256], sizes = [2000, 128], strides = [1, 1]} : vector<2000x384xf32> to vector<2000x128xf32>
    %slice3A_72 = vector.extract_strided_slice %add3A_54 {offsets = [0, 256], sizes = [2000, 128], strides = [1, 1]} : vector<2000x384xf32> to vector<2000x128xf32>
    %mul3A = arith.mulf %logistic3A_61, %slice3A_72 : vector<2000x128xf32>
    %add3A_73 = arith.addf %slice3A_71, %mul3A : vector<2000x128xf32>
    %tanh3A = math.tanh %add3A_73 : vector<2000x128xf32>
    %sub3A = arith.constant 1.000000e+00 : f32
    %sub3A_74 = vector.broadcast %sub3A : f32 to vector<2000x128xf32>
    %sub3A_75 = arith.subf %sub3A_74, %logistic3A_70 : vector<2000x128xf32>
    %mul3A_76 = arith.mulf %sub3A_75, %tanh3A : vector<2000x128xf32>
    %mul3A_77 = arith.mulf %logistic3A_70, %get3A_34 : vector<2000x128xf32>
    %add3A_78 = arith.addf %mul3A_76, %mul3A_77 : vector<2000x128xf32>
    %gt3A = arith.constant 0.000000e+00 : f32
    %gt3A_79 = vector.broadcast %gt3A : f32 to vector<2000x1xf32>
    %gt3A_80 = arith.cmpf ogt, %add3A_19, %gt3A_79 : vector<2000x1xf32>
    %broadcast_in_dim3A = vector.shape_cast %gt3A_80 : vector<2000x1xi1> to vector<2000x1xi1>
    %broadcast_in_dim3A_81 = vector.broadcast %broadcast_in_dim3A : vector<2000x1xi1> to vector<2000x128xi1>
    %select_n3A = arith.select %broadcast_in_dim3A_81, %add3A_78, %get3A_34 : vector<2000x128xi1>, vector<2000x128xf32>
    %swap3A = arith.constant 0 : index
    %swap3A_82 = arith.constant 0 : index
    %swap3A_83 = vector.load %arg10[%swap3A, %swap3A_82] : memref<2000x128xf32, #tpu.memory_space<vmem>>, vector<2000x128xf32>
    tpu.vector_store %arg10[%swap3A, %swap3A_82], %select_n3A {strides = array<i32>} : memref<2000x128xf32, #tpu.memory_space<vmem>>, vector<2000x128xf32>,
    return
  }
  func.func @transform_0(%arg0: i32) -> (i32, i32, i32) {
    %c0_i32 = arith.constant 0 : i32
    %c0_i32_0 = arith.constant 0 : i32
    %c0_i32_1 = arith.constant 0 : i32
    return %c0_i32, %arg0, %c0_i32_0 : i32, i32, i32
  }
  func.func @transform_1(%arg0: i32) -> (i32, i32, i32) {
    %c0_i32 = arith.constant 0 : i32
    %c0_i32_0 = arith.constant 0 : i32
    %c0_i32_1 = arith.constant 0 : i32
    return %c0_i32, %arg0, %c0_i32_0 : i32, i32, i32
  }
  func.func @transform_2(%arg0: i32) -> (i32, i32) {
    %c0_i32 = arith.constant 0 : i32
    %c0_i32_0 = arith.constant 0 : i32
    return %arg0, %c0_i32 : i32, i32
  }
  func.func @transform_3(%arg0: i32) -> (i32, i32) {
    %c0_i32 = arith.constant 0 : i32
    %c0_i32_0 = arith.constant 0 : i32
    %c0_i32_1 = arith.constant 0 : i32
    return %c0_i32, %c0_i32_0 : i32, i32
  }
  func.func @transform_4(%arg0: i32) -> (i32, i32) {
    %c0_i32 = arith.constant 0 : i32
    %c0_i32_0 = arith.constant 0 : i32
    %c0_i32_1 = arith.constant 0 : i32
    return %c0_i32, %c0_i32_0 : i32, i32
  }
  func.func @transform_5(%arg0: i32) -> (i32, i32) {
    %c0_i32 = arith.constant 0 : i32
    %c0_i32_0 = arith.constant 0 : i32
    %c0_i32_1 = arith.constant 0 : i32
    return %c0_i32, %c0_i32_0 : i32, i32
  }
  func.func @transform_6(%arg0: i32) -> (i32, i32) {
    %c0_i32 = arith.constant 0 : i32
    %c0_i32_0 = arith.constant 0 : i32
    %c0_i32_1 = arith.constant 0 : i32
    return %c0_i32, %c0_i32_0 : i32, i32
  }
  func.func @transform_7(%arg0: i32) -> (i32, i32) {
    %c0_i32 = arith.constant 0 : i32
    %c0_i32_0 = arith.constant 0 : i32
    %c0_i32_1 = arith.constant 0 : i32
    return %c0_i32, %c0_i32_0 : i32, i32
  }
  func.func @transform_8(%arg0: i32) -> (i32, i32) {
    %c0_i32 = arith.constant 0 : i32
    %c0_i32_0 = arith.constant 0 : i32
    %c0_i32_1 = arith.constant 0 : i32
    return %c0_i32, %c0_i32_0 : i32, i32
  }
  func.func @transform_9(%arg0: i32) -> (i32, i32) {
    %c0_i32 = arith.constant 0 : i32
    %c0_i32_0 = arith.constant 0 : i32
    return %arg0, %c0_i32 : i32, i32
  }
}

</mosaic_0001>

<sc_bundles>
// kernel: kernel.6.cloned.1.call-start
scs
__scs_entry_jumppad:
0x0: {  	(pc) =	sbr.rel $0x88, $3  }
0x1: {  	(tag) =	ssettag $0x0;
	lr =	simm.s32 $0x1  }
0x2: {  	[smem:$0x3F93] =	sst lr;
	_ =	strace $0xD0000000  }
0x3: {  	_ = 	snop  }
0x4: {  	_ = 	snop  }
0x5: {  	_ = 	snop  }
0x6: {  	_ = 	snop  }
0x7: {  	_ = 	snop  }
__scs_overlays_trampoline_lowered:
0x8: {  	[smem:$0x3FA2] =	sst s0  }
0x9: {  	[smem:$0x3FA3] =	sst s1  }
0xa: {  	[smem:$0x3FA4] =	sst s2  }
0xb: {  	[smem:$0x3FA5] =	sst s3  }
0xc: {  	[smem:$0x3FA6] =	sst s4  }
0xd: {  	[smem:$0x3FA7] =	sst s5  }
0xe: {  	[smem:$0x3FA8] =	sst s6  }
0xf: {  	[smem:$0x3FA9] =	sst s7  }
0x10: {  	[smem:$0x3FAA] =	sst s8  }
0x11: {  	[smem:$0x3FAB] =	sst s9;
	s0 =	simm.s32 @!p0 $0x0  }
0x12: {  	s1 =	sld [smem:$0x3F91];
	s0 =	simm.s32 @p0 $0x1  }
0x13: {  	[smem:$0x3FAC] =	sst s0;
	s0 =	simm.s32 @!p1 $0x0  }
0x14: {  	s2 =	sld [smem:$0x3F90];
	s0 =	simm.s32 @p1 $0x1  }
0x15: {  	[smem:$0x3FAD] =	sst s0;
	s0 =	simm.s32 @!p2 $0x0  }
0x16: {  	s3 =	sld [smem:$0x3FDB];
	s0 =	simm.s32 @p2 $0x1  }
0x17: {  	s4 =	simm.s32 $0x1BF5;
	[smem:$0x3FAF] =	sst s0  }
0x18: {  	s0 =	sld [smem:$0x3F92];
	_ =	swait.ge [sflag:s4], $0x0  }
0x19: {  	s7 =	sld [smem:$0x3F93]  }
0x1a: {  	s8 =	sadd.s32 $0xFFFFE003, lr  }
0x1b: {  	s9 =	sadd.s32 $0xFFFFFEF7, lr;
	s5 =	simm.s32 $0xFFFFFFFF;
	p2 =	slt.u32 s8, $0xFFFFF086  }
0x1c: {  	p1 =	slt.u32 s9, $0xF7A;
	s5 =	simm.s32 @!p2 $0x0  }
0x1d: {  	s5 =	simm.s32 @p1 $0x1;
	p0 =	seq.s32 s7, s2  }
0x1e: {  	s7 =	smul.u32 @!p0 $0xF7A, s2;
	p2 =	seq.s32 @!p0 s5, $0x0  }
0x1f: {  	s9 =	smul.u32 $0xF7A, s1;
	s8 =	simm.s32 @!p0 $0x1BF5;
	p2 =	por !p2, p0  }
0x20: {  	[sflag:s8] =	ssyncset.s32 @!p0 $0xFFFFF086;
	s6 =	sadd.s32 @!p0 s3, s7;
	s7 =	simm.s32 @!p0 $0x108  }
0x21: {  	s3 =	sadd.s32 s3, s9;
	s6 =	sadd.s32 @!p0 $0x88, s6;
	s7 =	simm.s32 @p2 $0x1082  }
0x22: {  	[simem:s7], [sflag:s8] =	dma.local @!p0 [hbm:s6], $0xF7A  }
0x23: {  	s9 =	sor.u32 $0xD0000000, s2;
	s6 =	simm.s32 $0x108;
	_ =	swait.ge @!p0 [sflag:s8], $0x0  }
0x24: {  	s3 =	sadd.s32 $0x88, s3;
	s6 =	simm.s32 @!p1 $0x1082;
	[sflag:s4] =	ssyncset.s32 $0xFFFFF086  }
0x25: {  	[simem:s6], [sflag:s4] =	dma.local [hbm:s3], $0xF7A  }
0x26: {  	[smem:$0x3F93] =	sst s1;
	(tag) =	ssettag s2;
	_ =	strace s9  }
0x27: {  	s1 =	sld [smem:$0x3FA3]  }
0x28: {  	s2 =	sld [smem:$0x3FA4]  }
0x29: {  	s4 =	sld [smem:$0x3FA6]  }
0x2a: {  	p0 =	seq.s32 s5, $0x0;
	s5 =	sld [smem:$0x3FA7]  }
0x2b: {  	s6 =	sld [smem:$0x3FA8]  }
0x2c: {  	s7 =	sld [smem:$0x3FA9]  }
0x2d: {  	s3 =	simm.s32 $0x108;
	s8 =	sld [smem:$0x3FAA]  }
0x2e: {  	s3 =	simm.s32 @!p0 $0x1082;
	s9 =	sld [smem:$0x3FAB]  }
0x2f: {  	lr =	sadd.s32 s0, s3;
	s0 =	sld [smem:$0x3FA2]  }
0x30: {  	s3 =	sld [smem:$0x3FA5]  }
0x31: {  	[smem:$0x3FAE] =	sst s10  }
0x32: {  	s10 =	sld [smem:$0x3FAC];
	_ =	sdelay $0x3  }
0x33: {  	p0 =	seq.s32 s10, $0x1;
	s10 =	sld [smem:$0x3FAE];
	_ =	sdelay $0x3  }
0x34: {  	[smem:$0x3FAE] =	sst s10  }
0x35: {  	s10 =	sld [smem:$0x3FAD];
	_ =	sdelay $0x3  }
0x36: {  	p1 =	seq.s32 s10, $0x1;
	s10 =	sld [smem:$0x3FAE];
	_ =	sdelay $0x3  }
0x37: {  	[smem:$0x3FAE] =	sst s10  }
0x38: {  	s10 =	sld [smem:$0x3FAF]  }
0x39: {  	_ = 	snop;
	(pc) =	sbr.ind lr, $3  }
0x3a: {  	_ = 	snop  }
0x3b: {  	_ = 	snop  }
0x3c: {  	p2 =	seq.s32 s10, $0x1;
	s10 =	sld [smem:$0x3FAE]  }
0x3d: {  	_ =	shalt  }
0x3e: {  	_ =	shalt  }
0x3f: {  	_ =	shalt  }
0x40: {  	_ =	shalt  }
0x41: {  	_ =	shalt  }
0x42: {  	_ =	shalt  }
0x43: {  	_ =	shalt  }
0x44: {  	_ =	shalt  }
0x45: {  	_ =	shalt  }
0x46: {  	_ =	shalt  }
0x47: {  	_ =	shalt  }
0x48: {  	_ =	shalt  }
0x49: {  	_ =	shalt  }
0x4a: {  	_ =	shalt  }
0x4b: {  	_ =	shalt  }
0x4c: {  	_ =	shalt  }
0x4d: {  	_ =	shalt  }
0x4e: {  	_ =	shalt  }
0x4f: {  	_ =	shalt  }
0x50: {  	_ =	shalt  }
0x51: {  	_ =	shalt  }
0x52: {  	_ =	shalt  }
0x53: {  	_ =	shalt  }
0x54: {  	_ =	shalt  }
0x55: {  	_ =	shalt  }
0x56: {  	_ =	shalt  }
0x57: {  	_ =	shalt  }
0x58: {  	_ =	shalt  }
0x59: {  	_ =	shalt  }
0x5a: {  	_ =	shalt  }
0x5b: {  	_ =	shalt  }
0x5c: {  	_ =	shalt  }
0x5d: {  	_ =	shalt  }
0x5e: {  	_ =	shalt  }
0x5f: {  	_ =	shalt  }
0x60: {  	_ =	shalt  }
0x61: {  	_ =	shalt  }
0x62: {  	_ =	shalt  }
0x63: {  	_ =	shalt  }
0x64: {  	_ =	shalt  }
0x65: {  	_ =	shalt  }
0x66: {  	_ =	shalt  }
0x67: {  	_ =	shalt  }
0x68: {  	_ =	shalt  }
0x69: {  	_ =	shalt  }
0x6a: {  	_ =	shalt  }
0x6b: {  	_ =	shalt  }
0x6c: {  	_ =	shalt  }
0x6d: {  	_ =	shalt  }
0x6e: {  	_ =	shalt  }
0x6f: {  	_ =	shalt  }
0x70: {  	_ =	shalt  }
0x71: {  	_ =	shalt  }
0x72: {  	_ =	shalt  }
0x73: {  	_ =	shalt  }
0x74: {  	_ =	shalt  }
0x75: {  	_ =	shalt  }
0x76: {  	_ =	shalt  }
0x77: {  	_ =	shalt  }
0x78: {  	_ =	shalt  }
0x79: {  	_ =	shalt  }
0x7a: {  	_ =	shalt  }
0x7b: {  	_ =	shalt  }
0x7c: {  	_ =	shalt  }
0x7d: {  	_ =	shalt  }
0x7e: {  	_ =	shalt  }
0x7f: {  	_ =	shalt  }
0x80: {  	_ =	shalt  }
0x81: {  	_ =	shalt  }
0x82: {  	_ =	shalt  }
0x83: {  	_ =	shalt  }
0x84: {  	_ =	shalt  }
0x85: {  	_ =	shalt  }
0x86: {  	_ =	shalt  }
0x87: {  	_ =	shalt  }
.Lfunc_end0:
.L_simem_size_0:
called_computation.1_lowered:
.L_overlay_start_0:
0x88: {  	s2 =	sld [smem:$0x3FD9]  }
0x89: {  	s3 =	sld [smem:$0x3FFE];
	_ =	sdelay $0x1  }
0x8a: {  	s1 =	srdreg.scid  }
0x8b: {  	s0 =	sand.u32 $0x1, s1  }
0x8c: {  	s17 =	sshll.u32 s0, $0xA;
	s2 =	sadd.s32 s3, s2  }
0x8d: {  	s2 =	sadd.s32 s2, s17  }
0x8e: {  	[smem:$0x3FBA] =	sst s2  }
0x8f: {  	_ = 	snop  }
0x90: {  	s2 =	sld [smem:$0x3FD0];
	(tm) =	ssettm $0x1  }
0x91: {  	s18 =	sld [smem:$0x3FFB];
	_ =	sdelay $0x3  }
0x92: {  	_ =	strace s18  }
0x93: {  	s3 =	sld [smem:$0x3FFC];
	_ =	sdelay $0x3  }
0x94: {  	_ =	strace s3  }
0x95: {  	s3 =	sld [smem:$0x3FFD];
	_ =	sdelay $0x3  }
0x96: {  	_ =	strace s3  }
0x97: {  	_ =	strace $0x8FFFFFFF  }
0x98: {  	s19 =	sld [smem:$0x3FDB];
	_ =	sdelay $0x1  }
0x99: {  	s4 =	simm.s32 $_scs_section_size  }
0x9a: {  	s5 =	simm.s32 $_size__tile_overlayer_lowered;
	s6 =	simm.s32 $_tile_overlayer_lowered  }
0x9b: {  	s22 =	simm.s32 $0x1BFF;
	s21 =	sshll.u32 s6, $0x1;
	s3 =	sadd.s32 s4, s19  }
0x9c: {  	s7 =	simm.s32 $0x0;
	s20 =	sshll.u32 s5, $0x1;
	s5 =	sadd.s32 s21, s3  }
0x9d: {  	[timem:s7], [sflag:s22] =	dma.local [hbm:s5], s20  }
0x9e: {  	_ =	swait.ge [sflag:s22], s20  }
0x9f: {  	s4 =	ssub.s32 $0x0, s20;
	[sflag:s22] =	ssyncset.done $0x0  }
0xa0: {  	[sflag:s22] =	ssyncadd.s32 s4;
	_ =	sdelay $0x1  }
0xa1: {  	s23 =	simm.s32 $0x1B8B  }
0xa2: {  	_ =	swait.ge [sflag:s23], $0x1  }
0xa3: {  	[sflag:s23] =	ssyncset.done $0x0  }
0xa4: {  	s25 =	simm.s32 $0x1B8E;
	s24 =	sld [smem:$0x3FFE];
	[sflag:s23] =	ssyncadd.s32 $0xFFFFFFFF  }
0xa5: {  	s26 =	simm.s32 $execute0_lowered;
	[smem:$0x3FD2] =	sst s25  }
0xa6: {  	s5 =	sshll.u32 s26, $0x1;
	_ =	strace $0x80000049;
	[dreg:$0x1] =	wrdreg $0xFFFFFFFF  }
0xa7: {  	s28 =	simm.s32 $_size_execute0_lowered;
	s3 =	sadd.s32 s3, s5;
	[dreg:$0x0] =	wrdreg $0x0  }
0xa8: {  	s5 =	sshll.u32 s28, $0x1;
	[dreg:$0x2] =	wrdreg s3  }
0xa9: {  	[dreg:$0x3] =	wrdreg s5  }
0xaa: {  	[dreg:$0x4] =	wrdreg $0xC0  }
0xab: {  	_ =	task [dreg:s7], $0x5FFFF  }
0xac: {  	[dreg:$0x1] =	wrdreg $0xFFFFFFFF  }
0xad: {  	[dreg:$0x0] =	wrdreg $0x60  }
0xae: {  	[dreg:$0x2] =	wrdreg s24  }
0xaf: {  	[dreg:$0x3] =	wrdreg s2  }
0xb0: {  	[dreg:$0x4] =	wrdreg $0x62400  }
0xb1: {  	[dreg:$0x5] =	wrdreg $0x1C2600  }
0xb2: {  	[dreg:$0x6] =	wrdreg $0x9  }
0xb3: {  	_ =	task.clear_ibuf [dreg:s7], $0x7FFFF;
	_ =	strace $0x90000049  }
0xb4: {  	s29 =	simm.s32 $0x9;
	_ =	strace $0x8000004B  }
0xb5: {  	_ =	swait.ge [sflag:s29], $0x1  }
0xb6: {  	[sflag:s29] =	ssyncadd.s32 $0xFFFFFFFF  }
0xb7: {  	_ =	strace $0x9000004B  }
0xb8: {  	_ =	sfence  }
0xb9: {  	s30 =	sld [smem:$0x0];
	_ =	sdelay $0x2  }
0xba: {  	s31 =	sshll.u32 s1, $0xD;
	s1 =	sshrl.u32 s1, $0x2  }
0xbb: {  	s3 =	sand.u32 $0x4000, s31;
	s1 =	sadd.s32 s1, s30  }
0xbc: {  	s0 =	sor.u32 s3, s0;
	s1 =	sshll.u32 s1, $0x11  }
0xbd: {  	s0 =	sor.u32 s1, s0  }
0xbe: {  	s0 =	sadd.s32 $0x8F2B, s0  }
0xbf: {  	[sflag:s0] =	ssyncadd.remote.s32 $0x1  }
0xc0: {  	_ =	sfence.sel $0xFFFF  }
0xc1: {  	[dreg:$0x0] =	wrdreg $0xFFFFFFFF;
	(pc) =	sbr.abs _section_cstart, $3  }
0xc2: {  	[dreg:$0x1] =	wrdreg $0xFFFFFFFF  }
0xc3: {  	_ =	task.clear_ibuf [dreg:s7], $0x2FFFF;
	_ =	strace $0x9FFFFFFF  }
0xc4: {  	(tm) =	ssettm $0x7FFFFFFF  }
0xc5: {  	_ =	shalt  }
tec
execute0_lowered:
.L_overlay_start_1:
0x0: {  	(tag) =	ssettag $0x1  }
0x1: {  	s0 =	rddreg [dreg:$0x0]  }
0x2: {  	s2 =	rddreg [dreg:$0x1]  }
0x3: {  	s3 =	rddreg [dreg:$0x2]  }
0x4: {  	s16 =	rddreg [dreg:$0x3];
	s4 =	simm.s32 $0x0  }
0x5: {  	s1 =	srdreg.scid;
	s17 =	stileid.u32;
	s28 =	simm.s32 $0x30  }
0x6: {  	s29 =	simm.s32 $0x7;
	s30 =	simm.s32 $0x8;
	[smem:$0x7FF] =	sst s4  }
0x7: {  	s6 =	sadd.s32 $0x62A200, s0;
	s7 =	sadd.s32 $0x678600, s0;
	s1 =	sand.u32 $0x1, s1  }
0x8: {  	s5 =	smul.u32 $0x16020, s17;
	s8 =	sadd.s32 $0x660200, s0;
	s9 =	sadd.s32 $0x3000, s0  }
0x9: {  	s10 =	sadd.s32 $0x656400, s0;
	s12 =	sadd.s32 $0x62A000, s0;
	s22 =	sadd.s32 $0x66A000, s0  }
0xa: {  	s23 =	smul.u32 $0x1390, s17;
	_ =	strace $0x8000004A;
	[dreg:$0x5] =	wrdreg s12  }
0xb: {  	s13 =	sadd.s32 $0x66CE00, s0;
	s14 =	sadd.s32 $0x66D200, s0;
	[dreg:$0x6] =	wrdreg s22  }
0xc: {  	s26 =	sshll.u32 s17, $0x6;
	s11 =	smul.u32 $0x160200, s1;
	[dreg:$0x7] =	wrdreg s13  }
0xd: {  	s24 =	smul.u32 $0x13900, s1;
	s25 =	sshll.u32 s1, $0x4;
	s1 =	ssub.s32 $0x2, s1  }
0xe: {  	[dreg:$0x8] =	wrdreg s14;
	s14 =	sor.u32 s17, s25;
	s15 =	sshrl.u32 s1, $0x1  }
0xf: {  	s3 =	sadd.s32 s5, s3;
	s17 =	sor.u32 $0x1C09, s26;
	s11 =	sadd.s32 s5, s11  }
0x10: {  	s13 =	sadd.s32 s23, s24;
	s18 =	smul.u32 $0x2760, s14;
	[dreg:$0xa] =	wrdreg s3  }
0x11: {  	s1 =	ssub.s32 s1, s15;
	s5 =	sadd.s32 s23, s16;
	[dreg:$0xb] =	wrdreg s17  }
0x12: {  	s14 =	smul.u32 $0x189C0, s14;
	[dreg:$0xc] =	wrdreg s5;
	s23 =	smax.u32 s1, $0x1  }
0x13: {  	s3 =	smov.u32 s2;
	s11 =	sshrl.u32 s11, $0x3;
	[dreg:$0x15] =	wrdreg s23  }
0x14: {  	s13 =	sshrl.u32 s13, $0x3;
	s19 =	sadd.s32 s9, s14;
	[dreg:$0x9] =	wrdreg s18  }
0x15: {  	s1 =	simm.s32 $0x9;
	s24 =	sadd.s32 $0x30, s18;
	[dreg:$0xf] =	wrdreg s19  }
0x16: {  	s5 =	simm.s32 $0x3;
	s25 =	sadd.s32 $0x48, s18;
	[dreg:$0x16] =	wrdreg s24  }
0x17: {  	s31 =	sshrl.u32 s18, $0x3;
	s26 =	sadd.s32 $0x60, s18;
	[dreg:$0x17] =	wrdreg s25  }
0x18: {  	s11 =	sadd.s32 s11, s0;
	s20 =	sadd.s32 s8, s31;
	[dreg:$0x18] =	wrdreg s26  }
0x19: {  	s0 =	sadd.s32 s13, s0;
	s21 =	sadd.s32 s10, s31;
	[dreg:$0x11] =	wrdreg s20  }
0x1a: {  	s13 =	simm.s32 $0x18;
	s22 =	sadd.s32 $0x316800, s11;
	[dreg:$0x12] =	wrdreg s21  }
0x1b: {  	s12 =	sor.u32 $0x3, s31;
	s0 =	sadd.s32 $0x66D400, s0;
	[dreg:$0x13] =	wrdreg s22  }
0x1c: {  	s14 =	simm.s32 $0x6;
	s15 =	sadd.s32 s2, s12;
	[dreg:$0x14] =	wrdreg s0  }
0x1d: {  	s11 =	simm.s32 $0x6180;
	s16 =	sadd.s32 s8, s12;
	[dreg:$0xd] =	wrdreg s15  }
0x1e: {  	s25 =	simm.s32 $0x60D8;
	s2 =	sadd.s32 s2, s31;
	[dreg:$0xe] =	wrdreg s16  }
0x1f: {  	s26 =	simm.s32 $0x5;
	s31 =	sadd.s32 $0x78, s18;
	[dreg:$0x10] =	wrdreg s2  }
0x20: {  	s20 =	simm.s32 $0x60C0;
	s21 =	simm.s32 $0x2;
	[dreg:$0x19] =	wrdreg s31  }
0x21: {  	s16 =	simm.s32 $0x48;
	s15 =	simm.s32 $0x4;
	s2 =	simm.s32 $0x0  }
.LBB2_1:
0x22: {  	[dreg:$0x1a] =	wrdreg s2  }
0x23: {  	s0 =	rddreg [dreg:$0xa]  }
0x24: {  	s19 =	rddreg [dreg:$0x6];
	s18 =	sshrl.u32 s0, $0x3  }
0x25: {  	[dreg:$0x1b] =	wrdreg s18  }
0x26: {  	[spmem:s18], [sflag:s17] =	dma.local [hbm:s19], $0x2C04  }
0x27: {  	_ =	swait.ge [sflag:s1], $0x2C04  }
0x28: {  	s22 =	rddreg [dreg:$0xc]  }
0x29: {  	[sflag:s1] =	ssyncset.done $0x0;
	s24 =	rddreg [dreg:$0x7];
	s23 =	sshrl.u32 s22, $0x3  }
0x2a: {  	[sflag:s1] =	ssyncadd.s32 $0xFFFFD3FC;
	[dreg:$0x1c] =	wrdreg s23  }
0x2b: {  	[spmem:s23], [sflag:s17] =	dma.local [hbm:s24], $0x272  }
0x2c: {  	_ =	swait.ge [sflag:s1], $0x272  }
0x2d: {  	[sflag:s1] =	ssyncset.done $0x0  }
0x2e: {  	s12 =	rddreg [dreg:$0x8];
	[sflag:s1] =	ssyncadd.s32 $0xFFFFFD8E  }
0x2f: {  	[tilespmem:s11], [sflag:$0x9] =	stream.linear.gather [hbm4b:s12+s4], $0xC0, $0x38;
	[tilespmem:$0x1D5F0] =	vst v63  }
0x30: {  	_ =	swait.ge [sflag:s1], $0xC0  }
0x31: {  	[sflag:s1] =	ssyncset.done $0x0  }
0x32: {  	s18 =	simm.s32 $0x60F0;
	s17 =	rddreg [dreg:$0x5];
	[sflag:s1] =	ssyncadd.s32 $0xFFFFFF40  }
0x33: {  	[tilespmem:s18], [sflag:$0x9] =	stream.linear.gather [hbm4b:s17+s4], $0x90, $0x38;
	[tilespmem:$0x1D5F0] =	vst v63  }
0x34: {  	_ =	swait.ge [sflag:s1], $0x90  }
0x35: {  	[sflag:s1] =	ssyncset.done $0x0  }
0x36: {  	[sflag:s1] =	ssyncadd.s32 $0xFFFFFF70  }
0x37: {  	[bflag:$0x0] =	sbarrier.arrive $0xFFFF  }
0x38: {  	s19 =	rddreg [dreg:$0x10]  }
0x39: {  	[tilespmem:s4], [sflag:$0x1] =	stream.linear.gather [hbm4b:s19+s4], $0x18, $0x38;
	[tilespmem:$0x1D5F0] =	vst v63  }
0x3a: {  	s23 =	simm.s32 $0x60;
	s22 =	rddreg [dreg:$0x11]  }
0x3b: {  	[tilespmem:s23], [sflag:$0x1] =	stream.linear.gather [hbm4b:s22+s4], $0x18, $0x38;
	[tilespmem:$0x1D5F0] =	vst v63  }
0x3c: {  	s24 =	rddreg [dreg:$0xd]  }
0x3d: {  	[tilespmem:s13], [sflag:$0x2] =	stream.linear.gather [hbm4b:s24+s4], $0x18, $0x38;
	[tilespmem:$0x1D5F0] =	vst v63  }
0x3e: {  	s12 =	simm.s32 $0x78;
	s17 =	simm.s32 $0x1;
	s2 =	rddreg [dreg:$0xe]  }
0x3f: {  	[tilespmem:s12], [sflag:$0x2] =	stream.linear.gather [hbm4b:s2+s4], $0x18, $0x38;
	[tilespmem:$0x1D5F0] =	vst v63  }
0x40: {  	_ =	swait.ge [sflag:s17], $0x18  }
0x41: {  	[sflag:s17] =	ssyncset.done $0x0  }
0x42: {  	[sflag:s17] =	ssyncadd.s32 $0xFFFFFFE8  }
0x43: {  	_ =	swait.ge [sflag:s17], $0x18  }
0x44: {  	[sflag:s17] =	ssyncset.done $0x0  }
0x45: {  	s18 =	simm.s32 $0xC0;
	[sflag:s17] =	ssyncadd.s32 $0xFFFFFFE8  }
0x46: {  	[tilespmem:s18], [sflag:$0x5] =	stream.indirect.gather [hbm4b:s6+s13], $0x90, s4, s13, $0xb8;
	[tilespmem:$0x1D5F0] =	vst v63  }
0x47: {  	s19 =	simm.s32 $0x1BC0  }
0x48: {  	[tilespmem:s19], [sflag:$0x5] =	stream.indirect.gather [hbm4b:s7+s13], $0x90, s23, s13, $0xb8;
	[tilespmem:$0x1D5F0] =	vst v63  }
0x49: {  	s22 =	rddreg [dreg:$0xf];
	s23 =	simm.s32 $0x36C0  }
0x4a: {  	[tilespmem:s23], [sflag:$0x5] =	stream.linear.gather [hbm4b:s22+s4], $0x780, $0x38;
	[tilespmem:$0x1D5F0] =	vst v63  }
0x4b: {  	s31 =	simm.s32 $0x0;
	s24 =	rddreg [dreg:$0x12]  }
0x4c: {  	[tilespmem:s20], [sflag:$0x5] =	stream.linear.gather [hbm4b:s24+s4], $0x18, $0x38;
	[tilespmem:$0x1D5F0] =	vst v63  }
.LBB2_2:
0x4d: {  	_ =	swait.ge [sflag:s21], $0x18  }
0x4e: {  	[sflag:s21] =	ssyncset.done $0x0  }
0x4f: {  	[sflag:s21] =	ssyncadd.s32 $0xFFFFFFE8  }
0x50: {  	s0 =	smul.u32 $0x60, s31;
	_ =	swait.ge [sflag:s21], $0x18  }
0x51: {  	s1 =	rddreg [dreg:$0x9]  }
0x52: {  	[sflag:s21] =	ssyncset.done $0x0;
	s1 =	sadd.s32 s0, s1  }
0x53: {  	s2 =	simm.s32 $0xE40;
	[sflag:s21] =	ssyncadd.s32 $0xFFFFFFE8;
	s1 =	sadd.s32 $0x18, s1  }
0x54: {  	[tilespmem:s2], [sflag:$0x6] =	stream.indirect.gather [hbm4b:s6+s13], $0x90, s13, s13, $0xb8;
	[tilespmem:$0x1D5F0] =	vst v63  }
0x55: {  	s23 =	simm.s32 $0x78;
	s17 =	simm.s32 $0x2940;
	s12 =	smul.u32 $0xA, s1  }
0x56: {  	[tilespmem:s17], [sflag:$0x6] =	stream.indirect.gather [hbm4b:s7+s13], $0x90, s23, s13, $0xb8;
	[tilespmem:$0x1D5F0] =	vst v63  }
0x57: {  	s24 =	simm.s32 $0x3E40;
	s1 =	sshrl.u32 s1, $0x3;
	s12 =	sadd.s32 s9, s12  }
0x58: {  	[tilespmem:s24], [sflag:$0x6] =	stream.linear.gather [hbm4b:s12+s4], $0x780, $0x38;
	[tilespmem:$0x1D5F0] =	vst v63  }
0x59: {  	s1 =	sadd.s32 s10, s1  }
0x5a: {  	[tilespmem:s25], [sflag:$0x6] =	stream.linear.gather [hbm4b:s1+s4], $0x18, $0x38;
	[tilespmem:$0x1D5F0] =	vst v63  }
0x5b: {  	_ =	swait.ge [sflag:s26], $0xD80  }
0x5c: {  	[sflag:s26] =	ssyncset.done $0x0  }
0x5d: {  	[sflag:s26] =	ssyncadd.s32 $0xFFFFF280  }
0x5e: {  	_ =	swait.ge [sflag:s26], $0xD80  }
0x5f: {  	[sflag:s26] =	ssyncset.done $0x0  }
0x60: {  	[sflag:s26] =	ssyncadd.s32 $0xFFFFF280  }
0x61: {  	_ =	swait.ge [sflag:s26], $0x780  }
0x62: {  	[sflag:s26] =	ssyncset.done $0x0  }
0x63: {  	[sflag:s26] =	ssyncadd.s32 $0xFFFFF880  }
0x64: {  	_ =	swait.ge [sflag:s26], $0x18  }
0x65: {  	p0 =	seq.s32 s31, $0x0;
	[sflag:s26] =	ssyncset.done $0x0  }
0x66: {  	s1 =	simm.s32 @!p0 $0x7;
	[sflag:s26] =	ssyncadd.s32 $0xFFFFFFE8  }
0x67: {  	_ =	swait.ge @!p0 [sflag:s1], $0xD80  }
0x68: {  	[sflag:s1] =	ssyncset.done @!p0 $0x0  }
0x69: {  	[sflag:s1] =	ssyncadd.s32 @!p0 $0xFFFFF280  }
0x6a: {  	_ =	swait.ge @!p0 [sflag:s1], $0xC0  }
0x6b: {  	s12 =	rddreg [dreg:$0x16]  }
0x6c: {  	s23 =	sadd.s32 s0, s12  }
0x6d: {  	[sflag:s1] =	ssyncset.done @!p0 $0x0;
	s22 =	sshrl.u32 s23, $0x3  }
0x6e: {  	s18 =	simm.s32 $0x0;
	[sflag:s1] =	ssyncadd.s32 @!p0 $0xFFFFFF40;
	s17 =	sadd.s32 s3, s22  }
0x6f: {  	[tilespmem:s28], [sflag:$0x3] =	stream.linear.gather [hbm4b:s17+s18], $0x18, $0x38;
	[tilespmem:$0x1D5F0] =	vst v63  }
0x70: {  	s24 =	simm.s32 $0x90;
	s19 =	sadd.s32 s8, s22  }
0x71: {  	v0 =	vmov s18;
	[tilespmem:s24], [sflag:$0x3] =	stream.linear.gather [hbm4b:s19+s18], $0x18, $0x38;
	[tilespmem:$0x1D5F0] =	vst v63  }
0x72: {  	s24 =	simm.s32 $0x1C00  }
0x73: {  	s12 =	simm.s32 $0x36E0;
	v1 =	vld [tilespmem:s24+$0xFFFFFFC0]  }
0x74: {  	s17 =	simm.s32 $0x100;
	v2 =	vld [tilespmem:s12+$0xFFFFFFE0]  }
0x75: {  	v3 =	vld [tilespmem:s17+$0xFFFFFFC0]  }
0x76: {  	v0 =	vld.idx.msk [tilespmem:v0+s20+$0x0], $0xffff  }
0x77: {  	v4 =	vld [tilespmem:$0x60F0];
	_ =	sdelay $0x2  }
0x78: {  	v1 =	vadd.f32 v1, v3  }
0x79: {  	v3 =	vshll.u32 v2, $0x10  }
0x7a: {  	v1 =	vadd.f32 v3, v1;
	v3 =	vmul.f32 v4, v0;
	_ =	sdelay $0x1  }
0x7b: {  	v1 =	vadd.f32 v3, v1;
	_ =	sdelay $0x1  }
0x7c: {  	s18 =	simm.s32 $0x4600;
	v1 =	vmax.f32 v1, $0.0e+00  }
0x7d: {  	[tilespmem:s18+$0xFFFFFFC0] =	vst v1  }
0x7e: {  	v1 =	vld [tilespmem:s17+$0xFFFFFFD0]  }
0x7f: {  	v3 =	vld [tilespmem:s24+$0xFFFFFFD0];
	_ =	sdelay $0x1  }
0x80: {  	v4 =	vld [tilespmem:$0x6100];
	_ =	sdelay $0x2  }
0x81: {  	v1 =	vadd.f32 v3, v1  }
0x82: {  	v2 =	vand.u32 $0xFFFF0000, v2  }
0x83: {  	v1 =	vadd.f32 v2, v1;
	v2 =	vmul.f32 v4, v0;
	_ =	sdelay $0x1  }
0x84: {  	v1 =	vadd.f32 v2, v1;
	_ =	sdelay $0x1  }
0x85: {  	v1 =	vmax.f32 v1, $0.0e+00  }
0x86: {  	[tilespmem:s18+$0xFFFFFFD0] =	vst v1  }
0x87: {  	v1 =	vld [tilespmem:s17+$0xFFFFFFE0]  }
0x88: {  	v2 =	vld [tilespmem:s24+$0xFFFFFFE0]  }
0x89: {  	v3 =	vld [tilespmem:s12+$0xFFFFFFF0]  }
0x8a: {  	v4 =	vld [tilespmem:$0x6110];
	_ =	sdelay $0x2  }
0x8b: {  	v1 =	vadd.f32 v2, v1  }
0x8c: {  	v2 =	vshll.u32 v3, $0x10  }
0x8d: {  	v1 =	vadd.f32 v2, v1;
	v2 =	vmul.f32 v4, v0;
	_ =	sdelay $0x1  }
0x8e: {  	v1 =	vadd.f32 v2, v1;
	_ =	sdelay $0x1  }
0x8f: {  	v1 =	vmax.f32 v1, $0.0e+00  }
0x90: {  	[tilespmem:s18+$0xFFFFFFE0] =	vst v1  }
0x91: {  	v1 =	vld [tilespmem:s17+$0xFFFFFFF0]  }
0x92: {  	v2 =	vld [tilespmem:s24+$0xFFFFFFF0];
	_ =	sdelay $0x1  }
0x93: {  	v4 =	vld [tilespmem:$0x6120];
	_ =	sdelay $0x2  }
0x94: {  	v1 =	vadd.f32 v2, v1  }
0x95: {  	v2 =	vand.u32 $0xFFFF0000, v3  }
0x96: {  	v1 =	vadd.f32 v2, v1;
	v2 =	vmul.f32 v4, v0;
	_ =	sdelay $0x1  }
0x97: {  	v1 =	vadd.f32 v2, v1;
	_ =	sdelay $0x1  }
0x98: {  	v1 =	vmax.f32 v1, $0.0e+00  }
0x99: {  	[tilespmem:s18+$0xFFFFFFF0] =	vst v1  }
0x9a: {  	v1 =	vld [tilespmem:s17+$0x0]  }
0x9b: {  	v2 =	vld [tilespmem:s24+$0x0]  }
0x9c: {  	v3 =	vld [tilespmem:s12+$0x0]  }
0x9d: {  	v4 =	vld [tilespmem:$0x6130];
	_ =	sdelay $0x2  }
0x9e: {  	v1 =	vadd.f32 v2, v1  }
0x9f: {  	v2 =	vshll.u32 v3, $0x10  }
0xa0: {  	v1 =	vadd.f32 v2, v1;
	v2 =	vmul.f32 v4, v0;
	_ =	sdelay $0x1  }
0xa1: {  	v1 =	vadd.f32 v2, v1;
	_ =	sdelay $0x1  }
0xa2: {  	v1 =	vmax.f32 v1, $0.0e+00  }
0xa3: {  	[tilespmem:s18+$0x0] =	vst v1  }
0xa4: {  	v1 =	vld [tilespmem:s17+$0x10]  }
0xa5: {  	v2 =	vld [tilespmem:s24+$0x10];
	_ =	sdelay $0x1  }
0xa6: {  	v4 =	vld [tilespmem:$0x6140];
	_ =	sdelay $0x2  }
0xa7: {  	v1 =	vadd.f32 v2, v1  }
0xa8: {  	v2 =	vand.u32 $0xFFFF0000, v3  }
0xa9: {  	v1 =	vadd.f32 v2, v1;
	v2 =	vmul.f32 v4, v0;
	_ =	sdelay $0x1  }
0xaa: {  	v1 =	vadd.f32 v2, v1;
	_ =	sdelay $0x1  }
0xab: {  	v1 =	vmax.f32 v1, $0.0e+00  }
0xac: {  	[tilespmem:s18+$0x10] =	vst v1  }
0xad: {  	v1 =	vld [tilespmem:s17+$0x20]  }
0xae: {  	v2 =	vld [tilespmem:s24+$0x20]  }
0xaf: {  	v3 =	vld [tilespmem:s12+$0x10]  }
0xb0: {  	v4 =	vld [tilespmem:$0x6150];
	_ =	sdelay $0x2  }
0xb1: {  	v1 =	vadd.f32 v2, v1  }
0xb2: {  	v2 =	vshll.u32 v3, $0x10  }
0xb3: {  	v1 =	vadd.f32 v2, v1;
	v2 =	vmul.f32 v4, v0;
	_ =	sdelay $0x1  }
0xb4: {  	v1 =	vadd.f32 v2, v1;
	_ =	sdelay $0x1  }
0xb5: {  	v1 =	vmax.f32 v1, $0.0e+00  }
0xb6: {  	[tilespmem:s18+$0x20] =	vst v1  }
0xb7: {  	v1 =	vld [tilespmem:s17+$0x30]  }
0xb8: {  	v2 =	vld [tilespmem:s24+$0x30];
	_ =	sdelay $0x1  }
0xb9: {  	v4 =	vld [tilespmem:$0x6160];
	_ =	sdelay $0x2  }
0xba: {  	v1 =	vadd.f32 v2, v1  }
0xbb: {  	v2 =	vand.u32 $0xFFFF0000, v3  }
0xbc: {  	v3 =	vmul.f32 v4, v0;
	v1 =	vadd.f32 v2, v1;
	_ =	sdelay $0x1  }
0xbd: {  	v1 =	vadd.f32 v3, v1;
	_ =	sdelay $0x1  }
0xbe: {  	v1 =	vmax.f32 v1, $0.0e+00  }
0xbf: {  	[tilespmem:s18+$0x30] =	vst v1  }
0xc0: {  	v1 =	vld [tilespmem:s17+$0x40]  }
0xc1: {  	v3 =	vld [tilespmem:s24+$0x40]  }
0xc2: {  	v4 =	vld [tilespmem:s12+$0x20]  }
0xc3: {  	s1 =	simm.s32 $0x4690;
	s19 =	simm.s32 $0x1;
	v2 =	vld [tilespmem:$0x6170]  }
.LBB2_3:
0xc4: {  	s12 =	sadd.s32 $0x50, s12;
	s17 =	sadd.s32 $0x90, s17;
	s24 =	sadd.s32 $0x90, s24  }
0xc5: {  	p1 =	sne.s32 s19, $0x17;
	s2 =	smov.u32 s19;
	s19 =	sadd.s32 $0x1, s19  }
0xc6: {  	v1 =	vadd.f32 v3, v1  }
0xc7: {  	v3 =	vshll.u32 v4, $0x10  }
0xc8: {  	v1 =	vadd.f32 v3, v1;
	v0 =	vmul.f32 v2, v0;
	_ =	sdelay $0x1  }
0xc9: {  	v0 =	vadd.f32 v0, v1  }
0xca: {  	v1 =	vmov s2  }
0xcb: {  	v0 =	vmax.f32 v0, $0.0e+00  }
0xcc: {  	[tilespmem:s18+$0x40] =	vst v0;
	s18 =	smov.u32 s1  }
0xcd: {  	v2 =	vld [tilespmem:s24+$0xFFFFFFC0]  }
0xce: {  	v3 =	vld [tilespmem:s12+$0xFFFFFFE0]  }
0xcf: {  	v4 =	vld [tilespmem:s17+$0xFFFFFFC0]  }
0xd0: {  	v0 =	vld.idx.msk [tilespmem:v1+s20+$0x0], $0xffff  }
0xd1: {  	v1 =	vld [tilespmem:$0x60F0];
	_ =	sdelay $0x2  }
0xd2: {  	v5 =	vshll.u32 v3, $0x10;
	v2 =	vadd.f32 v2, v4;
	_ =	sdelay $0x1  }
0xd3: {  	v2 =	vadd.f32 v5, v2;
	v1 =	vmul.f32 v1, v0;
	_ =	sdelay $0x1  }
0xd4: {  	v1 =	vadd.f32 v1, v2;
	_ =	sdelay $0x1  }
0xd5: {  	v1 =	vmax.f32 v1, $0.0e+00  }
0xd6: {  	[tilespmem:s1+$0xFFFFFFC0] =	vst v1  }
0xd7: {  	v1 =	vld [tilespmem:s17+$0xFFFFFFD0]  }
0xd8: {  	v2 =	vld [tilespmem:s24+$0xFFFFFFD0];
	_ =	sdelay $0x1  }
0xd9: {  	v4 =	vld [tilespmem:$0x6100];
	_ =	sdelay $0x2  }
0xda: {  	v1 =	vadd.f32 v2, v1  }
0xdb: {  	v2 =	vand.u32 $0xFFFF0000, v3  }
0xdc: {  	v1 =	vadd.f32 v2, v1;
	v2 =	vmul.f32 v4, v0;
	_ =	sdelay $0x1  }
0xdd: {  	v1 =	vadd.f32 v2, v1;
	_ =	sdelay $0x1  }
0xde: {  	v1 =	vmax.f32 v1, $0.0e+00  }
0xdf: {  	[tilespmem:s1+$0xFFFFFFD0] =	vst v1  }
0xe0: {  	v1 =	vld [tilespmem:s17+$0xFFFFFFE0]  }
0xe1: {  	v2 =	vld [tilespmem:s24+$0xFFFFFFE0]  }
0xe2: {  	v3 =	vld [tilespmem:s12+$0xFFFFFFF0]  }
0xe3: {  	v4 =	vld [tilespmem:$0x6110];
	_ =	sdelay $0x2  }
0xe4: {  	v1 =	vadd.f32 v2, v1  }
0xe5: {  	v2 =	vshll.u32 v3, $0x10  }
0xe6: {  	v1 =	vadd.f32 v2, v1;
	v2 =	vmul.f32 v4, v0;
	_ =	sdelay $0x1  }
0xe7: {  	v1 =	vadd.f32 v2, v1;
	_ =	sdelay $0x1  }
0xe8: {  	v1 =	vmax.f32 v1, $0.0e+00  }
0xe9: {  	[tilespmem:s1+$0xFFFFFFE0] =	vst v1  }
0xea: {  	v1 =	vld [tilespmem:s17+$0xFFFFFFF0]  }
0xeb: {  	v2 =	vld [tilespmem:s24+$0xFFFFFFF0];
	_ =	sdelay $0x1  }
0xec: {  	v4 =	vld [tilespmem:$0x6120];
	_ =	sdelay $0x2  }
0xed: {  	v1 =	vadd.f32 v2, v1  }
0xee: {  	v2 =	vand.u32 $0xFFFF0000, v3  }
0xef: {  	v1 =	vadd.f32 v2, v1;
	v2 =	vmul.f32 v4, v0;
	_ =	sdelay $0x1  }
0xf0: {  	v1 =	vadd.f32 v2, v1;
	_ =	sdelay $0x1  }
0xf1: {  	v1 =	vmax.f32 v1, $0.0e+00  }
0xf2: {  	[tilespmem:s1+$0xFFFFFFF0] =	vst v1  }
0xf3: {  	v1 =	vld [tilespmem:s17+$0x0]  }
0xf4: {  	v2 =	vld [tilespmem:s24+$0x0]  }
0xf5: {  	v3 =	vld [tilespmem:s12+$0x0]  }
0xf6: {  	v4 =	vld [tilespmem:$0x6130];
	_ =	sdelay $0x2  }
0xf7: {  	v1 =	vadd.f32 v2, v1  }
0xf8: {  	v2 =	vshll.u32 v3, $0x10  }
0xf9: {  	v1 =	vadd.f32 v2, v1;
	v2 =	vmul.f32 v4, v0;
	_ =	sdelay $0x1  }
0xfa: {  	v1 =	vadd.f32 v2, v1;
	_ =	sdelay $0x1  }
0xfb: {  	v1 =	vmax.f32 v1, $0.0e+00  }
0xfc: {  	[tilespmem:s1+$0x0] =	vst v1  }
0xfd: {  	v1 =	vld [tilespmem:s17+$0x10]  }
0xfe: {  	v2 =	vld [tilespmem:s24+$0x10];
	_ =	sdelay $0x1  }
0xff: {  	v4 =	vld [tilespmem:$0x6140];
	_ =	sdelay $0x2  }
0x100: {  	v1 =	vadd.f32 v2, v1  }
0x101: {  	v2 =	vand.u32 $0xFFFF0000, v3  }
0x102: {  	v1 =	vadd.f32 v2, v1;
	v2 =	vmul.f32 v4, v0;
	_ =	sdelay $0x1  }
0x103: {  	v1 =	vadd.f32 v2, v1;
	_ =	sdelay $0x1  }
0x104: {  	v1 =	vmax.f32 v1, $0.0e+00  }
0x105: {  	[tilespmem:s1+$0x10] =	vst v1  }
0x106: {  	v1 =	vld [tilespmem:s17+$0x20]  }
0x107: {  	v2 =	vld [tilespmem:s24+$0x20]  }
0x108: {  	v3 =	vld [tilespmem:s12+$0x10]  }
0x109: {  	v4 =	vld [tilespmem:$0x6150];
	_ =	sdelay $0x2  }
0x10a: {  	v1 =	vadd.f32 v2, v1  }
0x10b: {  	v2 =	vshll.u32 v3, $0x10  }
0x10c: {  	v1 =	vadd.f32 v2, v1;
	v2 =	vmul.f32 v4, v0;
	_ =	sdelay $0x1  }
0x10d: {  	v1 =	vadd.f32 v2, v1;
	_ =	sdelay $0x1  }
0x10e: {  	v1 =	vmax.f32 v1, $0.0e+00  }
0x10f: {  	[tilespmem:s1+$0x20] =	vst v1  }
0x110: {  	v1 =	vld [tilespmem:s17+$0x30]  }
0x111: {  	v2 =	vld [tilespmem:s24+$0x30]  }
0x112: {  	v4 =	vld [tilespmem:$0x6160];
	_ =	sdelay $0x3  }
0x113: {  	v1 =	vadd.f32 v2, v1  }
0x114: {  	v2 =	vand.u32 $0xFFFF0000, v3;
	v3 =	vmul.f32 v4, v0  }
0x115: {  	v1 =	vadd.f32 v2, v1;
	_ =	sdelay $0x1  }
0x116: {  	v1 =	vadd.f32 v3, v1;
	_ =	sdelay $0x1  }
0x117: {  	v1 =	vmax.f32 v1, $0.0e+00  }
.Ltmp0:
0x118: {  	[tilespmem:s1+$0x30] =	vst v1;
	(pc) =	sbr.rel @p1 .LBB2_3-.Ltmp0, $4  }
0x119: {  	v1 =	vld [tilespmem:s17+$0x40]  }
0x11a: {  	v3 =	vld [tilespmem:s24+$0x40]  }
0x11b: {  	v4 =	vld [tilespmem:s12+$0x20]  }
0x11c: {  	s1 =	sadd.s32 $0x90, s1;
	v2 =	vld [tilespmem:$0x6170]  }
0x11d: {  	_ =	sdelay $0x1  }
0x11e: {  	v1 =	vadd.f32 v3, v1  }
0x11f: {  	v3 =	vshll.u32 v4, $0x10  }
0x120: {  	v1 =	vadd.f32 v3, v1;
	v0 =	vmul.f32 v2, v0;
	_ =	sdelay $0x1  }
0x121: {  	v0 =	vadd.f32 v0, v1;
	_ =	sdelay $0x1  }
0x122: {  	v0 =	vmax.f32 v0, $0.0e+00  }
0x123: {  	s1 =	rddreg [dreg:$0x2];
	s2 =	simm.s32 $0x45C0;
	[tilespmem:s18+$0x40] =	vst v0  }
0x124: {  	[spmem:s1] =	stream.indirect.scatter.add.f32 [tilespmem:s2], [sflag:$0x7], $0x90, s4, s13, $0xb8;
	[tilespmem:$0x1D5F0] =	vst v63  }
0x125: {  	s17 =	rddreg [dreg:$0x3]  }
0x126: {  	[spmem:s17] =	stream.indirect.scatter.add.f32 [tilespmem:s11], [sflag:$0x7], $0x8, s4, s13, $0xb8;
	[tilespmem:$0x1D5F0] =	vst v63  }
0x127: {  	_ =	swait.ge [sflag:s5], $0x18  }
0x128: {  	[sflag:s5] =	ssyncset.done $0x0  }
0x129: {  	[sflag:s5] =	ssyncadd.s32 $0xFFFFFFE8  }
0x12a: {  	_ =	swait.ge [sflag:s5], $0x18  }
0x12b: {  	[sflag:s5] =	ssyncset.done $0x0  }
0x12c: {  	s18 =	simm.s32 $0xC0;
	[sflag:s5] =	ssyncadd.s32 $0xFFFFFFE8  }
0x12d: {  	[tilespmem:s18], [sflag:$0x5] =	stream.indirect.gather [hbm4b:s6+s13], $0x90, s28, s13, $0xb8;
	[tilespmem:$0x1D5F0] =	vst v63  }
0x12e: {  	s19 =	smul.u32 $0xA, s23;
	s23 =	simm.s32 $0x1BC0;
	s12 =	simm.s32 $0x90  }
0x12f: {  	[tilespmem:s23], [sflag:$0x5] =	stream.indirect.gather [hbm4b:s7+s13], $0x90, s12, s13, $0xb8;
	[tilespmem:$0x1D5F0] =	vst v63  }
0x130: {  	s24 =	simm.s32 $0x36C0;
	s1 =	sadd.s32 s9, s19  }
0x131: {  	[tilespmem:s24], [sflag:$0x5] =	stream.linear.gather [hbm4b:s1+s4], $0x780, $0x38;
	[tilespmem:$0x1D5F0] =	vst v63  }
0x132: {  	s2 =	sadd.s32 s10, s22  }
0x133: {  	[tilespmem:s20], [sflag:$0x5] =	stream.linear.gather [hbm4b:s2+s4], $0x18, $0x38;
	[tilespmem:$0x1D5F0] =	vst v63  }
0x134: {  	_ =	swait.ge [sflag:s14], $0xD80  }
0x135: {  	[sflag:s14] =	ssyncset.done $0x0  }
0x136: {  	[sflag:s14] =	ssyncadd.s32 $0xFFFFF280  }
0x137: {  	_ =	swait.ge [sflag:s14], $0xD80  }
0x138: {  	[sflag:s14] =	ssyncset.done $0x0  }
0x139: {  	[sflag:s14] =	ssyncadd.s32 $0xFFFFF280  }
0x13a: {  	_ =	swait.ge [sflag:s14], $0x780  }
0x13b: {  	[sflag:s14] =	ssyncset.done $0x0  }
0x13c: {  	[sflag:s14] =	ssyncadd.s32 $0xFFFFF880  }
0x13d: {  	_ =	swait.ge [sflag:s14], $0x18  }
0x13e: {  	[sflag:s14] =	ssyncset.done $0x0  }
0x13f: {  	s1 =	simm.s32 @!p0 $0x8;
	[sflag:s14] =	ssyncadd.s32 $0xFFFFFFE8  }
0x140: {  	_ =	swait.ge @!p0 [sflag:s1], $0xD80  }
0x141: {  	[sflag:s1] =	ssyncset.done @!p0 $0x0  }
0x142: {  	[sflag:s1] =	ssyncadd.s32 @!p0 $0xFFFFF280  }
0x143: {  	_ =	swait.ge @!p0 [sflag:s1], $0xC0  }
0x144: {  	s12 =	rddreg [dreg:$0x17]  }
0x145: {  	s23 =	sadd.s32 s0, s12  }
0x146: {  	[sflag:s1] =	ssyncset.done @!p0 $0x0;
	s22 =	sshrl.u32 s23, $0x3  }
0x147: {  	s18 =	simm.s32 $0x0;
	[sflag:s1] =	ssyncadd.s32 @!p0 $0xFFFFFF40;
	s17 =	sadd.s32 s3, s22  }
0x148: {  	[tilespmem:s16], [sflag:$0x4] =	stream.linear.gather [hbm4b:s17+s18], $0x18, $0x38;
	[tilespmem:$0x1D5F0] =	vst v63  }
0x149: {  	s24 =	simm.s32 $0xA8;
	s19 =	sadd.s32 s8, s22  }
0x14a: {  	v0 =	vmov s18;
	[tilespmem:s24], [sflag:$0x4] =	stream.linear.gather [hbm4b:s19+s18], $0x18, $0x38;
	[tilespmem:$0x1D5F0] =	vst v63  }
0x14b: {  	s24 =	simm.s32 $0x2980  }
0x14c: {  	s12 =	simm.s32 $0x3E60;
	v1 =	vld [tilespmem:s24+$0xFFFFFFC0]  }
0x14d: {  	s17 =	simm.s32 $0xE80;
	v2 =	vld [tilespmem:s12+$0xFFFFFFE0]  }
0x14e: {  	v3 =	vld [tilespmem:s17+$0xFFFFFFC0]  }
0x14f: {  	v0 =	vld.idx.msk [tilespmem:v0+s25+$0x0], $0xffff  }
0x150: {  	v4 =	vld [tilespmem:$0x60F0];
	_ =	sdelay $0x2  }
0x151: {  	v1 =	vadd.f32 v1, v3  }
0x152: {  	v3 =	vshll.u32 v2, $0x10  }
0x153: {  	v1 =	vadd.f32 v3, v1;
	v3 =	vmul.f32 v4, v0;
	_ =	sdelay $0x1  }
0x154: {  	v1 =	vadd.f32 v3, v1;
	_ =	sdelay $0x1  }
0x155: {  	s18 =	simm.s32 $0x5380;
	v1 =	vmax.f32 v1, $0.0e+00  }
0x156: {  	[tilespmem:s18+$0xFFFFFFC0] =	vst v1  }
0x157: {  	v1 =	vld [tilespmem:s17+$0xFFFFFFD0]  }
0x158: {  	v3 =	vld [tilespmem:s24+$0xFFFFFFD0];
	_ =	sdelay $0x1  }
0x159: {  	v4 =	vld [tilespmem:$0x6100];
	_ =	sdelay $0x2  }
0x15a: {  	v1 =	vadd.f32 v3, v1  }
0x15b: {  	v2 =	vand.u32 $0xFFFF0000, v2  }
0x15c: {  	v1 =	vadd.f32 v2, v1;
	v2 =	vmul.f32 v4, v0;
	_ =	sdelay $0x1  }
0x15d: {  	v1 =	vadd.f32 v2, v1;
	_ =	sdelay $0x1  }
0x15e: {  	v1 =	vmax.f32 v1, $0.0e+00  }
0x15f: {  	[tilespmem:s18+$0xFFFFFFD0] =	vst v1  }
0x160: {  	v1 =	vld [tilespmem:s17+$0xFFFFFFE0]  }
0x161: {  	v2 =	vld [tilespmem:s24+$0xFFFFFFE0]  }
0x162: {  	v3 =	vld [tilespmem:s12+$0xFFFFFFF0]  }
0x163: {  	v4 =	vld [tilespmem:$0x6110];
	_ =	sdelay $0x2  }
0x164: {  	v1 =	vadd.f32 v2, v1  }
0x165: {  	v2 =	vshll.u32 v3, $0x10  }
0x166: {  	v1 =	vadd.f32 v2, v1;
	v2 =	vmul.f32 v4, v0;
	_ =	sdelay $0x1  }
0x167: {  	v1 =	vadd.f32 v2, v1;
	_ =	sdelay $0x1  }
0x168: {  	v1 =	vmax.f32 v1, $0.0e+00  }
0x169: {  	[tilespmem:s18+$0xFFFFFFE0] =	vst v1  }
0x16a: {  	v1 =	vld [tilespmem:s17+$0xFFFFFFF0]  }
0x16b: {  	v2 =	vld [tilespmem:s24+$0xFFFFFFF0];
	_ =	sdelay $0x1  }
0x16c: {  	v4 =	vld [tilespmem:$0x6120];
	_ =	sdelay $0x2  }
0x16d: {  	v1 =	vadd.f32 v2, v1  }
0x16e: {  	v2 =	vand.u32 $0xFFFF0000, v3  }
0x16f: {  	v1 =	vadd.f32 v2, v1;
	v2 =	vmul.f32 v4, v0;
	_ =	sdelay $0x1  }
0x170: {  	v1 =	vadd.f32 v2, v1;
	_ =	sdelay $0x1  }
0x171: {  	v1 =	vmax.f32 v1, $0.0e+00  }
0x172: {  	[tilespmem:s18+$0xFFFFFFF0] =	vst v1  }
0x173: {  	v1 =	vld [tilespmem:s17+$0x0]  }
0x174: {  	v2 =	vld [tilespmem:s24+$0x0]  }
0x175: {  	v3 =	vld [tilespmem:s12+$0x0]  }
0x176: {  	v4 =	vld [tilespmem:$0x6130];
	_ =	sdelay $0x2  }
0x177: {  	v1 =	vadd.f32 v2, v1  }
0x178: {  	v2 =	vshll.u32 v3, $0x10  }
0x179: {  	v1 =	vadd.f32 v2, v1;
	v2 =	vmul.f32 v4, v0;
	_ =	sdelay $0x1  }
0x17a: {  	v1 =	vadd.f32 v2, v1;
	_ =	sdelay $0x1  }
0x17b: {  	v1 =	vmax.f32 v1, $0.0e+00  }
0x17c: {  	[tilespmem:s18+$0x0] =	vst v1  }
0x17d: {  	v1 =	vld [tilespmem:s17+$0x10]  }
0x17e: {  	v2 =	vld [tilespmem:s24+$0x10];
	_ =	sdelay $0x1  }
0x17f: {  	v4 =	vld [tilespmem:$0x6140];
	_ =	sdelay $0x2  }
0x180: {  	v1 =	vadd.f32 v2, v1  }
0x181: {  	v2 =	vand.u32 $0xFFFF0000, v3  }
0x182: {  	v1 =	vadd.f32 v2, v1;
	v2 =	vmul.f32 v4, v0;
	_ =	sdelay $0x1  }
0x183: {  	v1 =	vadd.f32 v2, v1;
	_ =	sdelay $0x1  }
0x184: {  	v1 =	vmax.f32 v1, $0.0e+00  }
0x185: {  	[tilespmem:s18+$0x10] =	vst v1  }
0x186: {  	v1 =	vld [tilespmem:s17+$0x20]  }
0x187: {  	v2 =	vld [tilespmem:s24+$0x20]  }
0x188: {  	v3 =	vld [tilespmem:s12+$0x10]  }
0x189: {  	v4 =	vld [tilespmem:$0x6150];
	_ =	sdelay $0x2  }
0x18a: {  	v1 =	vadd.f32 v2, v1  }
0x18b: {  	v2 =	vshll.u32 v3, $0x10  }
0x18c: {  	v1 =	vadd.f32 v2, v1;
	v2 =	vmul.f32 v4, v0;
	_ =	sdelay $0x1  }
0x18d: {  	v1 =	vadd.f32 v2, v1;
	_ =	sdelay $0x1  }
0x18e: {  	v1 =	vmax.f32 v1, $0.0e+00  }
0x18f: {  	[tilespmem:s18+$0x20] =	vst v1  }
0x190: {  	v1 =	vld [tilespmem:s17+$0x30]  }
0x191: {  	v2 =	vld [tilespmem:s24+$0x30];
	_ =	sdelay $0x1  }
0x192: {  	v4 =	vld [tilespmem:$0x6160];
	_ =	sdelay $0x2  }
0x193: {  	v1 =	vadd.f32 v2, v1  }
0x194: {  	v2 =	vand.u32 $0xFFFF0000, v3  }
0x195: {  	v3 =	vmul.f32 v4, v0;
	v1 =	vadd.f32 v2, v1;
	_ =	sdelay $0x1  }
0x196: {  	v1 =	vadd.f32 v3, v1;
	_ =	sdelay $0x1  }
0x197: {  	v1 =	vmax.f32 v1, $0.0e+00  }
0x198: {  	[tilespmem:s18+$0x30] =	vst v1  }
0x199: {  	v1 =	vld [tilespmem:s17+$0x40]  }
0x19a: {  	v3 =	vld [tilespmem:s24+$0x40]  }
0x19b: {  	v4 =	vld [tilespmem:s12+$0x20]  }
0x19c: {  	s1 =	simm.s32 $0x5410;
	s19 =	simm.s32 $0x1;
	v2 =	vld [tilespmem:$0x6170]  }
.LBB2_5:
0x19d: {  	s12 =	sadd.s32 $0x50, s12;
	s17 =	sadd.s32 $0x90, s17;
	s24 =	sadd.s32 $0x90, s24  }
0x19e: {  	p0 =	sne.s32 s19, $0x17;
	s2 =	smov.u32 s19;
	s19 =	sadd.s32 $0x1, s19  }
0x19f: {  	v1 =	vadd.f32 v3, v1  }
0x1a0: {  	v3 =	vshll.u32 v4, $0x10  }
0x1a1: {  	v1 =	vadd.f32 v3, v1;
	v0 =	vmul.f32 v2, v0;
	_ =	sdelay $0x1  }
0x1a2: {  	v0 =	vadd.f32 v0, v1  }
0x1a3: {  	v1 =	vmov s2  }
0x1a4: {  	v0 =	vmax.f32 v0, $0.0e+00  }
0x1a5: {  	[tilespmem:s18+$0x40] =	vst v0;
	s18 =	smov.u32 s1  }
0x1a6: {  	v2 =	vld [tilespmem:s24+$0xFFFFFFC0]  }
0x1a7: {  	v3 =	vld [tilespmem:s12+$0xFFFFFFE0]  }
0x1a8: {  	v4 =	vld [tilespmem:s17+$0xFFFFFFC0]  }
0x1a9: {  	v0 =	vld.idx.msk [tilespmem:v1+s25+$0x0], $0xffff  }
0x1aa: {  	v1 =	vld [tilespmem:$0x60F0];
	_ =	sdelay $0x2  }
0x1ab: {  	v5 =	vshll.u32 v3, $0x10;
	v2 =	vadd.f32 v2, v4;
	_ =	sdelay $0x1  }
0x1ac: {  	v2 =	vadd.f32 v5, v2;
	v1 =	vmul.f32 v1, v0;
	_ =	sdelay $0x1  }
0x1ad: {  	v1 =	vadd.f32 v1, v2;
	_ =	sdelay $0x1  }
0x1ae: {  	v1 =	vmax.f32 v1, $0.0e+00  }
0x1af: {  	[tilespmem:s1+$0xFFFFFFC0] =	vst v1  }
0x1b0: {  	v1 =	vld [tilespmem:s17+$0xFFFFFFD0]  }
0x1b1: {  	v2 =	vld [tilespmem:s24+$0xFFFFFFD0];
	_ =	sdelay $0x1  }
0x1b2: {  	v4 =	vld [tilespmem:$0x6100];
	_ =	sdelay $0x2  }
0x1b3: {  	v1 =	vadd.f32 v2, v1  }
0x1b4: {  	v2 =	vand.u32 $0xFFFF0000, v3  }
0x1b5: {  	v1 =	vadd.f32 v2, v1;
	v2 =	vmul.f32 v4, v0;
	_ =	sdelay $0x1  }
0x1b6: {  	v1 =	vadd.f32 v2, v1;
	_ =	sdelay $0x1  }
0x1b7: {  	v1 =	vmax.f32 v1, $0.0e+00  }
0x1b8: {  	[tilespmem:s1+$0xFFFFFFD0] =	vst v1  }
0x1b9: {  	v1 =	vld [tilespmem:s17+$0xFFFFFFE0]  }
0x1ba: {  	v2 =	vld [tilespmem:s24+$0xFFFFFFE0]  }
0x1bb: {  	v3 =	vld [tilespmem:s12+$0xFFFFFFF0]  }
0x1bc: {  	v4 =	vld [tilespmem:$0x6110];
	_ =	sdelay $0x2  }
0x1bd: {  	v1 =	vadd.f32 v2, v1  }
0x1be: {  	v2 =	vshll.u32 v3, $0x10  }
0x1bf: {  	v1 =	vadd.f32 v2, v1;
	v2 =	vmul.f32 v4, v0;
	_ =	sdelay $0x1  }
0x1c0: {  	v1 =	vadd.f32 v2, v1;
	_ =	sdelay $0x1  }
0x1c1: {  	v1 =	vmax.f32 v1, $0.0e+00  }
0x1c2: {  	[tilespmem:s1+$0xFFFFFFE0] =	vst v1  }
0x1c3: {  	v1 =	vld [tilespmem:s17+$0xFFFFFFF0]  }
0x1c4: {  	v2 =	vld [tilespmem:s24+$0xFFFFFFF0];
	_ =	sdelay $0x1  }
0x1c5: {  	v4 =	vld [tilespmem:$0x6120];
	_ =	sdelay $0x2  }
0x1c6: {  	v1 =	vadd.f32 v2, v1  }
0x1c7: {  	v2 =	vand.u32 $0xFFFF0000, v3  }
0x1c8: {  	v1 =	vadd.f32 v2, v1;
	v2 =	vmul.f32 v4, v0;
	_ =	sdelay $0x1  }
0x1c9: {  	v1 =	vadd.f32 v2, v1;
	_ =	sdelay $0x1  }
0x1ca: {  	v1 =	vmax.f32 v1, $0.0e+00  }
0x1cb: {  	[tilespmem:s1+$0xFFFFFFF0] =	vst v1  }
0x1cc: {  	v1 =	vld [tilespmem:s17+$0x0]  }
0x1cd: {  	v2 =	vld [tilespmem:s24+$0x0]  }
0x1ce: {  	v3 =	vld [tilespmem:s12+$0x0]  }
0x1cf: {  	v4 =	vld [tilespmem:$0x6130];
	_ =	sdelay $0x2  }
0x1d0: {  	v1 =	vadd.f32 v2, v1  }
0x1d1: {  	v2 =	vshll.u32 v3, $0x10  }
0x1d2: {  	v1 =	vadd.f32 v2, v1;
	v2 =	vmul.f32 v4, v0;
	_ =	sdelay $0x1  }
0x1d3: {  	v1 =	vadd.f32 v2, v1;
	_ =	sdelay $0x1  }
0x1d4: {  	v1 =	vmax.f32 v1, $0.0e+00  }
0x1d5: {  	[tilespmem:s1+$0x0] =	vst v1  }
0x1d6: {  	v1 =	vld [tilespmem:s17+$0x10]  }
0x1d7: {  	v2 =	vld [tilespmem:s24+$0x10];
	_ =	sdelay $0x1  }
0x1d8: {  	v4 =	vld [tilespmem:$0x6140];
	_ =	sdelay $0x2  }
0x1d9: {  	v1 =	vadd.f32 v2, v1  }
0x1da: {  	v2 =	vand.u32 $0xFFFF0000, v3  }
0x1db: {  	v1 =	vadd.f32 v2, v1;
	v2 =	vmul.f32 v4, v0;
	_ =	sdelay $0x1  }
0x1dc: {  	v1 =	vadd.f32 v2, v1;
	_ =	sdelay $0x1  }
0x1dd: {  	v1 =	vmax.f32 v1, $0.0e+00  }
0x1de: {  	[tilespmem:s1+$0x10] =	vst v1  }
0x1df: {  	v1 =	vld [tilespmem:s17+$0x20]  }
0x1e0: {  	v2 =	vld [tilespmem:s24+$0x20]  }
0x1e1: {  	v3 =	vld [tilespmem:s12+$0x10]  }
0x1e2: {  	v4 =	vld [tilespmem:$0x6150];
	_ =	sdelay $0x2  }
0x1e3: {  	v1 =	vadd.f32 v2, v1  }
0x1e4: {  	v2 =	vshll.u32 v3, $0x10  }
0x1e5: {  	v1 =	vadd.f32 v2, v1;
	v2 =	vmul.f32 v4, v0;
	_ =	sdelay $0x1  }
0x1e6: {  	v1 =	vadd.f32 v2, v1;
	_ =	sdelay $0x1  }
0x1e7: {  	v1 =	vmax.f32 v1, $0.0e+00  }
0x1e8: {  	[tilespmem:s1+$0x20] =	vst v1  }
0x1e9: {  	v1 =	vld [tilespmem:s17+$0x30]  }
0x1ea: {  	v2 =	vld [tilespmem:s24+$0x30]  }
0x1eb: {  	v4 =	vld [tilespmem:$0x6160];
	_ =	sdelay $0x3  }
0x1ec: {  	v1 =	vadd.f32 v2, v1  }
0x1ed: {  	v2 =	vand.u32 $0xFFFF0000, v3;
	v3 =	vmul.f32 v4, v0  }
0x1ee: {  	v1 =	vadd.f32 v2, v1;
	_ =	sdelay $0x1  }
0x1ef: {  	v1 =	vadd.f32 v3, v1;
	_ =	sdelay $0x1  }
0x1f0: {  	v1 =	vmax.f32 v1, $0.0e+00  }
.Ltmp1:
0x1f1: {  	[tilespmem:s1+$0x30] =	vst v1;
	(pc) =	sbr.rel @p0 .LBB2_5-.Ltmp1, $4  }
0x1f2: {  	v1 =	vld [tilespmem:s17+$0x40]  }
0x1f3: {  	v3 =	vld [tilespmem:s24+$0x40]  }
0x1f4: {  	v4 =	vld [tilespmem:s12+$0x20]  }
0x1f5: {  	s1 =	sadd.s32 $0x90, s1;
	v2 =	vld [tilespmem:$0x6170]  }
0x1f6: {  	_ =	sdelay $0x1  }
0x1f7: {  	v1 =	vadd.f32 v3, v1  }
0x1f8: {  	v3 =	vshll.u32 v4, $0x10  }
0x1f9: {  	v1 =	vadd.f32 v3, v1;
	v0 =	vmul.f32 v2, v0;
	_ =	sdelay $0x1  }
0x1fa: {  	v0 =	vadd.f32 v0, v1;
	_ =	sdelay $0x1  }
0x1fb: {  	v0 =	vmax.f32 v0, $0.0e+00  }
0x1fc: {  	s1 =	rddreg [dreg:$0x2];
	s2 =	simm.s32 $0x5340;
	[tilespmem:s18+$0x40] =	vst v0  }
0x1fd: {  	[spmem:s1] =	stream.indirect.scatter.add.f32 [tilespmem:s2], [sflag:$0x8], $0x90, s13, s13, $0xb8;
	[tilespmem:$0x1D5F0] =	vst v63  }
0x1fe: {  	s12 =	rddreg [dreg:$0x3]  }
0x1ff: {  	[spmem:s12] =	stream.indirect.scatter.add.f32 [tilespmem:s11], [sflag:$0x8], $0x8, s13, s13, $0xb8;
	[tilespmem:$0x1D5F0] =	vst v63  }
0x200: {  	_ =	swait.ge [sflag:s15], $0x18  }
0x201: {  	[sflag:s15] =	ssyncset.done $0x0  }
0x202: {  	[sflag:s15] =	ssyncadd.s32 $0xFFFFFFE8  }
0x203: {  	_ =	swait.ge [sflag:s15], $0x18  }
0x204: {  	[sflag:s15] =	ssyncset.done $0x0  }
0x205: {  	s17 =	simm.s32 $0xE40;
	[sflag:s15] =	ssyncadd.s32 $0xFFFFFFE8  }
0x206: {  	[tilespmem:s17], [sflag:$0x6] =	stream.indirect.gather [hbm4b:s6+s13], $0x90, s16, s13, $0xb8;
	[tilespmem:$0x1D5F0] =	vst v63  }
0x207: {  	s19 =	simm.s32 $0x2940;
	s18 =	smul.u32 $0xA, s23;
	s12 =	simm.s32 $0xA8  }
0x208: {  	[tilespmem:s19], [sflag:$0x6] =	stream.indirect.gather [hbm4b:s7+s13], $0x90, s12, s13, $0xb8;
	[tilespmem:$0x1D5F0] =	vst v63  }
0x209: {  	s23 =	simm.s32 $0x3E40;
	s1 =	sadd.s32 s9, s18  }
0x20a: {  	[tilespmem:s23], [sflag:$0x6] =	stream.linear.gather [hbm4b:s1+s4], $0x780, $0x38;
	[tilespmem:$0x1D5F0] =	vst v63  }
0x20b: {  	s24 =	sadd.s32 s10, s22  }
0x20c: {  	[tilespmem:s25], [sflag:$0x6] =	stream.linear.gather [hbm4b:s24+s4], $0x18, $0x38;
	[tilespmem:$0x1D5F0] =	vst v63  }
0x20d: {  	_ =	swait.ge [sflag:s26], $0xD80  }
0x20e: {  	[sflag:s26] =	ssyncset.done $0x0  }
0x20f: {  	[sflag:s26] =	ssyncadd.s32 $0xFFFFF280  }
0x210: {  	_ =	swait.ge [sflag:s26], $0xD80  }
0x211: {  	[sflag:s26] =	ssyncset.done $0x0  }
0x212: {  	[sflag:s26] =	ssyncadd.s32 $0xFFFFF280  }
0x213: {  	_ =	swait.ge [sflag:s26], $0x780  }
0x214: {  	[sflag:s26] =	ssyncset.done $0x0  }
0x215: {  	[sflag:s26] =	ssyncadd.s32 $0xFFFFF880  }
0x216: {  	_ =	swait.ge [sflag:s26], $0x18  }
0x217: {  	[sflag:s26] =	ssyncset.done $0x0  }
0x218: {  	[sflag:s26] =	ssyncadd.s32 $0xFFFFFFE8  }
0x219: {  	_ =	swait.ge [sflag:s29], $0xD80  }
0x21a: {  	[sflag:s29] =	ssyncset.done $0x0  }
0x21b: {  	[sflag:s29] =	ssyncadd.s32 $0xFFFFF280  }
0x21c: {  	_ =	swait.ge [sflag:s29], $0xC0  }
0x21d: {  	p0 =	seq.s32 s31, $0x68;
	s1 =	rddreg [dreg:$0x18]  }
0x21e: {  	s23 =	sadd.s32 @!p0 s0, s1  }
0x21f: {  	s2 =	simm.s32 @!p0 $0x0;
	[sflag:s29] =	ssyncset.done $0x0;
	s22 =	sshrl.u32 @!p0 s23, $0x3  }
0x220: {  	s17 =	simm.s32 $0x0;
	[sflag:s29] =	ssyncadd.s32 $0xFFFFFF40;
	s1 =	sadd.s32 @!p0 s3, s22  }
0x221: {  	[tilespmem:s2], [sflag:$0x1] =	stream.linear.gather @!p0 [hbm4b:s1+s2], $0x18, $0x38;
	[tilespmem:$0x1D5F0] =	vst v63  }
0x222: {  	v0 =	vmov s17;
	s12 =	simm.s32 @!p0 $0x60;
	s24 =	simm.s32 $0x1C00;
	s1 =	sadd.s32 @!p0 s8, s22  }
0x223: {  	[tilespmem:s12], [sflag:$0x1] =	stream.linear.gather @!p0 [hbm4b:s1+s2], $0x18, $0x38;
	[tilespmem:$0x1D5F0] =	vst v63  }
0x224: {  	s12 =	simm.s32 $0x36E0;
	v1 =	vld [tilespmem:s24+$0xFFFFFFC0]  }
0x225: {  	s17 =	simm.s32 $0x100;
	v2 =	vld [tilespmem:s12+$0xFFFFFFE0]  }
0x226: {  	v3 =	vld [tilespmem:s17+$0xFFFFFFC0]  }
0x227: {  	v0 =	vld.idx.msk [tilespmem:v0+s20+$0x0], $0xffff  }
0x228: {  	v4 =	vld [tilespmem:$0x60F0];
	_ =	sdelay $0x2  }
0x229: {  	v1 =	vadd.f32 v1, v3  }
0x22a: {  	v3 =	vshll.u32 v2, $0x10  }
0x22b: {  	v1 =	vadd.f32 v3, v1;
	v3 =	vmul.f32 v4, v0;
	_ =	sdelay $0x1  }
0x22c: {  	v1 =	vadd.f32 v3, v1;
	_ =	sdelay $0x1  }
0x22d: {  	s18 =	simm.s32 $0x4600;
	v1 =	vmax.f32 v1, $0.0e+00  }
0x22e: {  	[tilespmem:s18+$0xFFFFFFC0] =	vst v1  }
0x22f: {  	v1 =	vld [tilespmem:s17+$0xFFFFFFD0]  }
0x230: {  	v3 =	vld [tilespmem:s24+$0xFFFFFFD0];
	_ =	sdelay $0x1  }
0x231: {  	v4 =	vld [tilespmem:$0x6100];
	_ =	sdelay $0x2  }
0x232: {  	v1 =	vadd.f32 v3, v1  }
0x233: {  	v2 =	vand.u32 $0xFFFF0000, v2  }
0x234: {  	v1 =	vadd.f32 v2, v1;
	v2 =	vmul.f32 v4, v0;
	_ =	sdelay $0x1  }
0x235: {  	v1 =	vadd.f32 v2, v1;
	_ =	sdelay $0x1  }
0x236: {  	v1 =	vmax.f32 v1, $0.0e+00  }
0x237: {  	[tilespmem:s18+$0xFFFFFFD0] =	vst v1  }
0x238: {  	v1 =	vld [tilespmem:s17+$0xFFFFFFE0]  }
0x239: {  	v2 =	vld [tilespmem:s24+$0xFFFFFFE0]  }
0x23a: {  	v3 =	vld [tilespmem:s12+$0xFFFFFFF0]  }
0x23b: {  	v4 =	vld [tilespmem:$0x6110];
	_ =	sdelay $0x2  }
0x23c: {  	v1 =	vadd.f32 v2, v1  }
0x23d: {  	v2 =	vshll.u32 v3, $0x10  }
0x23e: {  	v1 =	vadd.f32 v2, v1;
	v2 =	vmul.f32 v4, v0;
	_ =	sdelay $0x1  }
0x23f: {  	v1 =	vadd.f32 v2, v1;
	_ =	sdelay $0x1  }
0x240: {  	v1 =	vmax.f32 v1, $0.0e+00  }
0x241: {  	[tilespmem:s18+$0xFFFFFFE0] =	vst v1  }
0x242: {  	v1 =	vld [tilespmem:s17+$0xFFFFFFF0]  }
0x243: {  	v2 =	vld [tilespmem:s24+$0xFFFFFFF0];
	_ =	sdelay $0x1  }
0x244: {  	v4 =	vld [tilespmem:$0x6120];
	_ =	sdelay $0x2  }
0x245: {  	v1 =	vadd.f32 v2, v1  }
0x246: {  	v2 =	vand.u32 $0xFFFF0000, v3  }
0x247: {  	v1 =	vadd.f32 v2, v1;
	v2 =	vmul.f32 v4, v0;
	_ =	sdelay $0x1  }
0x248: {  	v1 =	vadd.f32 v2, v1;
	_ =	sdelay $0x1  }
0x249: {  	v1 =	vmax.f32 v1, $0.0e+00  }
0x24a: {  	[tilespmem:s18+$0xFFFFFFF0] =	vst v1  }
0x24b: {  	v1 =	vld [tilespmem:s17+$0x0]  }
0x24c: {  	v2 =	vld [tilespmem:s24+$0x0]  }
0x24d: {  	v3 =	vld [tilespmem:s12+$0x0]  }
0x24e: {  	v4 =	vld [tilespmem:$0x6130];
	_ =	sdelay $0x2  }
0x24f: {  	v1 =	vadd.f32 v2, v1  }
0x250: {  	v2 =	vshll.u32 v3, $0x10  }
0x251: {  	v1 =	vadd.f32 v2, v1;
	v2 =	vmul.f32 v4, v0;
	_ =	sdelay $0x1  }
0x252: {  	v1 =	vadd.f32 v2, v1;
	_ =	sdelay $0x1  }
0x253: {  	v1 =	vmax.f32 v1, $0.0e+00  }
0x254: {  	[tilespmem:s18+$0x0] =	vst v1  }
0x255: {  	v1 =	vld [tilespmem:s17+$0x10]  }
0x256: {  	v2 =	vld [tilespmem:s24+$0x10];
	_ =	sdelay $0x1  }
0x257: {  	v4 =	vld [tilespmem:$0x6140];
	_ =	sdelay $0x2  }
0x258: {  	v1 =	vadd.f32 v2, v1  }
0x259: {  	v2 =	vand.u32 $0xFFFF0000, v3  }
0x25a: {  	v1 =	vadd.f32 v2, v1;
	v2 =	vmul.f32 v4, v0;
	_ =	sdelay $0x1  }
0x25b: {  	v1 =	vadd.f32 v2, v1;
	_ =	sdelay $0x1  }
0x25c: {  	v1 =	vmax.f32 v1, $0.0e+00  }
0x25d: {  	[tilespmem:s18+$0x10] =	vst v1  }
0x25e: {  	v1 =	vld [tilespmem:s17+$0x20]  }
0x25f: {  	v2 =	vld [tilespmem:s24+$0x20]  }
0x260: {  	v3 =	vld [tilespmem:s12+$0x10]  }
0x261: {  	v4 =	vld [tilespmem:$0x6150];
	_ =	sdelay $0x2  }
0x262: {  	v1 =	vadd.f32 v2, v1  }
0x263: {  	v2 =	vshll.u32 v3, $0x10  }
0x264: {  	v1 =	vadd.f32 v2, v1;
	v2 =	vmul.f32 v4, v0;
	_ =	sdelay $0x1  }
0x265: {  	v1 =	vadd.f32 v2, v1;
	_ =	sdelay $0x1  }
0x266: {  	v1 =	vmax.f32 v1, $0.0e+00  }
0x267: {  	[tilespmem:s18+$0x20] =	vst v1  }
0x268: {  	v1 =	vld [tilespmem:s17+$0x30]  }
0x269: {  	v2 =	vld [tilespmem:s24+$0x30];
	_ =	sdelay $0x1  }
0x26a: {  	v4 =	vld [tilespmem:$0x6160];
	_ =	sdelay $0x2  }
0x26b: {  	v1 =	vadd.f32 v2, v1  }
0x26c: {  	v2 =	vand.u32 $0xFFFF0000, v3  }
0x26d: {  	v3 =	vmul.f32 v4, v0;
	v1 =	vadd.f32 v2, v1;
	_ =	sdelay $0x1  }
0x26e: {  	v1 =	vadd.f32 v3, v1;
	_ =	sdelay $0x1  }
0x26f: {  	v1 =	vmax.f32 v1, $0.0e+00  }
0x270: {  	[tilespmem:s18+$0x30] =	vst v1  }
0x271: {  	v1 =	vld [tilespmem:s17+$0x40]  }
0x272: {  	v3 =	vld [tilespmem:s24+$0x40]  }
0x273: {  	v4 =	vld [tilespmem:s12+$0x20]  }
0x274: {  	s19 =	simm.s32 $0x1;
	s1 =	simm.s32 $0x4690;
	v2 =	vld [tilespmem:$0x6170]  }
.LBB2_7:
0x275: {  	s12 =	sadd.s32 $0x50, s12;
	s17 =	sadd.s32 $0x90, s17;
	s24 =	sadd.s32 $0x90, s24  }
0x276: {  	p1 =	sne.s32 s19, $0x17;
	s2 =	smov.u32 s19;
	s19 =	sadd.s32 $0x1, s19  }
0x277: {  	v1 =	vadd.f32 v3, v1  }
0x278: {  	v3 =	vshll.u32 v4, $0x10  }
0x279: {  	v1 =	vadd.f32 v3, v1;
	v0 =	vmul.f32 v2, v0;
	_ =	sdelay $0x1  }
0x27a: {  	v0 =	vadd.f32 v0, v1  }
0x27b: {  	v1 =	vmov s2  }
0x27c: {  	v0 =	vmax.f32 v0, $0.0e+00  }
0x27d: {  	[tilespmem:s18+$0x40] =	vst v0;
	s18 =	smov.u32 s1  }
0x27e: {  	v2 =	vld [tilespmem:s24+$0xFFFFFFC0]  }
0x27f: {  	v3 =	vld [tilespmem:s12+$0xFFFFFFE0]  }
0x280: {  	v4 =	vld [tilespmem:s17+$0xFFFFFFC0]  }
0x281: {  	v0 =	vld.idx.msk [tilespmem:v1+s20+$0x0], $0xffff  }
0x282: {  	v1 =	vld [tilespmem:$0x60F0];
	_ =	sdelay $0x2  }
0x283: {  	v5 =	vshll.u32 v3, $0x10;
	v2 =	vadd.f32 v2, v4;
	_ =	sdelay $0x1  }
0x284: {  	v2 =	vadd.f32 v5, v2;
	v1 =	vmul.f32 v1, v0;
	_ =	sdelay $0x1  }
0x285: {  	v1 =	vadd.f32 v1, v2;
	_ =	sdelay $0x1  }
0x286: {  	v1 =	vmax.f32 v1, $0.0e+00  }
0x287: {  	[tilespmem:s1+$0xFFFFFFC0] =	vst v1  }
0x288: {  	v1 =	vld [tilespmem:s17+$0xFFFFFFD0]  }
0x289: {  	v2 =	vld [tilespmem:s24+$0xFFFFFFD0];
	_ =	sdelay $0x1  }
0x28a: {  	v4 =	vld [tilespmem:$0x6100];
	_ =	sdelay $0x2  }
0x28b: {  	v1 =	vadd.f32 v2, v1  }
0x28c: {  	v2 =	vand.u32 $0xFFFF0000, v3  }
0x28d: {  	v1 =	vadd.f32 v2, v1;
	v2 =	vmul.f32 v4, v0;
	_ =	sdelay $0x1  }
0x28e: {  	v1 =	vadd.f32 v2, v1;
	_ =	sdelay $0x1  }
0x28f: {  	v1 =	vmax.f32 v1, $0.0e+00  }
0x290: {  	[tilespmem:s1+$0xFFFFFFD0] =	vst v1  }
0x291: {  	v1 =	vld [tilespmem:s17+$0xFFFFFFE0]  }
0x292: {  	v2 =	vld [tilespmem:s24+$0xFFFFFFE0]  }
0x293: {  	v3 =	vld [tilespmem:s12+$0xFFFFFFF0]  }
0x294: {  	v4 =	vld [tilespmem:$0x6110];
	_ =	sdelay $0x2  }
0x295: {  	v1 =	vadd.f32 v2, v1  }
0x296: {  	v2 =	vshll.u32 v3, $0x10  }
0x297: {  	v1 =	vadd.f32 v2, v1;
	v2 =	vmul.f32 v4, v0;
	_ =	sdelay $0x1  }
0x298: {  	v1 =	vadd.f32 v2, v1;
	_ =	sdelay $0x1  }
0x299: {  	v1 =	vmax.f32 v1, $0.0e+00  }
0x29a: {  	[tilespmem:s1+$0xFFFFFFE0] =	vst v1  }
0x29b: {  	v1 =	vld [tilespmem:s17+$0xFFFFFFF0]  }
0x29c: {  	v2 =	vld [tilespmem:s24+$0xFFFFFFF0];
	_ =	sdelay $0x1  }
0x29d: {  	v4 =	vld [tilespmem:$0x6120];
	_ =	sdelay $0x2  }
0x29e: {  	v1 =	vadd.f32 v2, v1  }
0x29f: {  	v2 =	vand.u32 $0xFFFF0000, v3  }
0x2a0: {  	v1 =	vadd.f32 v2, v1;
	v2 =	vmul.f32 v4, v0;
	_ =	sdelay $0x1  }
0x2a1: {  	v1 =	vadd.f32 v2, v1;
	_ =	sdelay $0x1  }
0x2a2: {  	v1 =	vmax.f32 v1, $0.0e+00  }
0x2a3: {  	[tilespmem:s1+$0xFFFFFFF0] =	vst v1  }
0x2a4: {  	v1 =	vld [tilespmem:s17+$0x0]  }
0x2a5: {  	v2 =	vld [tilespmem:s24+$0x0]  }
0x2a6: {  	v3 =	vld [tilespmem:s12+$0x0]  }
0x2a7: {  	v4 =	vld [tilespmem:$0x6130];
	_ =	sdelay $0x2  }
0x2a8: {  	v1 =	vadd.f32 v2, v1  }
0x2a9: {  	v2 =	vshll.u32 v3, $0x10  }
0x2aa: {  	v1 =	vadd.f32 v2, v1;
	v2 =	vmul.f32 v4, v0;
	_ =	sdelay $0x1  }
0x2ab: {  	v1 =	vadd.f32 v2, v1;
	_ =	sdelay $0x1  }
0x2ac: {  	v1 =	vmax.f32 v1, $0.0e+00  }
0x2ad: {  	[tilespmem:s1+$0x0] =	vst v1  }
0x2ae: {  	v1 =	vld [tilespmem:s17+$0x10]  }
0x2af: {  	v2 =	vld [tilespmem:s24+$0x10];
	_ =	sdelay $0x1  }
0x2b0: {  	v4 =	vld [tilespmem:$0x6140];
	_ =	sdelay $0x2  }
0x2b1: {  	v1 =	vadd.f32 v2, v1  }
0x2b2: {  	v2 =	vand.u32 $0xFFFF0000, v3  }
0x2b3: {  	v1 =	vadd.f32 v2, v1;
	v2 =	vmul.f32 v4, v0;
	_ =	sdelay $0x1  }
0x2b4: {  	v1 =	vadd.f32 v2, v1;
	_ =	sdelay $0x1  }
0x2b5: {  	v1 =	vmax.f32 v1, $0.0e+00  }
0x2b6: {  	[tilespmem:s1+$0x10] =	vst v1  }
0x2b7: {  	v1 =	vld [tilespmem:s17+$0x20]  }
0x2b8: {  	v2 =	vld [tilespmem:s24+$0x20]  }
0x2b9: {  	v3 =	vld [tilespmem:s12+$0x10]  }
0x2ba: {  	v4 =	vld [tilespmem:$0x6150];
	_ =	sdelay $0x2  }
0x2bb: {  	v1 =	vadd.f32 v2, v1  }
0x2bc: {  	v2 =	vshll.u32 v3, $0x10  }
0x2bd: {  	v1 =	vadd.f32 v2, v1;
	v2 =	vmul.f32 v4, v0;
	_ =	sdelay $0x1  }
0x2be: {  	v1 =	vadd.f32 v2, v1;
	_ =	sdelay $0x1  }
0x2bf: {  	v1 =	vmax.f32 v1, $0.0e+00  }
0x2c0: {  	[tilespmem:s1+$0x20] =	vst v1  }
0x2c1: {  	v1 =	vld [tilespmem:s17+$0x30]  }
0x2c2: {  	v2 =	vld [tilespmem:s24+$0x30]  }
0x2c3: {  	v4 =	vld [tilespmem:$0x6160];
	_ =	sdelay $0x3  }
0x2c4: {  	v1 =	vadd.f32 v2, v1  }
0x2c5: {  	v2 =	vand.u32 $0xFFFF0000, v3;
	v3 =	vmul.f32 v4, v0  }
0x2c6: {  	v1 =	vadd.f32 v2, v1;
	_ =	sdelay $0x1  }
0x2c7: {  	v1 =	vadd.f32 v3, v1;
	_ =	sdelay $0x1  }
0x2c8: {  	v1 =	vmax.f32 v1, $0.0e+00  }
.Ltmp2:
0x2c9: {  	[tilespmem:s1+$0x30] =	vst v1;
	(pc) =	sbr.rel @p1 .LBB2_7-.Ltmp2, $4  }
0x2ca: {  	v1 =	vld [tilespmem:s17+$0x40]  }
0x2cb: {  	v3 =	vld [tilespmem:s24+$0x40]  }
0x2cc: {  	v4 =	vld [tilespmem:s12+$0x20]  }
0x2cd: {  	s1 =	sadd.s32 $0x90, s1;
	v2 =	vld [tilespmem:$0x6170]  }
0x2ce: {  	_ =	sdelay $0x1  }
0x2cf: {  	v1 =	vadd.f32 v3, v1  }
0x2d0: {  	v3 =	vshll.u32 v4, $0x10  }
0x2d1: {  	v1 =	vadd.f32 v3, v1;
	v0 =	vmul.f32 v2, v0;
	_ =	sdelay $0x1  }
0x2d2: {  	v0 =	vadd.f32 v0, v1;
	_ =	sdelay $0x1  }
0x2d3: {  	v0 =	vmax.f32 v0, $0.0e+00  }
0x2d4: {  	s1 =	rddreg [dreg:$0x2];
	s2 =	simm.s32 $0x45C0;
	[tilespmem:s18+$0x40] =	vst v0  }
0x2d5: {  	[spmem:s1] =	stream.indirect.scatter.add.f32 [tilespmem:s2], [sflag:$0x7], $0x90, s28, s13, $0xb8;
	[tilespmem:$0x1D5F0] =	vst v63  }
0x2d6: {  	s19 =	rddreg [dreg:$0x3];
	s1 =	simm.s32 @!p0 $0x1  }
0x2d7: {  	[spmem:s19] =	stream.indirect.scatter.add.f32 [tilespmem:s11], [sflag:$0x7], $0x8, s28, s13, $0xb8;
	[tilespmem:$0x1D5F0] =	vst v63  }
0x2d8: {  	_ =	swait.ge @!p0 [sflag:s1], $0x18  }
0x2d9: {  	[sflag:s1] =	ssyncset.done @!p0 $0x0  }
0x2da: {  	[sflag:s1] =	ssyncadd.s32 @!p0 $0xFFFFFFE8  }
0x2db: {  	_ =	swait.ge @!p0 [sflag:s1], $0x18  }
0x2dc: {  	s12 =	simm.s32 @!p0 $0xC0;
	[sflag:s1] =	ssyncset.done @!p0 $0x0  }
0x2dd: {  	s2 =	simm.s32 @!p0 $0x0;
	[sflag:s1] =	ssyncadd.s32 @!p0 $0xFFFFFFE8;
	s1 =	simm.s32 @!p0 $0x18  }
0x2de: {  	[tilespmem:s12], [sflag:$0x5] =	stream.indirect.gather @!p0 [hbm4b:s6+s1], $0x90, s2, s1, $0xb8;
	[tilespmem:$0x1D5F0] =	vst v63  }
0x2df: {  	s17 =	simm.s32 @!p0 $0x1BC0;
	s18 =	smul.u32 @!p0 $0xA, s23;
	s12 =	simm.s32 @!p0 $0x60  }
0x2e0: {  	[tilespmem:s17], [sflag:$0x5] =	stream.indirect.gather @!p0 [hbm4b:s7+s1], $0x90, s12, s1, $0xb8;
	[tilespmem:$0x1D5F0] =	vst v63  }
0x2e1: {  	s12 =	sadd.s32 @!p0 s9, s18;
	s17 =	simm.s32 @!p0 $0x36C0  }
0x2e2: {  	[tilespmem:s17], [sflag:$0x5] =	stream.linear.gather @!p0 [hbm4b:s12+s2], $0x780, $0x38;
	[tilespmem:$0x1D5F0] =	vst v63  }
0x2e3: {  	s12 =	sadd.s32 @!p0 s10, s22;
	s17 =	simm.s32 @!p0 $0x60C0  }
0x2e4: {  	[tilespmem:s17], [sflag:$0x5] =	stream.linear.gather @!p0 [hbm4b:s12+s2], $0x18, $0x38;
	[tilespmem:$0x1D5F0] =	vst v63  }
0x2e5: {  	_ =	swait.ge [sflag:s14], $0xD80  }
0x2e6: {  	[sflag:s14] =	ssyncset.done $0x0  }
0x2e7: {  	[sflag:s14] =	ssyncadd.s32 $0xFFFFF280  }
0x2e8: {  	_ =	swait.ge [sflag:s14], $0xD80  }
0x2e9: {  	[sflag:s14] =	ssyncset.done $0x0  }
0x2ea: {  	[sflag:s14] =	ssyncadd.s32 $0xFFFFF280  }
0x2eb: {  	_ =	swait.ge [sflag:s14], $0x780  }
0x2ec: {  	[sflag:s14] =	ssyncset.done $0x0  }
0x2ed: {  	[sflag:s14] =	ssyncadd.s32 $0xFFFFF880  }
0x2ee: {  	_ =	swait.ge [sflag:s14], $0x18  }
0x2ef: {  	[sflag:s14] =	ssyncset.done $0x0  }
0x2f0: {  	[sflag:s14] =	ssyncadd.s32 $0xFFFFFFE8  }
0x2f1: {  	_ =	swait.ge [sflag:s30], $0xD80  }
0x2f2: {  	[sflag:s30] =	ssyncset.done $0x0  }
0x2f3: {  	[sflag:s30] =	ssyncadd.s32 $0xFFFFF280  }
0x2f4: {  	_ =	swait.ge [sflag:s30], $0xC0  }
0x2f5: {  	s12 =	rddreg [dreg:$0x19]  }
0x2f6: {  	s0 =	sadd.s32 @!p0 s0, s12  }
0x2f7: {  	[sflag:s30] =	ssyncset.done $0x0;
	s0 =	sshrl.u32 @!p0 s0, $0x3  }
0x2f8: {  	[sflag:s30] =	ssyncadd.s32 $0xFFFFFF40;
	s12 =	sadd.s32 @!p0 s3, s0  }
0x2f9: {  	[tilespmem:s1], [sflag:$0x2] =	stream.linear.gather @!p0 [hbm4b:s12+s2], $0x18, $0x38;
	[tilespmem:$0x1D5F0] =	vst v63  }
0x2fa: {  	s24 =	simm.s32 $0x0;
	s0 =	sadd.s32 @!p0 s8, s0;
	s1 =	simm.s32 @!p0 $0x78  }
0x2fb: {  	v0 =	vmov s24;
	[tilespmem:s1], [sflag:$0x2] =	stream.linear.gather @!p0 [hbm4b:s0+s2], $0x18, $0x38;
	[tilespmem:$0x1D5F0] =	vst v63  }
0x2fc: {  	s0 =	simm.s32 $0x2980  }
0x2fd: {  	s12 =	simm.s32 $0x3E60;
	v1 =	vld [tilespmem:s0+$0xFFFFFFC0]  }
0x2fe: {  	s17 =	simm.s32 $0xE80;
	v2 =	vld [tilespmem:s12+$0xFFFFFFE0]  }
0x2ff: {  	v3 =	vld [tilespmem:s17+$0xFFFFFFC0]  }
0x300: {  	v0 =	vld.idx.msk [tilespmem:v0+s25+$0x0], $0xffff  }
0x301: {  	v4 =	vld [tilespmem:$0x60F0];
	_ =	sdelay $0x2  }
0x302: {  	v1 =	vadd.f32 v1, v3  }
0x303: {  	v3 =	vshll.u32 v2, $0x10  }
0x304: {  	v1 =	vadd.f32 v3, v1;
	v3 =	vmul.f32 v4, v0;
	_ =	sdelay $0x1  }
0x305: {  	v1 =	vadd.f32 v3, v1;
	_ =	sdelay $0x1  }
0x306: {  	s18 =	simm.s32 $0x5380;
	v1 =	vmax.f32 v1, $0.0e+00  }
0x307: {  	[tilespmem:s18+$0xFFFFFFC0] =	vst v1  }
0x308: {  	v1 =	vld [tilespmem:s17+$0xFFFFFFD0]  }
0x309: {  	v3 =	vld [tilespmem:s0+$0xFFFFFFD0];
	_ =	sdelay $0x1  }
0x30a: {  	v4 =	vld [tilespmem:$0x6100];
	_ =	sdelay $0x2  }
0x30b: {  	v1 =	vadd.f32 v3, v1  }
0x30c: {  	v2 =	vand.u32 $0xFFFF0000, v2  }
0x30d: {  	v1 =	vadd.f32 v2, v1;
	v2 =	vmul.f32 v4, v0;
	_ =	sdelay $0x1  }
0x30e: {  	v1 =	vadd.f32 v2, v1;
	_ =	sdelay $0x1  }
0x30f: {  	v1 =	vmax.f32 v1, $0.0e+00  }
0x310: {  	[tilespmem:s18+$0xFFFFFFD0] =	vst v1  }
0x311: {  	v1 =	vld [tilespmem:s17+$0xFFFFFFE0]  }
0x312: {  	v2 =	vld [tilespmem:s0+$0xFFFFFFE0]  }
0x313: {  	v3 =	vld [tilespmem:s12+$0xFFFFFFF0]  }
0x314: {  	v4 =	vld [tilespmem:$0x6110];
	_ =	sdelay $0x2  }
0x315: {  	v1 =	vadd.f32 v2, v1  }
0x316: {  	v2 =	vshll.u32 v3, $0x10  }
0x317: {  	v1 =	vadd.f32 v2, v1;
	v2 =	vmul.f32 v4, v0;
	_ =	sdelay $0x1  }
0x318: {  	v1 =	vadd.f32 v2, v1;
	_ =	sdelay $0x1  }
0x319: {  	v1 =	vmax.f32 v1, $0.0e+00  }
0x31a: {  	[tilespmem:s18+$0xFFFFFFE0] =	vst v1  }
0x31b: {  	v1 =	vld [tilespmem:s17+$0xFFFFFFF0]  }
0x31c: {  	v2 =	vld [tilespmem:s0+$0xFFFFFFF0];
	_ =	sdelay $0x1  }
0x31d: {  	v4 =	vld [tilespmem:$0x6120];
	_ =	sdelay $0x2  }
0x31e: {  	v1 =	vadd.f32 v2, v1  }
0x31f: {  	v2 =	vand.u32 $0xFFFF0000, v3  }
0x320: {  	v1 =	vadd.f32 v2, v1;
	v2 =	vmul.f32 v4, v0;
	_ =	sdelay $0x1  }
0x321: {  	v1 =	vadd.f32 v2, v1;
	_ =	sdelay $0x1  }
0x322: {  	v1 =	vmax.f32 v1, $0.0e+00  }
0x323: {  	[tilespmem:s18+$0xFFFFFFF0] =	vst v1  }
0x324: {  	v1 =	vld [tilespmem:s17+$0x0]  }
0x325: {  	v2 =	vld [tilespmem:s0+$0x0]  }
0x326: {  	v3 =	vld [tilespmem:s12+$0x0]  }
0x327: {  	v4 =	vld [tilespmem:$0x6130];
	_ =	sdelay $0x2  }
0x328: {  	v1 =	vadd.f32 v2, v1  }
0x329: {  	v2 =	vshll.u32 v3, $0x10  }
0x32a: {  	v1 =	vadd.f32 v2, v1;
	v2 =	vmul.f32 v4, v0;
	_ =	sdelay $0x1  }
0x32b: {  	v1 =	vadd.f32 v2, v1;
	_ =	sdelay $0x1  }
0x32c: {  	v1 =	vmax.f32 v1, $0.0e+00  }
0x32d: {  	[tilespmem:s18+$0x0] =	vst v1  }
0x32e: {  	v1 =	vld [tilespmem:s17+$0x10]  }
0x32f: {  	v2 =	vld [tilespmem:s0+$0x10];
	_ =	sdelay $0x1  }
0x330: {  	v4 =	vld [tilespmem:$0x6140];
	_ =	sdelay $0x2  }
0x331: {  	v1 =	vadd.f32 v2, v1  }
0x332: {  	v2 =	vand.u32 $0xFFFF0000, v3  }
0x333: {  	v1 =	vadd.f32 v2, v1;
	v2 =	vmul.f32 v4, v0;
	_ =	sdelay $0x1  }
0x334: {  	v1 =	vadd.f32 v2, v1;
	_ =	sdelay $0x1  }
0x335: {  	v1 =	vmax.f32 v1, $0.0e+00  }
0x336: {  	[tilespmem:s18+$0x10] =	vst v1  }
0x337: {  	v1 =	vld [tilespmem:s17+$0x20]  }
0x338: {  	v2 =	vld [tilespmem:s0+$0x20]  }
0x339: {  	v3 =	vld [tilespmem:s12+$0x10]  }
0x33a: {  	v4 =	vld [tilespmem:$0x6150];
	_ =	sdelay $0x2  }
0x33b: {  	v1 =	vadd.f32 v2, v1  }
0x33c: {  	v2 =	vshll.u32 v3, $0x10  }
0x33d: {  	v1 =	vadd.f32 v2, v1;
	v2 =	vmul.f32 v4, v0;
	_ =	sdelay $0x1  }
0x33e: {  	v1 =	vadd.f32 v2, v1;
	_ =	sdelay $0x1  }
0x33f: {  	v1 =	vmax.f32 v1, $0.0e+00  }
0x340: {  	[tilespmem:s18+$0x20] =	vst v1  }
0x341: {  	v1 =	vld [tilespmem:s17+$0x30]  }
0x342: {  	v2 =	vld [tilespmem:s0+$0x30];
	_ =	sdelay $0x1  }
0x343: {  	v4 =	vld [tilespmem:$0x6160];
	_ =	sdelay $0x2  }
0x344: {  	v1 =	vadd.f32 v2, v1  }
0x345: {  	v2 =	vand.u32 $0xFFFF0000, v3  }
0x346: {  	v3 =	vmul.f32 v4, v0;
	v1 =	vadd.f32 v2, v1;
	_ =	sdelay $0x1  }
0x347: {  	v1 =	vadd.f32 v3, v1;
	_ =	sdelay $0x1  }
0x348: {  	v1 =	vmax.f32 v1, $0.0e+00  }
0x349: {  	[tilespmem:s18+$0x30] =	vst v1  }
0x34a: {  	v1 =	vld [tilespmem:s17+$0x40]  }
0x34b: {  	v3 =	vld [tilespmem:s0+$0x40]  }
0x34c: {  	v4 =	vld [tilespmem:s12+$0x20]  }
0x34d: {  	s19 =	simm.s32 $0x1;
	s1 =	simm.s32 $0x5410;
	v2 =	vld [tilespmem:$0x6170]  }
.LBB2_9:
0x34e: {  	s12 =	sadd.s32 $0x50, s12;
	s17 =	sadd.s32 $0x90, s17;
	s0 =	sadd.s32 $0x90, s0  }
0x34f: {  	p0 =	sne.s32 s19, $0x17;
	s2 =	smov.u32 s19;
	s19 =	sadd.s32 $0x1, s19  }
0x350: {  	v1 =	vadd.f32 v3, v1  }
0x351: {  	v3 =	vshll.u32 v4, $0x10  }
0x352: {  	v1 =	vadd.f32 v3, v1;
	v0 =	vmul.f32 v2, v0;
	_ =	sdelay $0x1  }
0x353: {  	v0 =	vadd.f32 v0, v1  }
0x354: {  	v1 =	vmov s2  }
0x355: {  	v0 =	vmax.f32 v0, $0.0e+00  }
0x356: {  	[tilespmem:s18+$0x40] =	vst v0;
	s18 =	smov.u32 s1  }
0x357: {  	v2 =	vld [tilespmem:s0+$0xFFFFFFC0]  }
0x358: {  	v3 =	vld [tilespmem:s12+$0xFFFFFFE0]  }
0x359: {  	v4 =	vld [tilespmem:s17+$0xFFFFFFC0]  }
0x35a: {  	v0 =	vld.idx.msk [tilespmem:v1+s25+$0x0], $0xffff  }
0x35b: {  	v1 =	vld [tilespmem:$0x60F0];
	_ =	sdelay $0x2  }
0x35c: {  	v5 =	vshll.u32 v3, $0x10;
	v2 =	vadd.f32 v2, v4;
	_ =	sdelay $0x1  }
0x35d: {  	v2 =	vadd.f32 v5, v2;
	v1 =	vmul.f32 v1, v0;
	_ =	sdelay $0x1  }
0x35e: {  	v1 =	vadd.f32 v1, v2;
	_ =	sdelay $0x1  }
0x35f: {  	v1 =	vmax.f32 v1, $0.0e+00  }
0x360: {  	[tilespmem:s1+$0xFFFFFFC0] =	vst v1  }
0x361: {  	v1 =	vld [tilespmem:s17+$0xFFFFFFD0]  }
0x362: {  	v2 =	vld [tilespmem:s0+$0xFFFFFFD0];
	_ =	sdelay $0x1  }
0x363: {  	v4 =	vld [tilespmem:$0x6100];
	_ =	sdelay $0x2  }
0x364: {  	v1 =	vadd.f32 v2, v1  }
0x365: {  	v2 =	vand.u32 $0xFFFF0000, v3  }
0x366: {  	v1 =	vadd.f32 v2, v1;
	v2 =	vmul.f32 v4, v0;
	_ =	sdelay $0x1  }
0x367: {  	v1 =	vadd.f32 v2, v1;
	_ =	sdelay $0x1  }
0x368: {  	v1 =	vmax.f32 v1, $0.0e+00  }
0x369: {  	[tilespmem:s1+$0xFFFFFFD0] =	vst v1  }
0x36a: {  	v1 =	vld [tilespmem:s17+$0xFFFFFFE0]  }
0x36b: {  	v2 =	vld [tilespmem:s0+$0xFFFFFFE0]  }
0x36c: {  	v3 =	vld [tilespmem:s12+$0xFFFFFFF0]  }
0x36d: {  	v4 =	vld [tilespmem:$0x6110];
	_ =	sdelay $0x2  }
0x36e: {  	v1 =	vadd.f32 v2, v1  }
0x36f: {  	v2 =	vshll.u32 v3, $0x10  }
0x370: {  	v1 =	vadd.f32 v2, v1;
	v2 =	vmul.f32 v4, v0;
	_ =	sdelay $0x1  }
0x371: {  	v1 =	vadd.f32 v2, v1;
	_ =	sdelay $0x1  }
0x372: {  	v1 =	vmax.f32 v1, $0.0e+00  }
0x373: {  	[tilespmem:s1+$0xFFFFFFE0] =	vst v1  }
0x374: {  	v1 =	vld [tilespmem:s17+$0xFFFFFFF0]  }
0x375: {  	v2 =	vld [tilespmem:s0+$0xFFFFFFF0];
	_ =	sdelay $0x1  }
0x376: {  	v4 =	vld [tilespmem:$0x6120];
	_ =	sdelay $0x2  }
0x377: {  	v1 =	vadd.f32 v2, v1  }
0x378: {  	v2 =	vand.u32 $0xFFFF0000, v3  }
0x379: {  	v1 =	vadd.f32 v2, v1;
	v2 =	vmul.f32 v4, v0;
	_ =	sdelay $0x1  }
0x37a: {  	v1 =	vadd.f32 v2, v1;
	_ =	sdelay $0x1  }
0x37b: {  	v1 =	vmax.f32 v1, $0.0e+00  }
0x37c: {  	[tilespmem:s1+$0xFFFFFFF0] =	vst v1  }
0x37d: {  	v1 =	vld [tilespmem:s17+$0x0]  }
0x37e: {  	v2 =	vld [tilespmem:s0+$0x0]  }
0x37f: {  	v3 =	vld [tilespmem:s12+$0x0]  }
0x380: {  	v4 =	vld [tilespmem:$0x6130];
	_ =	sdelay $0x2  }
0x381: {  	v1 =	vadd.f32 v2, v1  }
0x382: {  	v2 =	vshll.u32 v3, $0x10  }
0x383: {  	v1 =	vadd.f32 v2, v1;
	v2 =	vmul.f32 v4, v0;
	_ =	sdelay $0x1  }
0x384: {  	v1 =	vadd.f32 v2, v1;
	_ =	sdelay $0x1  }
0x385: {  	v1 =	vmax.f32 v1, $0.0e+00  }
0x386: {  	[tilespmem:s1+$0x0] =	vst v1  }
0x387: {  	v1 =	vld [tilespmem:s17+$0x10]  }
0x388: {  	v2 =	vld [tilespmem:s0+$0x10];
	_ =	sdelay $0x1  }
0x389: {  	v4 =	vld [tilespmem:$0x6140];
	_ =	sdelay $0x2  }
0x38a: {  	v1 =	vadd.f32 v2, v1  }
0x38b: {  	v2 =	vand.u32 $0xFFFF0000, v3  }
0x38c: {  	v1 =	vadd.f32 v2, v1;
	v2 =	vmul.f32 v4, v0;
	_ =	sdelay $0x1  }
0x38d: {  	v1 =	vadd.f32 v2, v1;
	_ =	sdelay $0x1  }
0x38e: {  	v1 =	vmax.f32 v1, $0.0e+00  }
0x38f: {  	[tilespmem:s1+$0x10] =	vst v1  }
0x390: {  	v1 =	vld [tilespmem:s17+$0x20]  }
0x391: {  	v2 =	vld [tilespmem:s0+$0x20]  }
0x392: {  	v3 =	vld [tilespmem:s12+$0x10]  }
0x393: {  	v4 =	vld [tilespmem:$0x6150];
	_ =	sdelay $0x2  }
0x394: {  	v1 =	vadd.f32 v2, v1  }
0x395: {  	v2 =	vshll.u32 v3, $0x10  }
0x396: {  	v1 =	vadd.f32 v2, v1;
	v2 =	vmul.f32 v4, v0;
	_ =	sdelay $0x1  }
0x397: {  	v1 =	vadd.f32 v2, v1;
	_ =	sdelay $0x1  }
0x398: {  	v1 =	vmax.f32 v1, $0.0e+00  }
0x399: {  	[tilespmem:s1+$0x20] =	vst v1  }
0x39a: {  	v1 =	vld [tilespmem:s17+$0x30]  }
0x39b: {  	v2 =	vld [tilespmem:s0+$0x30]  }
0x39c: {  	v4 =	vld [tilespmem:$0x6160];
	_ =	sdelay $0x3  }
0x39d: {  	v1 =	vadd.f32 v2, v1  }
0x39e: {  	v2 =	vand.u32 $0xFFFF0000, v3;
	v3 =	vmul.f32 v4, v0  }
0x39f: {  	v1 =	vadd.f32 v2, v1;
	_ =	sdelay $0x1  }
0x3a0: {  	v1 =	vadd.f32 v3, v1;
	_ =	sdelay $0x1  }
0x3a1: {  	v1 =	vmax.f32 v1, $0.0e+00  }
.Ltmp3:
0x3a2: {  	[tilespmem:s1+$0x30] =	vst v1;
	(pc) =	sbr.rel @p0 .LBB2_9-.Ltmp3, $4  }
0x3a3: {  	v1 =	vld [tilespmem:s17+$0x40]  }
0x3a4: {  	v3 =	vld [tilespmem:s0+$0x40]  }
0x3a5: {  	v4 =	vld [tilespmem:s12+$0x20]  }
0x3a6: {  	s1 =	sadd.s32 $0x90, s1;
	v2 =	vld [tilespmem:$0x6170]  }
0x3a7: {  	_ =	sdelay $0x1  }
0x3a8: {  	v1 =	vadd.f32 v3, v1  }
0x3a9: {  	v63 =	vshll.u32 v4, $0x10  }
0x3aa: {  	v1 =	vadd.f32 v63, v1;
	v0 =	vmul.f32 v2, v0;
	_ =	sdelay $0x1  }
0x3ab: {  	s31 =	sadd.s32 $0x1, s31;
	v0 =	vadd.f32 v0, v1  }
0x3ac: {  	p0 =	sne.s32 s31, $0x69  }
.Ltmp4:
0x3ad: {  	v0 =	vmax.f32 v0, $0.0e+00;
	(pc) =	sbr.rel @p0 .LBB2_2-.Ltmp4, $4  }
0x3ae: {  	s0 =	rddreg [dreg:$0x2];
	s1 =	simm.s32 $0x5340;
	[tilespmem:s18+$0x40] =	vst v0  }
0x3af: {  	[spmem:s0] =	stream.indirect.scatter.add.f32 [tilespmem:s1], [sflag:$0x8], $0x90, s16, s13, $0xb8;
	[tilespmem:$0x1D5F0] =	vst v63  }
0x3b0: {  	s24 =	rddreg [dreg:$0x3]  }
0x3b1: {  	[spmem:s24] =	stream.indirect.scatter.add.f32 [tilespmem:s11], [sflag:$0x8], $0x8, s16, s13, $0xb8;
	[tilespmem:$0x1D5F0] =	vst v63  }
0x3b2: {  	_ =	swait.ge [sflag:s29], $0xD80  }
0x3b3: {  	[sflag:s29] =	ssyncset.done $0x0  }
0x3b4: {  	[sflag:s29] =	ssyncadd.s32 $0xFFFFF280  }
0x3b5: {  	_ =	swait.ge [sflag:s29], $0xC0  }
0x3b6: {  	[sflag:s29] =	ssyncset.done $0x0  }
0x3b7: {  	[sflag:s29] =	ssyncadd.s32 $0xFFFFFF40  }
0x3b8: {  	_ =	swait.ge [sflag:s30], $0xD80  }
0x3b9: {  	[sflag:s30] =	ssyncset.done $0x0  }
0x3ba: {  	[sflag:s30] =	ssyncadd.s32 $0xFFFFF280  }
0x3bb: {  	_ =	swait.ge [sflag:s30], $0xC0  }
0x3bc: {  	[sflag:s30] =	ssyncset.done $0x0  }
0x3bd: {  	[sflag:s30] =	ssyncadd.s32 $0xFFFFFF40  }
0x3be: {  	[bflag:$0x0] =	sbarrier.arrive $0xFFFF  }
0x3bf: {  	s17 =	rddreg [dreg:$0xb]  }
0x3c0: {  	s0 =	rddreg [dreg:$0x13]  }
0x3c1: {  	s1 =	rddreg [dreg:$0x1b]  }
0x3c2: {  	[hbm:s0], [sflag:s17] =	dma.local [spmem:s1], $0x2C04  }
0x3c3: {  	s1 =	simm.s32 $0x9  }
0x3c4: {  	_ =	swait.ge [sflag:s1], $0x2C04  }
0x3c5: {  	[sflag:s1] =	ssyncset.done $0x0;
	s23 =	rddreg [dreg:$0x14]  }
0x3c6: {  	s2 =	rddreg [dreg:$0x1c];
	[sflag:s1] =	ssyncadd.s32 $0xFFFFD3FC  }
0x3c7: {  	[hbm:s23], [sflag:s17] =	dma.local [spmem:s2], $0x272  }
0x3c8: {  	_ =	swait.ge [sflag:s1], $0x272  }
0x3c9: {  	s24 =	rddreg [dreg:$0x1a]  }
0x3ca: {  	s31 =	rddreg [dreg:$0x15];
	s2 =	sadd.s32 $0x1, s24  }
0x3cb: {  	p0 =	sne.s32 s2, s31  }
.Ltmp5:
0x3cc: {  	_ = 	snop;
	(pc) =	sbr.rel @p0 .LBB2_1-.Ltmp5, $3  }
0x3cd: {  	_ =	sdelay $0x1  }
0x3ce: {  	[sflag:s1] =	ssyncset.done $0x0  }
0x3cf: {  	[sflag:s1] =	ssyncadd.s32 $0xFFFFFD8E  }
0x3d0: {  	_ =	sfence.sel $0x180000  }
0x3d1: {  	[bflag:$0x0] =	sbarrier.arrive $0xFFFF  }
0x3d2: {  	_ =	strace $0x9000004A  }
0x3d3: {  	s0 =	stileid.u32;
	[bflag:$0x2] =	sbarrier.arrive $0xFFFF  }
0x3d4: {  	p0 =	sne.s32 s0, $0x0;
	s0 =	rddreg [dreg:$0x4]  }
0x3d5: {  	s0 =	sadd.s32 @!p0 $0x100000, s0  }
0x3d6: {  	[sflag:s0] =	ssyncadd.tile.s32 @!p0 $0x1;
	_ =	shalt  }
.Lfunc_end2:
_tile_overlayer_lowered:
.L_overlay_start_2:
0x3d7: {  	(tag) =	ssettag $0x2  }
0x3d8: {  	s0 =	rddreg [dreg:$0x0];
	s2 =	stileid.u32  }
0x3d9: {  	s1 =	rddreg [dreg:$0x1];
	p0 =	sne.s32 s2, $0x0  }
0x3da: {  	s3 =	rddreg [dreg:$0x2];
	[bflag:$0x3] =	sbarrier.arrive $0xFFFF;
	s2 =	simm.s32 @!p0 $0x1C09  }
0x3db: {  	[timem:s3], [sflag:s2] =	dma.local @!p0 [hbm:s0], s1  }
0x3dc: {  	s0 =	simm.s32 @!p0 $0x9  }
0x3dd: {  	_ =	swait.ge @!p0 [sflag:s0], s1  }
0x3de: {  	s1 =	ssub.s32 @!p0 $0x0, s1;
	[sflag:s0] =	ssyncset.done @!p0 $0x0  }
0x3df: {  	[sflag:s0] =	ssyncadd.s32 @!p0 s1  }
0x3e0: {  	[bflag:$0x3] =	sbarrier.arrive $0xFFFF  }
0x3e1: {  	_ =	shalt  }

// kernel: sparse-core-data-format-call.cloned.1.call-start
scs
called_computation_lowered:
.L_overlay_start_0:
0x0: {  	s1 =	sld [smem:$0x3FD9]  }
0x1: {  	s2 =	sld [smem:$0x3FFE];
	_ =	sdelay $0x1  }
0x2: {  	s3 =	srdreg.scid  }
0x3: {  	s0 =	sand.u32 $0x1, s3  }
0x4: {  	s17 =	sshll.u32 s0, $0xA;
	s1 =	sadd.s32 s2, s1  }
0x5: {  	s1 =	sadd.s32 s1, s17  }
0x6: {  	[smem:$0x3FBA] =	sst s1  }
0x7: {  	_ = 	snop  }
0x8: {  	(tm) =	ssettm $0x1  }
0x9: {  	s18 =	sld [smem:$0x3FFB];
	_ =	sdelay $0x3  }
0xa: {  	_ =	strace s18  }
0xb: {  	s1 =	sld [smem:$0x3FFC];
	_ =	sdelay $0x3  }
0xc: {  	_ =	strace s1  }
0xd: {  	s1 =	sld [smem:$0x3FFD];
	_ =	sdelay $0x3  }
0xe: {  	_ =	strace s1  }
0xf: {  	_ =	strace $0x8FFFFFFF  }
0x10: {  	s19 =	sld [smem:$0x3FDB];
	_ =	sdelay $0x1  }
0x11: {  	s20 =	simm.s32 $_scs_section_size  }
0x12: {  	s4 =	simm.s32 $_size__tile_overlayer_lowered;
	s5 =	simm.s32 $_tile_overlayer_lowered  }
0x13: {  	s23 =	simm.s32 $0x1BFF;
	s22 =	sshll.u32 s5, $0x1;
	s1 =	sadd.s32 s20, s19  }
0x14: {  	s6 =	simm.s32 $0x0;
	s21 =	sshll.u32 s4, $0x1;
	s4 =	sadd.s32 s22, s1  }
0x15: {  	[timem:s6], [sflag:s23] =	dma.local [hbm:s4], s21  }
0x16: {  	_ =	swait.ge [sflag:s23], s21  }
0x17: {  	s2 =	ssub.s32 $0x0, s21;
	[sflag:s23] =	ssyncset.done $0x0  }
0x18: {  	[sflag:s23] =	ssyncadd.s32 s2;
	_ =	sdelay $0x1  }
0x19: {  	s24 =	simm.s32 $0x1B8B  }
0x1a: {  	_ =	swait.ge [sflag:s24], $0x1  }
0x1b: {  	[sflag:s24] =	ssyncset.done $0x0  }
0x1c: {  	s26 =	simm.s32 $0x1B8E;
	s25 =	sld [smem:$0x3FFE];
	[sflag:s24] =	ssyncadd.s32 $0xFFFFFFFF  }
0x1d: {  	s27 =	simm.s32 $execute0_lowered;
	[smem:$0x3FD2] =	sst s26  }
0x1e: {  	s4 =	sshll.u32 s27, $0x1;
	_ =	strace $0x80000046;
	[dreg:$0x1] =	wrdreg $0xFFFFFFFF  }
0x1f: {  	s28 =	simm.s32 $_size_execute0_lowered;
	s1 =	sadd.s32 s1, s4;
	[dreg:$0x0] =	wrdreg $0x0  }
0x20: {  	s4 =	sshll.u32 s28, $0x1;
	[dreg:$0x2] =	wrdreg s1  }
0x21: {  	[dreg:$0x3] =	wrdreg s4  }
0x22: {  	[dreg:$0x4] =	wrdreg $0xC0  }
0x23: {  	_ =	task [dreg:s6], $0x5FFFF  }
0x24: {  	[dreg:$0x1] =	wrdreg $0xFFFFFFFF  }
0x25: {  	[dreg:$0x0] =	wrdreg $0x60  }
0x26: {  	[dreg:$0x2] =	wrdreg s25  }
0x27: {  	[dreg:$0x3] =	wrdreg $0x9  }
0x28: {  	_ =	task.clear_ibuf [dreg:s6], $0x4FFFF;
	_ =	strace $0x90000046  }
0x29: {  	s29 =	simm.s32 $0x9;
	_ =	strace $0x80000048  }
0x2a: {  	_ =	swait.ge [sflag:s29], $0x1  }
0x2b: {  	[sflag:s29] =	ssyncadd.s32 $0xFFFFFFFF  }
0x2c: {  	_ =	strace $0x90000048  }
0x2d: {  	_ =	sfence  }
0x2e: {  	s30 =	sld [smem:$0x0];
	_ =	sdelay $0x2  }
0x2f: {  	s31 =	sshll.u32 s3, $0xD;
	s3 =	sshrl.u32 s3, $0x2  }
0x30: {  	s2 =	sand.u32 $0x4000, s31;
	s1 =	sadd.s32 s3, s30  }
0x31: {  	s0 =	sor.u32 s2, s0;
	s1 =	sshll.u32 s1, $0x11  }
0x32: {  	s0 =	sor.u32 s1, s0  }
0x33: {  	s0 =	sadd.s32 $0x8F2B, s0  }
0x34: {  	[sflag:s0] =	ssyncadd.remote.s32 $0x1  }
0x35: {  	_ =	sfence.sel $0xFFFF  }
0x36: {  	[dreg:$0x0] =	wrdreg $0xFFFFFFFF;
	(pc) =	sbr.abs _section_cstart, $3  }
0x37: {  	[dreg:$0x1] =	wrdreg $0xFFFFFFFF  }
0x38: {  	_ =	task.clear_ibuf [dreg:s6], $0x2FFFF;
	_ =	strace $0x9FFFFFFF  }
0x39: {  	(tm) =	ssettm $0x7FFFFFFF  }
tec
execute0_lowered:
.L_overlay_start_1:
0x0: {  	(tag) =	ssettag $0x1  }
0x1: {  	s0 =	srdreg.scid  }
0x2: {  	s1 =	sshll.u32 s0, $0x4  }
0x3: {  	s4 =	rddreg [dreg:$0x0];
	s0 =	stileid.u32;
	s1 =	sand.u32 $0x10, s1  }
0x4: {  	s7 =	simm.s32 $0x1;
	s8 =	simm.s32 $0x2;
	s2 =	sor.u32 s0, s1  }
0x5: {  	s9 =	simm.s32 $0x0;
	s12 =	simm.s32 $0x0;
	s2 =	sshll.u32 s2, $0x4  }
0x6: {  	s11 =	simm.s32 $0x0;
	s3 =	sadd.s32 $0x316800, s4;
	s6 =	ssub.s32 $0x6270, s2  }
.Ltmp0:
0x7: {  	s4 =	sadd.s32 $0x3000, s4;
	s5 =	sand.u32 $0x1F0, s6;
	(pc) =	sbr.rel .LBB1_1-.Ltmp0, $4  }
0x8: {  	s1 =	rddreg [dreg:$0x1];
	_ =	strace $0x80000047;
	p0 =	sne.s32 s5, $0x0  }
0x9: {  	s6 =	sshrl.u32 s6, $0x9;
	s5 =	simm.s32 $0x1;
	s7 =	simm.s32 @!p0 $0x0  }
0xa: {  	s10 =	smov.u32 s2;
	[sflag:s5] =	ssyncpa.u1 $0x0;
	s6 =	sadd.s32 s7, s6  }
0xb: {  	[sflag:s8] =	ssyncpa.u1 $0x0;
	s8 =	simm.s32 $0x0;
	s7 =	sadd.s32 $0x1, s6  }
.LBB1_7:
0xc: {  	s14 =	sadd.s32 $0x200, s10  }
0xd: {  	p1 =	sgt.s32 s14, $0x626F  }
0xe: {  	s14 =	smov.u32 @p1 s2;
	p1 =	sne.s32 s11, s7  }
.Ltmp1:
0xf: {  	p0 =	slt.u32 s11, $0x2;
	(pc) =	sbr.rel @!p1 .LBB1_8-.Ltmp1, $4  }
0x10: {  	s13 =	simm.s32 @!p0 $0x2  }
0x11: {  	s15 =	sadd.s32 $0x1, s11;
	_ =	swait.ge @!p0 [sflag:s13], $0x4000  }
0x12: {  	s12 =	smov.u32 s10;
	s9 =	sadd.s32 $0x8000, s9;
	[sflag:s13] =	ssyncset.done @!p0 $0x0  }
0x13: {  	s11 =	smov.u32 s15;
	s10 =	smov.u32 s14;
	[sflag:s13] =	ssyncadd.s32 @!p0 $0xFFFFC000  }
.LBB1_1:
0x14: {  	p0 =	sge.u32 s11, s6  }
0x15: {  	s13 =	sxor.u32 @!p0 $0xFFFFFFFF, s11  }
0x16: {  	s31 =	sadd.s32 $0xFFFFFFFF, s11;
	s14 =	sshll.u32 @!p0 s10, $0x7;
	s13 =	sshll.u32 @!p0 s13, $0xE  }
0x17: {  	s15 =	simm.s32 @!p0 $0x0;
	s14 =	sadd.s32 @!p0 s3, s14;
	s13 =	sand.u32 @!p0 $0x4000, s13  }
0x18: {  	[tilespmem:s13], [sflag:$0x1] =	stream.linear.gather @!p0 [hbm4b:s14+s15], $0x4000, $0x38;
	[tilespmem:$0x10000] =	vst v63  }
0x19: {  	p0 =	sge.u32 s31, s6  }
.Ltmp2:
0x1a: {  	_ = 	snop;
	(pc) =	sbr.rel @p0 .LBB1_7-.Ltmp2, $1  }
0x1b: {  	_ =	sdelay $0x3  }
0x1c: {  	s13 =	sshrl.u32 s9, $0x1;
	_ =	swait.ge [sflag:s5], $0x4000  }
0x1d: {  	s15 =	sshll.u32 s11, $0xE;
	s16 =	simm.s32 $0x0;
	s14 =	sand.u32 $0x4000, s13  }
0x1e: {  	[sflag:s5] =	ssyncset.done $0x0;
	s15 =	sand.u32 $0x4000, s15;
	s13 =	sor.u32 $0x200, s14  }
0x1f: {  	s14 =	sor.u32 $0x8080, s14;
	[sflag:s5] =	ssyncadd.s32 $0xFFFFC000;
	s15 =	sor.u32 $0x8000, s15  }
.LBB1_3:
0x20: {  	v0 =	vld [tilespmem:s13+$0xFFFFFE70]  }
0x21: {  	v1 =	vld [tilespmem:s13+$0x70]  }
0x22: {  	v2 =	vld [tilespmem:s13+$0x0]  }
0x23: {  	v3 =	vld [tilespmem:s13+$0xFFFFFE10]  }
0x24: {  	v4 =	vld [tilespmem:s13+$0x10]  }
0x25: {  	v5 =	vld [tilespmem:s13+$0xFFFFFE20]  }
0x26: {  	v7 =	vld [tilespmem:s13+$0x20]  }
0x27: {  	v11 =	vld [tilespmem:s13+$0x30];
	v6 =	vunpack.i.l.s16.s32 v0;
	v8 =	vunpack.i.u.s16.s32 v0;
	v9 =	vunpack.i.u.s16.s32 v1  }
0x28: {  	v10 =	vunpack.i.l.s16.s32 v1;
	v0 =	vunpack.i.u.s16.s32 v2;
	v1 =	vunpack.i.l.s16.s32 v2;
	v2 =	vld [tilespmem:s13+$0xFFFFFE30]  }
0x29: {  	v8 =	vpack.i.b32.b16 v9, v8;
	v9 =	vunpack.i.u.s16.s32 v3;
	v3 =	vunpack.i.l.s16.s32 v3  }
0x2a: {  	v12 =	vld [tilespmem:s13+$0xFFFFFE40];
	v6 =	vpack.i.b32.b16 v10, v6;
	[tilespmem:s14+$0x70] =	vst v8;
	v8 =	vunpack.i.u.s16.s32 v4;
	v4 =	vunpack.i.l.s16.s32 v4  }
0x2b: {  	v13 =	vld [tilespmem:s13+$0x40];
	v10 =	vunpack.i.u.s16.s32 v5;
	v5 =	vunpack.i.l.s16.s32 v5;
	[tilespmem:s14+$0xFFFFFFF0] =	vst v6;
	v3 =	vpack.i.b32.b16 v4, v3  }
0x2c: {  	v6 =	vunpack.i.l.s16.s32 v7;
	v4 =	vld [tilespmem:s13+$0xFFFFFE50];
	[tilespmem:s14+$0xFFFFFF90] =	vst v3;
	v3 =	vpack.i.b32.b16 v8, v9;
	v8 =	vunpack.i.u.s16.s32 v7  }
0x2d: {  	v7 =	vunpack.i.l.s16.s32 v11;
	[tilespmem:s14+$0x10] =	vst v3;
	v3 =	vpack.i.b32.b16 v6, v5;
	v9 =	vunpack.i.u.s16.s32 v2;
	v6 =	vld [tilespmem:s13+$0x50]  }
0x2e: {  	v5 =	vunpack.i.l.s16.s32 v2;
	v2 =	vld [tilespmem:s13+$0xFFFFFE60];
	[tilespmem:s14+$0xFFFFFFA0] =	vst v3;
	v3 =	vpack.i.b32.b16 v8, v10;
	v10 =	vunpack.i.u.s16.s32 v11  }
0x2f: {  	s19 =	simm.s32 $0x0;
	v11 =	vpack.i.b32.b16 v7, v5;
	v7 =	vunpack.i.u.s16.s32 v12;
	v8 =	vunpack.i.l.s16.s32 v12;
	[tilespmem:s14+$0x20] =	vst v3;
	v3 =	vld [tilespmem:s13+$0x60]  }
0x30: {  	s20 =	sadd.s32 $0x80, s13;
	s18 =	smov.u32 s14;
	s17 =	smov.u32 s14;
	v5 =	vld [tilespmem:s13+$0xFFFFFE00];
	[tilespmem:s14+$0xFFFFFFB0] =	vst v11;
	v10 =	vpack.i.b32.b16 v10, v9;
	v9 =	vunpack.i.u.s16.s32 v13;
	v11 =	vunpack.i.l.s16.s32 v13  }
.LBB1_4:
0x31: {  	v12 =	vld [tilespmem:s20+$0xFFFFFE70];
	[tilespmem:s18+$0x30] =	vst v10;
	v8 =	vpack.i.b32.b16 v11, v8;
	v10 =	vunpack.i.u.s16.s32 v4;
	v4 =	vunpack.i.l.s16.s32 v4  }
0x32: {  	s19 =	sadd.s32 $0x2, s19;
	v7 =	vpack.i.b32.b16 v9, v7;
	v11 =	vld [tilespmem:s20+$0x70];
	[tilespmem:s18+$0xFFFFFFC0] =	vst v8;
	v8 =	vunpack.i.u.s16.s32 v6;
	v6 =	vunpack.i.l.s16.s32 v6  }
0x33: {  	p0 =	slt.u32 s19, $0x6;
	v9 =	vld [tilespmem:s20+$0x0];
	[tilespmem:s18+$0x40] =	vst v7;
	v4 =	vpack.i.b32.b16 v6, v4;
	v6 =	vunpack.i.u.s16.s32 v2;
	v2 =	vunpack.i.l.s16.s32 v2  }
0x34: {  	v7 =	vld [tilespmem:s20+$0xFFFFFE10];
	[tilespmem:s18+$0xFFFFFFD0] =	vst v4;
	v4 =	vpack.i.b32.b16 v8, v10;
	v8 =	vunpack.i.u.s16.s32 v3;
	v3 =	vunpack.i.l.s16.s32 v3  }
0x35: {  	v10 =	vld [tilespmem:s20+$0x10];
	v13 =	vunpack.i.u.s16.s32 v5;
	v5 =	vunpack.i.l.s16.s32 v5;
	[tilespmem:s18+$0x50] =	vst v4;
	v2 =	vpack.i.b32.b16 v3, v2  }
0x36: {  	v3 =	vld [tilespmem:s20+$0xFFFFFE20];
	v4 =	vunpack.i.l.s16.s32 v12;
	v1 =	vpack.i.b32.b16 v1, v5;
	v5 =	vpack.i.b32.b16 v0, v13;
	[tilespmem:s18+$0xFFFFFFE0] =	vst v2  }
0x37: {  	v12 =	vunpack.i.u.s16.s32 v12;
	v2 =	vld [tilespmem:s20+$0x20];
	v13 =	vunpack.i.u.s16.s32 v11;
	v11 =	vunpack.i.l.s16.s32 v11;
	[tilespmem:s18+$0xFFFFFF80] =	vst v1  }
0x38: {  	s18 =	sadd.s32 $0x100, s18;
	v0 =	vunpack.i.u.s16.s32 v9;
	v1 =	vunpack.i.l.s16.s32 v9;
	v9 =	vld [tilespmem:s20+$0xFFFFFE30];
	v12 =	vpack.i.b32.b16 v13, v12;
	[tilespmem:s17+$0x0] =	vst v5  }
0x39: {  	v6 =	vpack.i.b32.b16 v8, v6;
	v5 =	vunpack.i.u.s16.s32 v7;
	v7 =	vunpack.i.l.s16.s32 v7;
	v13 =	vld [tilespmem:s20+$0x30];
	[tilespmem:s18+$0x70] =	vst v12  }
0x3a: {  	v4 =	vpack.i.b32.b16 v11, v4;
	v8 =	vunpack.i.u.s16.s32 v10;
	v10 =	vunpack.i.l.s16.s32 v10;
	v12 =	vld [tilespmem:s20+$0xFFFFFE40];
	[tilespmem:s17+$0x60] =	vst v6;
	s17 =	smov.u32 s18  }
0x3b: {  	v6 =	vpack.i.b32.b16 v10, v7;
	v7 =	vunpack.i.u.s16.s32 v3;
	v3 =	vunpack.i.l.s16.s32 v3;
	v11 =	vld [tilespmem:s20+$0x40];
	[tilespmem:s18+$0xFFFFFFF0] =	vst v4  }
.Ltmp3:
0x3c: {  	v5 =	vpack.i.b32.b16 v8, v5;
	[tilespmem:s18+$0xFFFFFF90] =	vst v6;
	v8 =	vunpack.i.u.s16.s32 v2;
	v2 =	vunpack.i.l.s16.s32 v2;
	v4 =	vld [tilespmem:s20+$0xFFFFFE50];
	(pc) =	sbr.rel @p0 .LBB1_4-.Ltmp3, $4  }
0x3d: {  	[tilespmem:s18+$0x10] =	vst v5;
	v2 =	vpack.i.b32.b16 v2, v3;
	v10 =	vunpack.i.u.s16.s32 v9;
	v3 =	vunpack.i.l.s16.s32 v9;
	v6 =	vld [tilespmem:s20+$0x50]  }
0x3e: {  	v5 =	vpack.i.b32.b16 v8, v7;
	[tilespmem:s18+$0xFFFFFFA0] =	vst v2;
	v9 =	vunpack.i.u.s16.s32 v13;
	v7 =	vunpack.i.l.s16.s32 v13;
	v2 =	vld [tilespmem:s20+$0xFFFFFE60]  }
0x3f: {  	[tilespmem:s18+$0x20] =	vst v5;
	v13 =	vpack.i.b32.b16 v7, v3;
	v7 =	vunpack.i.u.s16.s32 v12;
	v8 =	vunpack.i.l.s16.s32 v12;
	v3 =	vld [tilespmem:s20+$0x60]  }
0x40: {  	v10 =	vpack.i.b32.b16 v9, v10;
	v5 =	vld [tilespmem:s20+$0xFFFFFE00];
	[tilespmem:s18+$0xFFFFFFB0] =	vst v13;
	v9 =	vunpack.i.u.s16.s32 v11;
	v11 =	vunpack.i.l.s16.s32 v11;
	s20 =	sadd.s32 $0x80, s20  }
0x41: {  	[tilespmem:s18+$0x30] =	vst v10;
	v8 =	vpack.i.b32.b16 v11, v8  }
0x42: {  	v51 =	vunpack.i.l.s16.s32 v4;
	v7 =	vpack.i.b32.b16 v9, v7;
	[tilespmem:s18+$0xFFFFFFC0] =	vst v8;
	v52 =	vunpack.i.l.s16.s32 v6  }
0x43: {  	v53 =	vunpack.i.u.s16.s32 v4;
	s16 =	sadd.s32 $0x1, s16;
	v54 =	vunpack.i.u.s16.s32 v6;
	[tilespmem:s18+$0x40] =	vst v7;
	v55 =	vpack.i.b32.b16 v52, v51  }
0x44: {  	p0 =	sne.s32 s16, $0x10;
	v56 =	vunpack.i.l.s16.s32 v2;
	v4 =	vpack.i.b32.b16 v54, v53;
	[tilespmem:s18+$0xFFFFFFD0] =	vst v55;
	v57 =	vunpack.i.l.s16.s32 v3  }
.Ltmp4:
0x45: {  	[tilespmem:s18+$0x50] =	vst v4;
	v58 =	vunpack.i.l.s16.s32 v5;
	v59 =	vpack.i.b32.b16 v57, v56;
	(pc) =	sbr.rel @p0 .LBB1_3-.Ltmp4, $4  }
0x46: {  	v61 =	vunpack.i.u.s16.s32 v2;
	v62 =	vunpack.i.u.s16.s32 v3;
	v1 =	vpack.i.b32.b16 v1, v58;
	[tilespmem:s18+$0xFFFFFFE0] =	vst v59  }
0x47: {  	v60 =	vunpack.i.u.s16.s32 v5;
	v63 =	vpack.i.b32.b16 v62, v61;
	[tilespmem:s18+$0xFFFFFF80] =	vst v1  }
0x48: {  	v0 =	vpack.i.b32.b16 v0, v60;
	[tilespmem:s17+$0x60] =	vst v63  }
0x49: {  	s13 =	sadd.s32 $0x400, s13;
	s14 =	sadd.s32 $0x400, s14;
	[tilespmem:s17+$0x0] =	vst v0  }
.Ltmp5:
0x4a: {  	(pc) =	sbr.rel .LBB1_7-.Ltmp5, $4  }
0x4b: {  	_ = 	snop  }
0x4c: {  	s12 =	sshll.u32 s12, $0x7  }
0x4d: {  	s12 =	sadd.s32 s4, s12  }
0x4e: {  	[hbm4b:s12+s8] =	stream.linear.scatter [tilespmem:s15], [sflag:$0x2], $0x4000, $0x38;
	[tilespmem:$0x10000] =	vst v63  }
.LBB1_8:
0x4f: {  	_ =	sfence.sel $0x180000  }
0x50: {  	s2 =	simm.s32 $0x1;
	[bflag:$0x0] =	sbarrier.arrive $0xFFFF  }
0x51: {  	s31 =	simm.s32 $0x2;
	[sflag:s2] =	ssyncpa.u1 $0x1  }
0x52: {  	[sflag:s31] =	ssyncpa.u1 $0x1  }
0x53: {  	p0 =	sne.s32 s0, $0x0;
	_ =	strace $0x90000047  }
0x54: {  	s0 =	sadd.s32 @!p0 $0x100000, s1;
	[bflag:$0x2] =	sbarrier.arrive $0xFFFF  }
0x55: {  	[sflag:s0] =	ssyncadd.tile.s32 @!p0 $0x1;
	_ =	shalt  }
.Lfunc_end1:
_tile_overlayer_lowered:
.L_overlay_start_2:
0x56: {  	(tag) =	ssettag $0x2  }
0x57: {  	s0 =	rddreg [dreg:$0x0];
	s2 =	stileid.u32  }
0x58: {  	s1 =	rddreg [dreg:$0x1];
	p0 =	sne.s32 s2, $0x0  }
0x59: {  	s3 =	rddreg [dreg:$0x2];
	[bflag:$0x3] =	sbarrier.arrive $0xFFFF;
	s2 =	simm.s32 @!p0 $0x1C01  }
0x5a: {  	[timem:s3], [sflag:s2] =	dma.local @!p0 [hbm:s0], s1  }
0x5b: {  	s0 =	simm.s32 @!p0 $0x1  }
0x5c: {  	_ =	swait.ge @!p0 [sflag:s0], s1  }
0x5d: {  	s1 =	ssub.s32 @!p0 $0x0, s1;
	[sflag:s0] =	ssyncset.done @!p0 $0x0  }
0x5e: {  	[sflag:s0] =	ssyncadd.s32 @!p0 s1  }
0x5f: {  	[bflag:$0x3] =	sbarrier.arrive $0xFFFF  }
0x60: {  	_ =	shalt  }

</sc_bundles>
